<compile_context>
chip_gen: v7x
topology: tpu7x:2x2x1
jax: 0.10.2.dev20260603
libtpu: 0.0.44.dev20260713+nightly
codegen_flags: <defaults>
</compile_context>

<pallas_src>
import functools

import jax
import jax.numpy as jnp
from jax import lax
from jax.experimental import pallas as pl
from jax.experimental.pallas import tpu as pltpu
from jax.experimental.pallas import tpu_sc as plsc

_N_RAYS = 100000

_NC, _NS = 2, 16
_NW = _NC * _NS

_WC = 125
_CH = 16 * _WC
_WINS = 100
_TILE_SAMP = _WINS * _CH
_UNROLL = 5

_ACC = 102656
_DUMMY = _ACC - 1
_SROWS = 896


def _sc_partial_sums(idx1d, w1d):
    assert idx1d.shape[0] == _NW * _TILE_SAMP
    assert _WC % _UNROLL == 0

    mesh = plsc.VectorSubcoreMesh(core_axis_name="c", subcore_axis_name="s")

    @functools.partial(
        pl.kernel,
        out_type=jax.ShapeDtypeStruct((_NC, _SROWS, 128), jnp.float32),
        mesh=mesh,
        compiler_params=pltpu.CompilerParams(needs_layout_passes=False),
        scratch_types=[
            pltpu.VMEM((3 * _CH,), jnp.int32),
            pltpu.VMEM((3 * _CH,), jnp.float32),
            pltpu.VMEM((_ACC // 128, 128), jnp.float32),
            pltpu.VMEM((16,), jnp.int32),
            pltpu.VMEM_SHARED((_SROWS, 128), jnp.float32),
            pltpu.SemaphoreType.DMA((3,)),
        ],
    )
    def k(idx_hbm, w_hbm, out_hbm, ibuf, wbuf, acc, tailbuf, spacc, sem):
        c = lax.axis_index("c")
        s = lax.axis_index("s")
        tid = c * _NS + s
        tbase = tid * _TILE_SAMP

        lane_id = lax.iota(jnp.int32, 16)
        zeros16 = jnp.zeros((16,), jnp.float32)
        dummy16 = jnp.full((16,), _DUMMY, jnp.int32)

        def issue(w, p):
            base = tbase + w * _CH
            pltpu.make_async_copy(idx_hbm.at[pl.ds(base, _CH)],
                                  ibuf.at[pl.ds(p * _CH, _CH)],
                                  sem.at[p]).start()
            pltpu.make_async_copy(w_hbm.at[pl.ds(base, _CH)],
                                  wbuf.at[pl.ds(p * _CH, _CH)],
                                  sem.at[p]).start()

        def wait_win(w, p):
            base = tbase + w * _CH
            pltpu.make_async_copy(idx_hbm.at[pl.ds(base, _CH)],
                                  ibuf.at[pl.ds(p * _CH, _CH)],
                                  sem.at[p]).wait()
            pltpu.make_async_copy(w_hbm.at[pl.ds(base, _CH)],
                                  wbuf.at[pl.ds(p * _CH, _CH)],
                                  sem.at[p]).wait()

        def run_window(p, wc):
            lane_off = lane_id * wc + p * _CH

            def step_block(i, carry):
                cur, accv, base = carry
                t = i * _UNROLL
                loaded = []
                for u in range(_UNROLL):
                    ivec = lane_off + (t + u)
                    loaded.append((plsc.load_gather(ibuf, [ivec]),
                                   plsc.load_gather(wbuf, [ivec])))
                for idxv, wvv in loaded:
                    m = idxv != cur
                    plsc.addupdate_scatter(
                        acc,
                        [lax.shift_right_logical(cur, 7),
                         lax.bitwise_and(cur, 127)],
                        accv - base, mask=m)
                    base = jnp.where(m, accv, base)
                    accv = accv + wvv
                    cur = idxv
                return cur, accv, base

            cur, accv, base = lax.fori_loop(0, wc // _UNROLL, step_block,
                                            (dummy16, zeros16, zeros16))
            row = lax.shift_right_logical(cur, 7)
            col = lax.bitwise_and(cur, 127)
            for i in range(16):
                plsc.addupdate_scatter(acc, [row, col], accv - base,
                                       mask=lane_id == i)

        issue(0, 0)
        issue(1, 1)
        pltpu.sync_copy(idx_hbm.at[pl.ds(tbase + _TILE_SAMP - 16, 16)],
                        tailbuf)
        wait_win(0, 0)
        lo = ibuf[pl.ds(0, 16)][0]
        hi = tailbuf[...][15]
        r0 = lax.shift_right_logical(lo, 7)
        r1 = lax.shift_right_logical(hi, 7)
        cnt = lax.shift_right_logical(r1 - r0, 4) + 1

        def zchunk(k_, _):
            rb = r0 + k_ * 16
            for r in range(16):
                for u in range(8):
                    acc[rb + r, pl.ds(u * 16, 16)] = zeros16
            return 0

        lax.fori_loop(0, cnt, zchunk, 0)

        for k_ in range(4):
            pltpu.sync_copy(acc.at[pl.ds(r0, 14)],
                            spacc.at[pl.ds(s * 56 + k_ * 14, 14)])
        plsc.subcore_barrier()

        issue(2, 2)
        run_window(0, _WC)

        def wloop(w, _):
            p = w % 3
            wait_win(w, p)

            @pl.when(w + 2 < _WINS)
            def _():
                issue(w + 2, (w + 2) % 3)

            run_window(p, _WC)
            return 0

        lax.fori_loop(1, _WINS, wloop, 0)

        def mchunk(k_, _):
            rb = r0 + k_ * 16
            rowvec = lane_id + rb
            pltpu.sync_copy(acc.at[pl.ds(rb, 16)], spacc.at[rowvec], add=True)
            return 0

        lax.fori_loop(0, cnt, mchunk, 0)
        plsc.subcore_barrier()

        pltpu.sync_copy(spacc.at[pl.ds(s * 56, 56)],
                        out_hbm.at[c, pl.ds(s * 56, 56)])

    return k(idx1d, w1d)


def _combine_body(p_ref, o_ref):
    o_ref[...] = jnp.clip(jnp.sum(p_ref[...], axis=0), 0.0, 1.0)


def kernel(weights, ray_indices, num_rays):
    del num_rays
    idx = ray_indices.astype(jnp.int32)
    w = weights.astype(jnp.float32)

    partial = _sc_partial_sums(idx, w)

    out = pl.pallas_call(
        _combine_body,
        out_shape=jax.ShapeDtypeStruct((_SROWS, 128), jnp.float32),
    )(partial)
    return out.reshape(_SROWS * 128)[:_N_RAYS][:, None]

# --- scband reference (transcript-rebuilt; emitter-appended) ---
"""Pipeline reference for scband-accumulation-renderer-11484742549535 (READ-ONLY COPY).

The authoritative reference and input builder live on the scoring server;
editing this copy changes nothing except your own understanding.
"""

import jax, jax.numpy as jnp
import numpy as np

N_SAMPLES = 6400000
N_RAYS = 100000

def setup_inputs(seed: int = 0) -> dict:
    key = jax.random.key(seed)
    k1, k2 = jax.random.split(key)
    weights = jax.random.uniform(k1, (N_SAMPLES,), dtype=jnp.float32)
    ray_indices = jnp.sort(jax.random.randint(k2, (N_SAMPLES,), 0, N_RAYS, dtype=jnp.int64))
    return {"weights": weights, "ray_indices": ray_indices, "num_rays": N_RAYS}

def reference(weights, ray_indices, num_rays):
    # nerfacc.accumulate_along_rays(weights, ray_indices, values=None, n_rays):
    #   src = weights[..., None]; outputs = zeros(n_rays, 1).index_add_(0, ray_indices, src)
    src = weights[..., None]
    accumulation = jax.ops.segment_sum(src, ray_indices, num_segments=N_RAYS)
    accumulation = accumulation + jnp.zeros((), accumulation.dtype) * num_rays
    # torch code clamps to [0, 1] when out of range; clamp is identity otherwise,
    # so an unconditional clamp is mathematically faithful.
    accumulation = jnp.clip(accumulation, 0.0, 1.0)
    return accumulation

if __name__ == "__main__":
    import jax
    _d = setup_inputs()
    print(jax.jit(kernel)(*tuple(_d.values())))

</pallas_src>

<mosaic_0001>
#map = affine_map<(d0, d1) -> (0)>
#map1 = affine_map<(d0, d1) -> (0, 0, 0)>
module attributes {stable_mosaic.version = 14 : i64} {
  func.func @k(%arg0: i32, %arg1: i32, %arg2: memref<6400000xi32, #tpu.memory_space<hbm>>, %arg3: memref<6400000xf32, #tpu.memory_space<hbm>>, %arg4: memref<2x896x128xf32, #tpu.memory_space<hbm>>, %arg5: memref<6000xi32, #tpu.memory_space<vmem>>, %arg6: memref<6000xf32, #tpu.memory_space<vmem>>, %arg7: memref<802x128xf32, #tpu.memory_space<vmem>>, %arg8: memref<16xi32, #tpu.memory_space<vmem>>, %arg9: memref<896x128xf32, #tpu.memory_space<vmem_shared>>, %arg10: memref<3x!tpu.dma_semaphore, #tpu.memory_space<semaphore_mem>>) attributes {dimension_semantics = [#tpu.dimension_semantics<core_parallel>, #tpu.dimension_semantics<subcore_parallel>], iteration_bounds = array<i64: 2, 16>, scalar_prefetch = 0 : i64, scratch_operands = 6 : i64, tpu.core_type = #tpu.core_type<sc_vector_subcore>, window_params = [{transform_indices = #map}, {transform_indices = #map}, {transform_indices = #map1}]} {
    %mul3A = arith.constant 16 : i32
    %mul3A_0 = arith.muli %arg0, %mul3A : i32
    %add3A = arith.addi %mul3A_0, %arg1 : i32
    %mul3A_1 = arith.constant 200000 : i32
    %mul3A_2 = arith.muli %add3A, %mul3A_1 : i32
    %iota3A = tpu.iota {dimensions = array<i32: 0>} : vector<16xi32>
    %broadcast_in_dim3A = arith.constant 0.000000e+00 : f32
    %broadcast_in_dim3A_3 = vector.broadcast %broadcast_in_dim3A : f32 to vector<16xf32>
    %broadcast_in_dim3A_4 = arith.constant 102655 : i32
    %broadcast_in_dim3A_5 = vector.broadcast %broadcast_in_dim3A_4 : i32 to vector<16xi32>
    %add3A_6 = arith.constant 0 : i32
    %add3A_7 = arith.addi %mul3A_2, %add3A_6 : i32
    %dma_start3A = arith.constant 0 : i32
    %dma_start3A_8 = arith.constant 0 : i32
    %dma_start3A_9 = tpu.memref_slice %arg5[%dma_start3A_8] : memref<6000xi32, #tpu.memory_space<vmem>> -> memref<2000xi32, #tpu.memory_space<vmem>>
    %dma_start3A_10 = tpu.memref_slice %arg2[%add3A_7] : memref<6400000xi32, #tpu.memory_space<hbm>> -> memref<2000xi32, #tpu.memory_space<hbm>>
    %dma_start3A_11 = tpu.memref_slice %arg10[%dma_start3A] : memref<3x!tpu.dma_semaphore, #tpu.memory_space<semaphore_mem>> -> memref<1x!tpu.dma_semaphore, #tpu.memory_space<semaphore_mem>>
    %dma_start3A_12 = tpu.memref_squeeze %dma_start3A_11 : memref<1x!tpu.dma_semaphore, #tpu.memory_space<semaphore_mem>> -> memref<!tpu.dma_semaphore, #tpu.memory_space<semaphore_mem>>
    %dma_start3A_13 = arith.constant 0 : i32
    %dma_start3A_14 = tpu.memref_slice %arg5[%dma_start3A_13] : memref<6000xi32, #tpu.memory_space<vmem>> -> memref<2000xi32, #tpu.memory_space<vmem>>
    %dma_start3A_15 = tpu.memref_slice %arg2[%add3A_7] : memref<6400000xi32, #tpu.memory_space<hbm>> -> memref<2000xi32, #tpu.memory_space<hbm>>
    tpu.enqueue_dma source(%dma_start3A_15 : memref<2000xi32, #tpu.memory_space<hbm>>) target(%dma_start3A_14 : memref<2000xi32, #tpu.memory_space<vmem>>) target_semaphore(%dma_start3A_12 : memref<!tpu.dma_semaphore, #tpu.memory_space<semaphore_mem>>)
    %dma_start3A_16 = arith.constant 0 : i32
    %dma_start3A_17 = arith.constant 0 : i32
    %dma_start3A_18 = tpu.memref_slice %arg6[%dma_start3A_17] : memref<6000xf32, #tpu.memory_space<vmem>> -> memref<2000xf32, #tpu.memory_space<vmem>>
    %dma_start3A_19 = tpu.memref_slice %arg3[%add3A_7] : memref<6400000xf32, #tpu.memory_space<hbm>> -> memref<2000xf32, #tpu.memory_space<hbm>>
    %dma_start3A_20 = tpu.memref_slice %arg10[%dma_start3A_16] : memref<3x!tpu.dma_semaphore, #tpu.memory_space<semaphore_mem>> -> memref<1x!tpu.dma_semaphore, #tpu.memory_space<semaphore_mem>>
    %dma_start3A_21 = tpu.memref_squeeze %dma_start3A_20 : memref<1x!tpu.dma_semaphore, #tpu.memory_space<semaphore_mem>> -> memref<!tpu.dma_semaphore, #tpu.memory_space<semaphore_mem>>
    %dma_start3A_22 = arith.constant 0 : i32
    %dma_start3A_23 = tpu.memref_slice %arg6[%dma_start3A_22] : memref<6000xf32, #tpu.memory_space<vmem>> -> memref<2000xf32, #tpu.memory_space<vmem>>
    %dma_start3A_24 = tpu.memref_slice %arg3[%add3A_7] : memref<6400000xf32, #tpu.memory_space<hbm>> -> memref<2000xf32, #tpu.memory_space<hbm>>
    tpu.enqueue_dma source(%dma_start3A_24 : memref<2000xf32, #tpu.memory_space<hbm>>) target(%dma_start3A_23 : memref<2000xf32, #tpu.memory_space<vmem>>) target_semaphore(%dma_start3A_21 : memref<!tpu.dma_semaphore, #tpu.memory_space<semaphore_mem>>)
    %add3A_25 = arith.constant 2000 : i32
    %add3A_26 = arith.addi %mul3A_2, %add3A_25 : i32
    %dma_start3A_27 = arith.constant 1 : i32
    %dma_start3A_28 = arith.constant 2000 : i32
    %dma_start3A_29 = tpu.memref_slice %arg5[%dma_start3A_28] : memref<6000xi32, #tpu.memory_space<vmem>> -> memref<2000xi32, #tpu.memory_space<vmem>>
    %dma_start3A_30 = tpu.memref_slice %arg2[%add3A_26] : memref<6400000xi32, #tpu.memory_space<hbm>> -> memref<2000xi32, #tpu.memory_space<hbm>>
    %dma_start3A_31 = tpu.memref_slice %arg10[%dma_start3A_27] : memref<3x!tpu.dma_semaphore, #tpu.memory_space<semaphore_mem>> -> memref<1x!tpu.dma_semaphore, #tpu.memory_space<semaphore_mem>>
    %dma_start3A_32 = tpu.memref_squeeze %dma_start3A_31 : memref<1x!tpu.dma_semaphore, #tpu.memory_space<semaphore_mem>> -> memref<!tpu.dma_semaphore, #tpu.memory_space<semaphore_mem>>
    %dma_start3A_33 = arith.constant 2000 : i32
    %dma_start3A_34 = tpu.memref_slice %arg5[%dma_start3A_33] : memref<6000xi32, #tpu.memory_space<vmem>> -> memref<2000xi32, #tpu.memory_space<vmem>>
    %dma_start3A_35 = tpu.memref_slice %arg2[%add3A_26] : memref<6400000xi32, #tpu.memory_space<hbm>> -> memref<2000xi32, #tpu.memory_space<hbm>>
    tpu.enqueue_dma source(%dma_start3A_35 : memref<2000xi32, #tpu.memory_space<hbm>>) target(%dma_start3A_34 : memref<2000xi32, #tpu.memory_space<vmem>>) target_semaphore(%dma_start3A_32 : memref<!tpu.dma_semaphore, #tpu.memory_space<semaphore_mem>>)
    %dma_start3A_36 = arith.constant 1 : i32
    %dma_start3A_37 = arith.constant 2000 : i32
    %dma_start3A_38 = tpu.memref_slice %arg6[%dma_start3A_37] : memref<6000xf32, #tpu.memory_space<vmem>> -> memref<2000xf32, #tpu.memory_space<vmem>>
    %dma_start3A_39 = tpu.memref_slice %arg3[%add3A_26] : memref<6400000xf32, #tpu.memory_space<hbm>> -> memref<2000xf32, #tpu.memory_space<hbm>>
    %dma_start3A_40 = tpu.memref_slice %arg10[%dma_start3A_36] : memref<3x!tpu.dma_semaphore, #tpu.memory_space<semaphore_mem>> -> memref<1x!tpu.dma_semaphore, #tpu.memory_space<semaphore_mem>>
    %dma_start3A_41 = tpu.memref_squeeze %dma_start3A_40 : memref<1x!tpu.dma_semaphore, #tpu.memory_space<semaphore_mem>> -> memref<!tpu.dma_semaphore, #tpu.memory_space<semaphore_mem>>
    %dma_start3A_42 = arith.constant 2000 : i32
    %dma_start3A_43 = tpu.memref_slice %arg6[%dma_start3A_42] : memref<6000xf32, #tpu.memory_space<vmem>> -> memref<2000xf32, #tpu.memory_space<vmem>>
    %dma_start3A_44 = tpu.memref_slice %arg3[%add3A_26] : memref<6400000xf32, #tpu.memory_space<hbm>> -> memref<2000xf32, #tpu.memory_space<hbm>>
    tpu.enqueue_dma source(%dma_start3A_44 : memref<2000xf32, #tpu.memory_space<hbm>>) target(%dma_start3A_43 : memref<2000xf32, #tpu.memory_space<vmem>>) target_semaphore(%dma_start3A_41 : memref<!tpu.dma_semaphore, #tpu.memory_space<semaphore_mem>>)
    %add3A_45 = arith.constant 200000 : i32
    %add3A_46 = arith.addi %mul3A_2, %add3A_45 : i32
    %sub3A = arith.constant 16 : i32
    %sub3A_47 = arith.subi %add3A_46, %sub3A : i32
    "tpu.region"() ({
      %run_scoped3A = tpu.sem_alloc : memref<!tpu.dma_semaphore, #tpu.memory_space<semaphore_mem>>
      %dma_start3A_230 = tpu.memref_slice %arg2[%sub3A_47] : memref<6400000xi32, #tpu.memory_space<hbm>> -> memref<16xi32, #tpu.memory_space<hbm>>
      %dma_start3A_231 = tpu.memref_slice %arg2[%sub3A_47] : memref<6400000xi32, #tpu.memory_space<hbm>> -> memref<16xi32, #tpu.memory_space<hbm>>
      tpu.enqueue_dma source(%dma_start3A_231 : memref<16xi32, #tpu.memory_space<hbm>>) target(%arg8 : memref<16xi32, #tpu.memory_space<vmem>>) target_semaphore(%run_scoped3A : memref<!tpu.dma_semaphore, #tpu.memory_space<semaphore_mem>>)
      %dma_wait3A_232 = tpu.memref_slice %arg2[%sub3A_47] : memref<6400000xi32, #tpu.memory_space<hbm>> -> memref<16xi32, #tpu.memory_space<hbm>>
      %dma_wait3A_233 = tpu.memref_slice %arg2[%sub3A_47] : memref<6400000xi32, #tpu.memory_space<hbm>> -> memref<16xi32, #tpu.memory_space<hbm>>
      tpu.wait_dma2 semaphore(%run_scoped3A : memref<!tpu.dma_semaphore, #tpu.memory_space<semaphore_mem>>) src(%dma_wait3A_233 : memref<16xi32, #tpu.memory_space<hbm>>) dst(%arg8 : memref<16xi32, #tpu.memory_space<vmem>>)
      tpu.yield
    }) : () -> ()
    %add3A_48 = arith.constant 0 : i32
    %add3A_49 = arith.addi %mul3A_2, %add3A_48 : i32
    %dma_wait3A = arith.constant 0 : i32
    %dma_wait3A_50 = arith.constant 0 : i32
    %dma_wait3A_51 = tpu.memref_slice %arg5[%dma_wait3A_50] : memref<6000xi32, #tpu.memory_space<vmem>> -> memref<2000xi32, #tpu.memory_space<vmem>>
    %dma_wait3A_52 = tpu.memref_slice %arg2[%add3A_49] : memref<6400000xi32, #tpu.memory_space<hbm>> -> memref<2000xi32, #tpu.memory_space<hbm>>
    %dma_wait3A_53 = tpu.memref_slice %arg10[%dma_wait3A] : memref<3x!tpu.dma_semaphore, #tpu.memory_space<semaphore_mem>> -> memref<1x!tpu.dma_semaphore, #tpu.memory_space<semaphore_mem>>
    %dma_wait3A_54 = tpu.memref_squeeze %dma_wait3A_53 : memref<1x!tpu.dma_semaphore, #tpu.memory_space<semaphore_mem>> -> memref<!tpu.dma_semaphore, #tpu.memory_space<semaphore_mem>>
    %dma_wait3A_55 = arith.constant 0 : i32
    %dma_wait3A_56 = tpu.memref_slice %arg5[%dma_wait3A_55] : memref<6000xi32, #tpu.memory_space<vmem>> -> memref<2000xi32, #tpu.memory_space<vmem>>
    %dma_wait3A_57 = tpu.memref_slice %arg2[%add3A_49] : memref<6400000xi32, #tpu.memory_space<hbm>> -> memref<2000xi32, #tpu.memory_space<hbm>>
    tpu.wait_dma2 semaphore(%dma_wait3A_54 : memref<!tpu.dma_semaphore, #tpu.memory_space<semaphore_mem>>) src(%dma_wait3A_57 : memref<2000xi32, #tpu.memory_space<hbm>>) dst(%dma_wait3A_56 : memref<2000xi32, #tpu.memory_space<vmem>>)
    %dma_wait3A_58 = arith.constant 0 : i32
    %dma_wait3A_59 = arith.constant 0 : i32
    %dma_wait3A_60 = tpu.memref_slice %arg6[%dma_wait3A_59] : memref<6000xf32, #tpu.memory_space<vmem>> -> memref<2000xf32, #tpu.memory_space<vmem>>
    %dma_wait3A_61 = tpu.memref_slice %arg3[%add3A_49] : memref<6400000xf32, #tpu.memory_space<hbm>> -> memref<2000xf32, #tpu.memory_space<hbm>>
    %dma_wait3A_62 = tpu.memref_slice %arg10[%dma_wait3A_58] : memref<3x!tpu.dma_semaphore, #tpu.memory_space<semaphore_mem>> -> memref<1x!tpu.dma_semaphore, #tpu.memory_space<semaphore_mem>>
    %dma_wait3A_63 = tpu.memref_squeeze %dma_wait3A_62 : memref<1x!tpu.dma_semaphore, #tpu.memory_space<semaphore_mem>> -> memref<!tpu.dma_semaphore, #tpu.memory_space<semaphore_mem>>
    %dma_wait3A_64 = arith.constant 0 : i32
    %dma_wait3A_65 = tpu.memref_slice %arg6[%dma_wait3A_64] : memref<6000xf32, #tpu.memory_space<vmem>> -> memref<2000xf32, #tpu.memory_space<vmem>>
    %dma_wait3A_66 = tpu.memref_slice %arg3[%add3A_49] : memref<6400000xf32, #tpu.memory_space<hbm>> -> memref<2000xf32, #tpu.memory_space<hbm>>
    tpu.wait_dma2 semaphore(%dma_wait3A_63 : memref<!tpu.dma_semaphore, #tpu.memory_space<semaphore_mem>>) src(%dma_wait3A_66 : memref<2000xf32, #tpu.memory_space<hbm>>) dst(%dma_wait3A_65 : memref<2000xf32, #tpu.memory_space<vmem>>)
    %get3A = arith.constant 0 : index
    %get3A_67 = tpu.vector_load %arg5[%get3A] {strides = array<i32>} : memref<6000xi32, #tpu.memory_space<vmem>>, vector<16xi32>,
    %slice3A = vector.extract_strided_slice %get3A_67 {offsets = [0], sizes = [1], strides = [1]} : vector<16xi32> to vector<1xi32>
    %squeeze3A = vector.extract %slice3A[0] : i32 from vector<1xi32>
    %get3A_68 = arith.constant 0 : index
    %get3A_69 = tpu.vector_load %arg8[%get3A_68] {strides = array<i32>} : memref<16xi32, #tpu.memory_space<vmem>>, vector<16xi32>,
    %slice3A_70 = vector.extract_strided_slice %get3A_69 {offsets = [15], sizes = [1], strides = [1]} : vector<16xi32> to vector<1xi32>
    %squeeze3A_71 = vector.extract %slice3A_70[0] : i32 from vector<1xi32>
    %shift_right_logical3A = arith.constant 7 : i32
    %shift_right_logical3A_72 = arith.shrui %squeeze3A, %shift_right_logical3A : i32
    %shift_right_logical3A_73 = arith.constant 7 : i32
    %shift_right_logical3A_74 = arith.shrui %squeeze3A_71, %shift_right_logical3A_73 : i32
    %sub3A_75 = arith.subi %shift_right_logical3A_74, %shift_right_logical3A_72 : i32
    %shift_right_logical3A_76 = arith.constant 4 : i32
    %shift_right_logical3A_77 = arith.shrui %sub3A_75, %shift_right_logical3A_76 : i32
    %add3A_78 = arith.constant 1 : i32
    %add3A_79 = arith.addi %shift_right_logical3A_77, %add3A_78 : i32
    %while3A = arith.constant 0 : i32
    %while3A_80 = arith.constant 0 : i32
    %while3A_81 = arith.subi %add3A_79, %while3A : i32
    %while3A_82 = arith.addi %while3A, %while3A_81 : i32
    %while3A_83 = arith.constant 1 : i32
    %while3A_84 = arith.divsi %while3A_81, %while3A_83 : i32
    %while3A_85 = arith.muli %while3A_84, %while3A_83 : i32
    %while3A_86 = arith.addi %while3A, %while3A_85 : i32
    %while3A_87 = arith.constant 1 : i32
    %while3A_88 = scf.for %while3A_230 = %while3A to %while3A_86 step %while3A_87 iter_args(%while3A_231 = %while3A_80) -> (i32)  : i32 {
      %mul3A_232 = arith.constant 16 : i32
      %mul3A_233 = arith.muli %while3A_230, %mul3A_232 : i32
      %add3A_234 = arith.addi %shift_right_logical3A_72, %mul3A_233 : i32
      %add3A_235 = arith.constant 0 : i32
      %add3A_236 = arith.addi %add3A_234, %add3A_235 : i32
      %swap3A = arith.index_cast %add3A_236 : i32 to index
      %swap3A_237 = arith.constant 0 : index
      %swap3A_238 = tpu.vector_load %arg7[%swap3A, %swap3A_237] {strides = array<i32>} : memref<802x128xf32, #tpu.memory_space<vmem>>, vector<16xf32>,
      tpu.vector_store %arg7[%swap3A, %swap3A_237], %broadcast_in_dim3A_3 {strides = array<i32>} : memref<802x128xf32, #tpu.memory_space<vmem>>, vector<16xf32>,
      %add3A_239 = arith.constant 0 : i32
      %add3A_240 = arith.addi %add3A_234, %add3A_239 : i32
      %swap3A_241 = arith.index_cast %add3A_240 : i32 to index
      %swap3A_242 = arith.constant 16 : index
      %swap3A_243 = tpu.vector_load %arg7[%swap3A_241, %swap3A_242] {strides = array<i32>} : memref<802x128xf32, #tpu.memory_space<vmem>>, vector<16xf32>,
      tpu.vector_store %arg7[%swap3A_241, %swap3A_242], %broadcast_in_dim3A_3 {strides = array<i32>} : memref<802x128xf32, #tpu.memory_space<vmem>>, vector<16xf32>,
      %add3A_244 = arith.constant 0 : i32
      %add3A_245 = arith.addi %add3A_234, %add3A_244 : i32
      %swap3A_246 = arith.index_cast %add3A_245 : i32 to index
      %swap3A_247 = arith.constant 32 : index
      %swap3A_248 = tpu.vector_load %arg7[%swap3A_246, %swap3A_247] {strides = array<i32>} : memref<802x128xf32, #tpu.memory_space<vmem>>, vector<16xf32>,
      tpu.vector_store %arg7[%swap3A_246, %swap3A_247], %broadcast_in_dim3A_3 {strides = array<i32>} : memref<802x128xf32, #tpu.memory_space<vmem>>, vector<16xf32>,
      %add3A_249 = arith.constant 0 : i32
      %add3A_250 = arith.addi %add3A_234, %add3A_249 : i32
      %swap3A_251 = arith.index_cast %add3A_250 : i32 to index
      %swap3A_252 = arith.constant 48 : index
      %swap3A_253 = tpu.vector_load %arg7[%swap3A_251, %swap3A_252] {strides = array<i32>} : memref<802x128xf32, #tpu.memory_space<vmem>>, vector<16xf32>,
      tpu.vector_store %arg7[%swap3A_251, %swap3A_252], %broadcast_in_dim3A_3 {strides = array<i32>} : memref<802x128xf32, #tpu.memory_space<vmem>>, vector<16xf32>,
      %add3A_254 = arith.constant 0 : i32
      %add3A_255 = arith.addi %add3A_234, %add3A_254 : i32
      %swap3A_256 = arith.index_cast %add3A_255 : i32 to index
      %swap3A_257 = arith.constant 64 : index
      %swap3A_258 = tpu.vector_load %arg7[%swap3A_256, %swap3A_257] {strides = array<i32>} : memref<802x128xf32, #tpu.memory_space<vmem>>, vector<16xf32>,
      tpu.vector_store %arg7[%swap3A_256, %swap3A_257], %broadcast_in_dim3A_3 {strides = array<i32>} : memref<802x128xf32, #tpu.memory_space<vmem>>, vector<16xf32>,
      %add3A_259 = arith.constant 0 : i32
      %add3A_260 = arith.addi %add3A_234, %add3A_259 : i32
      %swap3A_261 = arith.index_cast %add3A_260 : i32 to index
      %swap3A_262 = arith.constant 80 : index
      %swap3A_263 = tpu.vector_load %arg7[%swap3A_261, %swap3A_262] {strides = array<i32>} : memref<802x128xf32, #tpu.memory_space<vmem>>, vector<16xf32>,
      tpu.vector_store %arg7[%swap3A_261, %swap3A_262], %broadcast_in_dim3A_3 {strides = array<i32>} : memref<802x128xf32, #tpu.memory_space<vmem>>, vector<16xf32>,
      %add3A_264 = arith.constant 0 : i32
      %add3A_265 = arith.addi %add3A_234, %add3A_264 : i32
      %swap3A_266 = arith.index_cast %add3A_265 : i32 to index
      %swap3A_267 = arith.constant 96 : index
      %swap3A_268 = tpu.vector_load %arg7[%swap3A_266, %swap3A_267] {strides = array<i32>} : memref<802x128xf32, #tpu.memory_space<vmem>>, vector<16xf32>,
      tpu.vector_store %arg7[%swap3A_266, %swap3A_267], %broadcast_in_dim3A_3 {strides = array<i32>} : memref<802x128xf32, #tpu.memory_space<vmem>>, vector<16xf32>,
      %add3A_269 = arith.constant 0 : i32
      %add3A_270 = arith.addi %add3A_234, %add3A_269 : i32
      %swap3A_271 = arith.index_cast %add3A_270 : i32 to index
      %swap3A_272 = arith.constant 112 : index
      %swap3A_273 = tpu.vector_load %arg7[%swap3A_271, %swap3A_272] {strides = array<i32>} : memref<802x128xf32, #tpu.memory_space<vmem>>, vector<16xf32>,
      tpu.vector_store %arg7[%swap3A_271, %swap3A_272], %broadcast_in_dim3A_3 {strides = array<i32>} : memref<802x128xf32, #tpu.memory_space<vmem>>, vector<16xf32>,
      %add3A_274 = arith.constant 1 : i32
      %add3A_275 = arith.addi %add3A_234, %add3A_274 : i32
      %swap3A_276 = arith.index_cast %add3A_275 : i32 to index
      %swap3A_277 = arith.constant 0 : index
      %swap3A_278 = tpu.vector_load %arg7[%swap3A_276, %swap3A_277] {strides = array<i32>} : memref<802x128xf32, #tpu.memory_space<vmem>>, vector<16xf32>,
      tpu.vector_store %arg7[%swap3A_276, %swap3A_277], %broadcast_in_dim3A_3 {strides = array<i32>} : memref<802x128xf32, #tpu.memory_space<vmem>>, vector<16xf32>,
      %add3A_279 = arith.constant 1 : i32
      %add3A_280 = arith.addi %add3A_234, %add3A_279 : i32
      %swap3A_281 = arith.index_cast %add3A_280 : i32 to index
      %swap3A_282 = arith.constant 16 : index
      %swap3A_283 = tpu.vector_load %arg7[%swap3A_281, %swap3A_282] {strides = array<i32>} : memref<802x128xf32, #tpu.memory_space<vmem>>, vector<16xf32>,
      tpu.vector_store %arg7[%swap3A_281, %swap3A_282], %broadcast_in_dim3A_3 {strides = array<i32>} : memref<802x128xf32, #tpu.memory_space<vmem>>, vector<16xf32>,
      %add3A_284 = arith.constant 1 : i32
      %add3A_285 = arith.addi %add3A_234, %add3A_284 : i32
      %swap3A_286 = arith.index_cast %add3A_285 : i32 to index
      %swap3A_287 = arith.constant 32 : index
      %swap3A_288 = tpu.vector_load %arg7[%swap3A_286, %swap3A_287] {strides = array<i32>} : memref<802x128xf32, #tpu.memory_space<vmem>>, vector<16xf32>,
      tpu.vector_store %arg7[%swap3A_286, %swap3A_287], %broadcast_in_dim3A_3 {strides = array<i32>} : memref<802x128xf32, #tpu.memory_space<vmem>>, vector<16xf32>,
      %add3A_289 = arith.constant 1 : i32
      %add3A_290 = arith.addi %add3A_234, %add3A_289 : i32
      %swap3A_291 = arith.index_cast %add3A_290 : i32 to index
      %swap3A_292 = arith.constant 48 : index
      %swap3A_293 = tpu.vector_load %arg7[%swap3A_291, %swap3A_292] {strides = array<i32>} : memref<802x128xf32, #tpu.memory_space<vmem>>, vector<16xf32>,
      tpu.vector_store %arg7[%swap3A_291, %swap3A_292], %broadcast_in_dim3A_3 {strides = array<i32>} : memref<802x128xf32, #tpu.memory_space<vmem>>, vector<16xf32>,
      %add3A_294 = arith.constant 1 : i32
      %add3A_295 = arith.addi %add3A_234, %add3A_294 : i32
      %swap3A_296 = arith.index_cast %add3A_295 : i32 to index
      %swap3A_297 = arith.constant 64 : index
      %swap3A_298 = tpu.vector_load %arg7[%swap3A_296, %swap3A_297] {strides = array<i32>} : memref<802x128xf32, #tpu.memory_space<vmem>>, vector<16xf32>,
      tpu.vector_store %arg7[%swap3A_296, %swap3A_297], %broadcast_in_dim3A_3 {strides = array<i32>} : memref<802x128xf32, #tpu.memory_space<vmem>>, vector<16xf32>,
      %add3A_299 = arith.constant 1 : i32
      %add3A_300 = arith.addi %add3A_234, %add3A_299 : i32
      %swap3A_301 = arith.index_cast %add3A_300 : i32 to index
      %swap3A_302 = arith.constant 80 : index
      %swap3A_303 = tpu.vector_load %arg7[%swap3A_301, %swap3A_302] {strides = array<i32>} : memref<802x128xf32, #tpu.memory_space<vmem>>, vector<16xf32>,
      tpu.vector_store %arg7[%swap3A_301, %swap3A_302], %broadcast_in_dim3A_3 {strides = array<i32>} : memref<802x128xf32, #tpu.memory_space<vmem>>, vector<16xf32>,
      %add3A_304 = arith.constant 1 : i32
      %add3A_305 = arith.addi %add3A_234, %add3A_304 : i32
      %swap3A_306 = arith.index_cast %add3A_305 : i32 to index
      %swap3A_307 = arith.constant 96 : index
      %swap3A_308 = tpu.vector_load %arg7[%swap3A_306, %swap3A_307] {strides = array<i32>} : memref<802x128xf32, #tpu.memory_space<vmem>>, vector<16xf32>,
      tpu.vector_store %arg7[%swap3A_306, %swap3A_307], %broadcast_in_dim3A_3 {strides = array<i32>} : memref<802x128xf32, #tpu.memory_space<vmem>>, vector<16xf32>,
      %add3A_309 = arith.constant 1 : i32
      %add3A_310 = arith.addi %add3A_234, %add3A_309 : i32
      %swap3A_311 = arith.index_cast %add3A_310 : i32 to index
      %swap3A_312 = arith.constant 112 : index
      %swap3A_313 = tpu.vector_load %arg7[%swap3A_311, %swap3A_312] {strides = array<i32>} : memref<802x128xf32, #tpu.memory_space<vmem>>, vector<16xf32>,
      tpu.vector_store %arg7[%swap3A_311, %swap3A_312], %broadcast_in_dim3A_3 {strides = array<i32>} : memref<802x128xf32, #tpu.memory_space<vmem>>, vector<16xf32>,
      %add3A_314 = arith.constant 2 : i32
      %add3A_315 = arith.addi %add3A_234, %add3A_314 : i32
      %swap3A_316 = arith.index_cast %add3A_315 : i32 to index
      %swap3A_317 = arith.constant 0 : index
      %swap3A_318 = tpu.vector_load %arg7[%swap3A_316, %swap3A_317] {strides = array<i32>} : memref<802x128xf32, #tpu.memory_space<vmem>>, vector<16xf32>,
      tpu.vector_store %arg7[%swap3A_316, %swap3A_317], %broadcast_in_dim3A_3 {strides = array<i32>} : memref<802x128xf32, #tpu.memory_space<vmem>>, vector<16xf32>,
      %add3A_319 = arith.constant 2 : i32
      %add3A_320 = arith.addi %add3A_234, %add3A_319 : i32
      %swap3A_321 = arith.index_cast %add3A_320 : i32 to index
      %swap3A_322 = arith.constant 16 : index
      %swap3A_323 = tpu.vector_load %arg7[%swap3A_321, %swap3A_322] {strides = array<i32>} : memref<802x128xf32, #tpu.memory_space<vmem>>, vector<16xf32>,
      tpu.vector_store %arg7[%swap3A_321, %swap3A_322], %broadcast_in_dim3A_3 {strides = array<i32>} : memref<802x128xf32, #tpu.memory_space<vmem>>, vector<16xf32>,
      %add3A_324 = arith.constant 2 : i32
      %add3A_325 = arith.addi %add3A_234, %add3A_324 : i32
      %swap3A_326 = arith.index_cast %add3A_325 : i32 to index
      %swap3A_327 = arith.constant 32 : index
      %swap3A_328 = tpu.vector_load %arg7[%swap3A_326, %swap3A_327] {strides = array<i32>} : memref<802x128xf32, #tpu.memory_space<vmem>>, vector<16xf32>,
      tpu.vector_store %arg7[%swap3A_326, %swap3A_327], %broadcast_in_dim3A_3 {strides = array<i32>} : memref<802x128xf32, #tpu.memory_space<vmem>>, vector<16xf32>,
      %add3A_329 = arith.constant 2 : i32
      %add3A_330 = arith.addi %add3A_234, %add3A_329 : i32
      %swap3A_331 = arith.index_cast %add3A_330 : i32 to index
      %swap3A_332 = arith.constant 48 : index
      %swap3A_333 = tpu.vector_load %arg7[%swap3A_331, %swap3A_332] {strides = array<i32>} : memref<802x128xf32, #tpu.memory_space<vmem>>, vector<16xf32>,
      tpu.vector_store %arg7[%swap3A_331, %swap3A_332], %broadcast_in_dim3A_3 {strides = array<i32>} : memref<802x128xf32, #tpu.memory_space<vmem>>, vector<16xf32>,
      %add3A_334 = arith.constant 2 : i32
      %add3A_335 = arith.addi %add3A_234, %add3A_334 : i32
      %swap3A_336 = arith.index_cast %add3A_335 : i32 to index
      %swap3A_337 = arith.constant 64 : index
      %swap3A_338 = tpu.vector_load %arg7[%swap3A_336, %swap3A_337] {strides = array<i32>} : memref<802x128xf32, #tpu.memory_space<vmem>>, vector<16xf32>,
      tpu.vector_store %arg7[%swap3A_336, %swap3A_337], %broadcast_in_dim3A_3 {strides = array<i32>} : memref<802x128xf32, #tpu.memory_space<vmem>>, vector<16xf32>,
      %add3A_339 = arith.constant 2 : i32
      %add3A_340 = arith.addi %add3A_234, %add3A_339 : i32
      %swap3A_341 = arith.index_cast %add3A_340 : i32 to index
      %swap3A_342 = arith.constant 80 : index
      %swap3A_343 = tpu.vector_load %arg7[%swap3A_341, %swap3A_342] {strides = array<i32>} : memref<802x128xf32, #tpu.memory_space<vmem>>, vector<16xf32>,
      tpu.vector_store %arg7[%swap3A_341, %swap3A_342], %broadcast_in_dim3A_3 {strides = array<i32>} : memref<802x128xf32, #tpu.memory_space<vmem>>, vector<16xf32>,
      %add3A_344 = arith.constant 2 : i32
      %add3A_345 = arith.addi %add3A_234, %add3A_344 : i32
      %swap3A_346 = arith.index_cast %add3A_345 : i32 to index
      %swap3A_347 = arith.constant 96 : index
      %swap3A_348 = tpu.vector_load %arg7[%swap3A_346, %swap3A_347] {strides = array<i32>} : memref<802x128xf32, #tpu.memory_space<vmem>>, vector<16xf32>,
      tpu.vector_store %arg7[%swap3A_346, %swap3A_347], %broadcast_in_dim3A_3 {strides = array<i32>} : memref<802x128xf32, #tpu.memory_space<vmem>>, vector<16xf32>,
      %add3A_349 = arith.constant 2 : i32
      %add3A_350 = arith.addi %add3A_234, %add3A_349 : i32
      %swap3A_351 = arith.index_cast %add3A_350 : i32 to index
      %swap3A_352 = arith.constant 112 : index
      %swap3A_353 = tpu.vector_load %arg7[%swap3A_351, %swap3A_352] {strides = array<i32>} : memref<802x128xf32, #tpu.memory_space<vmem>>, vector<16xf32>,
      tpu.vector_store %arg7[%swap3A_351, %swap3A_352], %broadcast_in_dim3A_3 {strides = array<i32>} : memref<802x128xf32, #tpu.memory_space<vmem>>, vector<16xf32>,
      %add3A_354 = arith.constant 3 : i32
      %add3A_355 = arith.addi %add3A_234, %add3A_354 : i32
      %swap3A_356 = arith.index_cast %add3A_355 : i32 to index
      %swap3A_357 = arith.constant 0 : index
      %swap3A_358 = tpu.vector_load %arg7[%swap3A_356, %swap3A_357] {strides = array<i32>} : memref<802x128xf32, #tpu.memory_space<vmem>>, vector<16xf32>,
      tpu.vector_store %arg7[%swap3A_356, %swap3A_357], %broadcast_in_dim3A_3 {strides = array<i32>} : memref<802x128xf32, #tpu.memory_space<vmem>>, vector<16xf32>,
      %add3A_359 = arith.constant 3 : i32
      %add3A_360 = arith.addi %add3A_234, %add3A_359 : i32
      %swap3A_361 = arith.index_cast %add3A_360 : i32 to index
      %swap3A_362 = arith.constant 16 : index
      %swap3A_363 = tpu.vector_load %arg7[%swap3A_361, %swap3A_362] {strides = array<i32>} : memref<802x128xf32, #tpu.memory_space<vmem>>, vector<16xf32>,
      tpu.vector_store %arg7[%swap3A_361, %swap3A_362], %broadcast_in_dim3A_3 {strides = array<i32>} : memref<802x128xf32, #tpu.memory_space<vmem>>, vector<16xf32>,
      %add3A_364 = arith.constant 3 : i32
      %add3A_365 = arith.addi %add3A_234, %add3A_364 : i32
      %swap3A_366 = arith.index_cast %add3A_365 : i32 to index
      %swap3A_367 = arith.constant 32 : index
      %swap3A_368 = tpu.vector_load %arg7[%swap3A_366, %swap3A_367] {strides = array<i32>} : memref<802x128xf32, #tpu.memory_space<vmem>>, vector<16xf32>,
      tpu.vector_store %arg7[%swap3A_366, %swap3A_367], %broadcast_in_dim3A_3 {strides = array<i32>} : memref<802x128xf32, #tpu.memory_space<vmem>>, vector<16xf32>,
      %add3A_369 = arith.constant 3 : i32
      %add3A_370 = arith.addi %add3A_234, %add3A_369 : i32
      %swap3A_371 = arith.index_cast %add3A_370 : i32 to index
      %swap3A_372 = arith.constant 48 : index
      %swap3A_373 = tpu.vector_load %arg7[%swap3A_371, %swap3A_372] {strides = array<i32>} : memref<802x128xf32, #tpu.memory_space<vmem>>, vector<16xf32>,
      tpu.vector_store %arg7[%swap3A_371, %swap3A_372], %broadcast_in_dim3A_3 {strides = array<i32>} : memref<802x128xf32, #tpu.memory_space<vmem>>, vector<16xf32>,
      %add3A_374 = arith.constant 3 : i32
      %add3A_375 = arith.addi %add3A_234, %add3A_374 : i32
      %swap3A_376 = arith.index_cast %add3A_375 : i32 to index
      %swap3A_377 = arith.constant 64 : index
      %swap3A_378 = tpu.vector_load %arg7[%swap3A_376, %swap3A_377] {strides = array<i32>} : memref<802x128xf32, #tpu.memory_space<vmem>>, vector<16xf32>,
      tpu.vector_store %arg7[%swap3A_376, %swap3A_377], %broadcast_in_dim3A_3 {strides = array<i32>} : memref<802x128xf32, #tpu.memory_space<vmem>>, vector<16xf32>,
      %add3A_379 = arith.constant 3 : i32
      %add3A_380 = arith.addi %add3A_234, %add3A_379 : i32
      %swap3A_381 = arith.index_cast %add3A_380 : i32 to index
      %swap3A_382 = arith.constant 80 : index
      %swap3A_383 = tpu.vector_load %arg7[%swap3A_381, %swap3A_382] {strides = array<i32>} : memref<802x128xf32, #tpu.memory_space<vmem>>, vector<16xf32>,
      tpu.vector_store %arg7[%swap3A_381, %swap3A_382], %broadcast_in_dim3A_3 {strides = array<i32>} : memref<802x128xf32, #tpu.memory_space<vmem>>, vector<16xf32>,
      %add3A_384 = arith.constant 3 : i32
      %add3A_385 = arith.addi %add3A_234, %add3A_384 : i32
      %swap3A_386 = arith.index_cast %add3A_385 : i32 to index
      %swap3A_387 = arith.constant 96 : index
      %swap3A_388 = tpu.vector_load %arg7[%swap3A_386, %swap3A_387] {strides = array<i32>} : memref<802x128xf32, #tpu.memory_space<vmem>>, vector<16xf32>,
      tpu.vector_store %arg7[%swap3A_386, %swap3A_387], %broadcast_in_dim3A_3 {strides = array<i32>} : memref<802x128xf32, #tpu.memory_space<vmem>>, vector<16xf32>,
      %add3A_389 = arith.constant 3 : i32
      %add3A_390 = arith.addi %add3A_234, %add3A_389 : i32
      %swap3A_391 = arith.index_cast %add3A_390 : i32 to index
      %swap3A_392 = arith.constant 112 : index
      %swap3A_393 = tpu.vector_load %arg7[%swap3A_391, %swap3A_392] {strides = array<i32>} : memref<802x128xf32, #tpu.memory_space<vmem>>, vector<16xf32>,
      tpu.vector_store %arg7[%swap3A_391, %swap3A_392], %broadcast_in_dim3A_3 {strides = array<i32>} : memref<802x128xf32, #tpu.memory_space<vmem>>, vector<16xf32>,
      %add3A_394 = arith.constant 4 : i32
      %add3A_395 = arith.addi %add3A_234, %add3A_394 : i32
      %swap3A_396 = arith.index_cast %add3A_395 : i32 to index
      %swap3A_397 = arith.constant 0 : index
      %swap3A_398 = tpu.vector_load %arg7[%swap3A_396, %swap3A_397] {strides = array<i32>} : memref<802x128xf32, #tpu.memory_space<vmem>>, vector<16xf32>,
      tpu.vector_store %arg7[%swap3A_396, %swap3A_397], %broadcast_in_dim3A_3 {strides = array<i32>} : memref<802x128xf32, #tpu.memory_space<vmem>>, vector<16xf32>,
      %add3A_399 = arith.constant 4 : i32
      %add3A_400 = arith.addi %add3A_234, %add3A_399 : i32
      %swap3A_401 = arith.index_cast %add3A_400 : i32 to index
      %swap3A_402 = arith.constant 16 : index
      %swap3A_403 = tpu.vector_load %arg7[%swap3A_401, %swap3A_402] {strides = array<i32>} : memref<802x128xf32, #tpu.memory_space<vmem>>, vector<16xf32>,
      tpu.vector_store %arg7[%swap3A_401, %swap3A_402], %broadcast_in_dim3A_3 {strides = array<i32>} : memref<802x128xf32, #tpu.memory_space<vmem>>, vector<16xf32>,
      %add3A_404 = arith.constant 4 : i32
      %add3A_405 = arith.addi %add3A_234, %add3A_404 : i32
      %swap3A_406 = arith.index_cast %add3A_405 : i32 to index
      %swap3A_407 = arith.constant 32 : index
      %swap3A_408 = tpu.vector_load %arg7[%swap3A_406, %swap3A_407] {strides = array<i32>} : memref<802x128xf32, #tpu.memory_space<vmem>>, vector<16xf32>,
      tpu.vector_store %arg7[%swap3A_406, %swap3A_407], %broadcast_in_dim3A_3 {strides = array<i32>} : memref<802x128xf32, #tpu.memory_space<vmem>>, vector<16xf32>,
      %add3A_409 = arith.constant 4 : i32
      %add3A_410 = arith.addi %add3A_234, %add3A_409 : i32
      %swap3A_411 = arith.index_cast %add3A_410 : i32 to index
      %swap3A_412 = arith.constant 48 : index
      %swap3A_413 = tpu.vector_load %arg7[%swap3A_411, %swap3A_412] {strides = array<i32>} : memref<802x128xf32, #tpu.memory_space<vmem>>, vector<16xf32>,
      tpu.vector_store %arg7[%swap3A_411, %swap3A_412], %broadcast_in_dim3A_3 {strides = array<i32>} : memref<802x128xf32, #tpu.memory_space<vmem>>, vector<16xf32>,
      %add3A_414 = arith.constant 4 : i32
      %add3A_415 = arith.addi %add3A_234, %add3A_414 : i32
      %swap3A_416 = arith.index_cast %add3A_415 : i32 to index
      %swap3A_417 = arith.constant 64 : index
      %swap3A_418 = tpu.vector_load %arg7[%swap3A_416, %swap3A_417] {strides = array<i32>} : memref<802x128xf32, #tpu.memory_space<vmem>>, vector<16xf32>,
      tpu.vector_store %arg7[%swap3A_416, %swap3A_417], %broadcast_in_dim3A_3 {strides = array<i32>} : memref<802x128xf32, #tpu.memory_space<vmem>>, vector<16xf32>,
      %add3A_419 = arith.constant 4 : i32
      %add3A_420 = arith.addi %add3A_234, %add3A_419 : i32
      %swap3A_421 = arith.index_cast %add3A_420 : i32 to index
      %swap3A_422 = arith.constant 80 : index
      %swap3A_423 = tpu.vector_load %arg7[%swap3A_421, %swap3A_422] {strides = array<i32>} : memref<802x128xf32, #tpu.memory_space<vmem>>, vector<16xf32>,
      tpu.vector_store %arg7[%swap3A_421, %swap3A_422], %broadcast_in_dim3A_3 {strides = array<i32>} : memref<802x128xf32, #tpu.memory_space<vmem>>, vector<16xf32>,
      %add3A_424 = arith.constant 4 : i32
      %add3A_425 = arith.addi %add3A_234, %add3A_424 : i32
      %swap3A_426 = arith.index_cast %add3A_425 : i32 to index
      %swap3A_427 = arith.constant 96 : index
      %swap3A_428 = tpu.vector_load %arg7[%swap3A_426, %swap3A_427] {strides = array<i32>} : memref<802x128xf32, #tpu.memory_space<vmem>>, vector<16xf32>,
      tpu.vector_store %arg7[%swap3A_426, %swap3A_427], %broadcast_in_dim3A_3 {strides = array<i32>} : memref<802x128xf32, #tpu.memory_space<vmem>>, vector<16xf32>,
      %add3A_429 = arith.constant 4 : i32
      %add3A_430 = arith.addi %add3A_234, %add3A_429 : i32
      %swap3A_431 = arith.index_cast %add3A_430 : i32 to index
      %swap3A_432 = arith.constant 112 : index
      %swap3A_433 = tpu.vector_load %arg7[%swap3A_431, %swap3A_432] {strides = array<i32>} : memref<802x128xf32, #tpu.memory_space<vmem>>, vector<16xf32>,
      tpu.vector_store %arg7[%swap3A_431, %swap3A_432], %broadcast_in_dim3A_3 {strides = array<i32>} : memref<802x128xf32, #tpu.memory_space<vmem>>, vector<16xf32>,
      %add3A_434 = arith.constant 5 : i32
      %add3A_435 = arith.addi %add3A_234, %add3A_434 : i32
      %swap3A_436 = arith.index_cast %add3A_435 : i32 to index
      %swap3A_437 = arith.constant 0 : index
      %swap3A_438 = tpu.vector_load %arg7[%swap3A_436, %swap3A_437] {strides = array<i32>} : memref<802x128xf32, #tpu.memory_space<vmem>>, vector<16xf32>,
      tpu.vector_store %arg7[%swap3A_436, %swap3A_437], %broadcast_in_dim3A_3 {strides = array<i32>} : memref<802x128xf32, #tpu.memory_space<vmem>>, vector<16xf32>,
      %add3A_439 = arith.constant 5 : i32
      %add3A_440 = arith.addi %add3A_234, %add3A_439 : i32
      %swap3A_441 = arith.index_cast %add3A_440 : i32 to index
      %swap3A_442 = arith.constant 16 : index
      %swap3A_443 = tpu.vector_load %arg7[%swap3A_441, %swap3A_442] {strides = array<i32>} : memref<802x128xf32, #tpu.memory_space<vmem>>, vector<16xf32>,
      tpu.vector_store %arg7[%swap3A_441, %swap3A_442], %broadcast_in_dim3A_3 {strides = array<i32>} : memref<802x128xf32, #tpu.memory_space<vmem>>, vector<16xf32>,
      %add3A_444 = arith.constant 5 : i32
      %add3A_445 = arith.addi %add3A_234, %add3A_444 : i32
      %swap3A_446 = arith.index_cast %add3A_445 : i32 to index
      %swap3A_447 = arith.constant 32 : index
      %swap3A_448 = tpu.vector_load %arg7[%swap3A_446, %swap3A_447] {strides = array<i32>} : memref<802x128xf32, #tpu.memory_space<vmem>>, vector<16xf32>,
      tpu.vector_store %arg7[%swap3A_446, %swap3A_447], %broadcast_in_dim3A_3 {strides = array<i32>} : memref<802x128xf32, #tpu.memory_space<vmem>>, vector<16xf32>,
      %add3A_449 = arith.constant 5 : i32
      %add3A_450 = arith.addi %add3A_234, %add3A_449 : i32
      %swap3A_451 = arith.index_cast %add3A_450 : i32 to index
      %swap3A_452 = arith.constant 48 : index
      %swap3A_453 = tpu.vector_load %arg7[%swap3A_451, %swap3A_452] {strides = array<i32>} : memref<802x128xf32, #tpu.memory_space<vmem>>, vector<16xf32>,
      tpu.vector_store %arg7[%swap3A_451, %swap3A_452], %broadcast_in_dim3A_3 {strides = array<i32>} : memref<802x128xf32, #tpu.memory_space<vmem>>, vector<16xf32>,
      %add3A_454 = arith.constant 5 : i32
      %add3A_455 = arith.addi %add3A_234, %add3A_454 : i32
      %swap3A_456 = arith.index_cast %add3A_455 : i32 to index
      %swap3A_457 = arith.constant 64 : index
      %swap3A_458 = tpu.vector_load %arg7[%swap3A_456, %swap3A_457] {strides = array<i32>} : memref<802x128xf32, #tpu.memory_space<vmem>>, vector<16xf32>,
      tpu.vector_store %arg7[%swap3A_456, %swap3A_457], %broadcast_in_dim3A_3 {strides = array<i32>} : memref<802x128xf32, #tpu.memory_space<vmem>>, vector<16xf32>,
      %add3A_459 = arith.constant 5 : i32
      %add3A_460 = arith.addi %add3A_234, %add3A_459 : i32
      %swap3A_461 = arith.index_cast %add3A_460 : i32 to index
      %swap3A_462 = arith.constant 80 : index
      %swap3A_463 = tpu.vector_load %arg7[%swap3A_461, %swap3A_462] {strides = array<i32>} : memref<802x128xf32, #tpu.memory_space<vmem>>, vector<16xf32>,
      tpu.vector_store %arg7[%swap3A_461, %swap3A_462], %broadcast_in_dim3A_3 {strides = array<i32>} : memref<802x128xf32, #tpu.memory_space<vmem>>, vector<16xf32>,
      %add3A_464 = arith.constant 5 : i32
      %add3A_465 = arith.addi %add3A_234, %add3A_464 : i32
      %swap3A_466 = arith.index_cast %add3A_465 : i32 to index
      %swap3A_467 = arith.constant 96 : index
      %swap3A_468 = tpu.vector_load %arg7[%swap3A_466, %swap3A_467] {strides = array<i32>} : memref<802x128xf32, #tpu.memory_space<vmem>>, vector<16xf32>,
      tpu.vector_store %arg7[%swap3A_466, %swap3A_467], %broadcast_in_dim3A_3 {strides = array<i32>} : memref<802x128xf32, #tpu.memory_space<vmem>>, vector<16xf32>,
      %add3A_469 = arith.constant 5 : i32
      %add3A_470 = arith.addi %add3A_234, %add3A_469 : i32
      %swap3A_471 = arith.index_cast %add3A_470 : i32 to index
      %swap3A_472 = arith.constant 112 : index
      %swap3A_473 = tpu.vector_load %arg7[%swap3A_471, %swap3A_472] {strides = array<i32>} : memref<802x128xf32, #tpu.memory_space<vmem>>, vector<16xf32>,
      tpu.vector_store %arg7[%swap3A_471, %swap3A_472], %broadcast_in_dim3A_3 {strides = array<i32>} : memref<802x128xf32, #tpu.memory_space<vmem>>, vector<16xf32>,
      %add3A_474 = arith.constant 6 : i32
      %add3A_475 = arith.addi %add3A_234, %add3A_474 : i32
      %swap3A_476 = arith.index_cast %add3A_475 : i32 to index
      %swap3A_477 = arith.constant 0 : index
      %swap3A_478 = tpu.vector_load %arg7[%swap3A_476, %swap3A_477] {strides = array<i32>} : memref<802x128xf32, #tpu.memory_space<vmem>>, vector<16xf32>,
      tpu.vector_store %arg7[%swap3A_476, %swap3A_477], %broadcast_in_dim3A_3 {strides = array<i32>} : memref<802x128xf32, #tpu.memory_space<vmem>>, vector<16xf32>,
      %add3A_479 = arith.constant 6 : i32
      %add3A_480 = arith.addi %add3A_234, %add3A_479 : i32
      %swap3A_481 = arith.index_cast %add3A_480 : i32 to index
      %swap3A_482 = arith.constant 16 : index
      %swap3A_483 = tpu.vector_load %arg7[%swap3A_481, %swap3A_482] {strides = array<i32>} : memref<802x128xf32, #tpu.memory_space<vmem>>, vector<16xf32>,
      tpu.vector_store %arg7[%swap3A_481, %swap3A_482], %broadcast_in_dim3A_3 {strides = array<i32>} : memref<802x128xf32, #tpu.memory_space<vmem>>, vector<16xf32>,
      %add3A_484 = arith.constant 6 : i32
      %add3A_485 = arith.addi %add3A_234, %add3A_484 : i32
      %swap3A_486 = arith.index_cast %add3A_485 : i32 to index
      %swap3A_487 = arith.constant 32 : index
      %swap3A_488 = tpu.vector_load %arg7[%swap3A_486, %swap3A_487] {strides = array<i32>} : memref<802x128xf32, #tpu.memory_space<vmem>>, vector<16xf32>,
      tpu.vector_store %arg7[%swap3A_486, %swap3A_487], %broadcast_in_dim3A_3 {strides = array<i32>} : memref<802x128xf32, #tpu.memory_space<vmem>>, vector<16xf32>,
      %add3A_489 = arith.constant 6 : i32
      %add3A_490 = arith.addi %add3A_234, %add3A_489 : i32
      %swap3A_491 = arith.index_cast %add3A_490 : i32 to index
      %swap3A_492 = arith.constant 48 : index
      %swap3A_493 = tpu.vector_load %arg7[%swap3A_491, %swap3A_492] {strides = array<i32>} : memref<802x128xf32, #tpu.memory_space<vmem>>, vector<16xf32>,
      tpu.vector_store %arg7[%swap3A_491, %swap3A_492], %broadcast_in_dim3A_3 {strides = array<i32>} : memref<802x128xf32, #tpu.memory_space<vmem>>, vector<16xf32>,
      %add3A_494 = arith.constant 6 : i32
      %add3A_495 = arith.addi %add3A_234, %add3A_494 : i32
      %swap3A_496 = arith.index_cast %add3A_495 : i32 to index
      %swap3A_497 = arith.constant 64 : index
      %swap3A_498 = tpu.vector_load %arg7[%swap3A_496, %swap3A_497] {strides = array<i32>} : memref<802x128xf32, #tpu.memory_space<vmem>>, vector<16xf32>,
      tpu.vector_store %arg7[%swap3A_496, %swap3A_497], %broadcast_in_dim3A_3 {strides = array<i32>} : memref<802x128xf32, #tpu.memory_space<vmem>>, vector<16xf32>,
      %add3A_499 = arith.constant 6 : i32
      %add3A_500 = arith.addi %add3A_234, %add3A_499 : i32
      %swap3A_501 = arith.index_cast %add3A_500 : i32 to index
      %swap3A_502 = arith.constant 80 : index
      %swap3A_503 = tpu.vector_load %arg7[%swap3A_501, %swap3A_502] {strides = array<i32>} : memref<802x128xf32, #tpu.memory_space<vmem>>, vector<16xf32>,
      tpu.vector_store %arg7[%swap3A_501, %swap3A_502], %broadcast_in_dim3A_3 {strides = array<i32>} : memref<802x128xf32, #tpu.memory_space<vmem>>, vector<16xf32>,
      %add3A_504 = arith.constant 6 : i32
      %add3A_505 = arith.addi %add3A_234, %add3A_504 : i32
      %swap3A_506 = arith.index_cast %add3A_505 : i32 to index
      %swap3A_507 = arith.constant 96 : index
      %swap3A_508 = tpu.vector_load %arg7[%swap3A_506, %swap3A_507] {strides = array<i32>} : memref<802x128xf32, #tpu.memory_space<vmem>>, vector<16xf32>,
      tpu.vector_store %arg7[%swap3A_506, %swap3A_507], %broadcast_in_dim3A_3 {strides = array<i32>} : memref<802x128xf32, #tpu.memory_space<vmem>>, vector<16xf32>,
      %add3A_509 = arith.constant 6 : i32
      %add3A_510 = arith.addi %add3A_234, %add3A_509 : i32
      %swap3A_511 = arith.index_cast %add3A_510 : i32 to index
      %swap3A_512 = arith.constant 112 : index
      %swap3A_513 = tpu.vector_load %arg7[%swap3A_511, %swap3A_512] {strides = array<i32>} : memref<802x128xf32, #tpu.memory_space<vmem>>, vector<16xf32>,
      tpu.vector_store %arg7[%swap3A_511, %swap3A_512], %broadcast_in_dim3A_3 {strides = array<i32>} : memref<802x128xf32, #tpu.memory_space<vmem>>, vector<16xf32>,
      %add3A_514 = arith.constant 7 : i32
      %add3A_515 = arith.addi %add3A_234, %add3A_514 : i32
      %swap3A_516 = arith.index_cast %add3A_515 : i32 to index
      %swap3A_517 = arith.constant 0 : index
      %swap3A_518 = tpu.vector_load %arg7[%swap3A_516, %swap3A_517] {strides = array<i32>} : memref<802x128xf32, #tpu.memory_space<vmem>>, vector<16xf32>,
      tpu.vector_store %arg7[%swap3A_516, %swap3A_517], %broadcast_in_dim3A_3 {strides = array<i32>} : memref<802x128xf32, #tpu.memory_space<vmem>>, vector<16xf32>,
      %add3A_519 = arith.constant 7 : i32
      %add3A_520 = arith.addi %add3A_234, %add3A_519 : i32
      %swap3A_521 = arith.index_cast %add3A_520 : i32 to index
      %swap3A_522 = arith.constant 16 : index
      %swap3A_523 = tpu.vector_load %arg7[%swap3A_521, %swap3A_522] {strides = array<i32>} : memref<802x128xf32, #tpu.memory_space<vmem>>, vector<16xf32>,
      tpu.vector_store %arg7[%swap3A_521, %swap3A_522], %broadcast_in_dim3A_3 {strides = array<i32>} : memref<802x128xf32, #tpu.memory_space<vmem>>, vector<16xf32>,
      %add3A_524 = arith.constant 7 : i32
      %add3A_525 = arith.addi %add3A_234, %add3A_524 : i32
      %swap3A_526 = arith.index_cast %add3A_525 : i32 to index
      %swap3A_527 = arith.constant 32 : index
      %swap3A_528 = tpu.vector_load %arg7[%swap3A_526, %swap3A_527] {strides = array<i32>} : memref<802x128xf32, #tpu.memory_space<vmem>>, vector<16xf32>,
      tpu.vector_store %arg7[%swap3A_526, %swap3A_527], %broadcast_in_dim3A_3 {strides = array<i32>} : memref<802x128xf32, #tpu.memory_space<vmem>>, vector<16xf32>,
      %add3A_529 = arith.constant 7 : i32
      %add3A_530 = arith.addi %add3A_234, %add3A_529 : i32
      %swap3A_531 = arith.index_cast %add3A_530 : i32 to index
      %swap3A_532 = arith.constant 48 : index
      %swap3A_533 = tpu.vector_load %arg7[%swap3A_531, %swap3A_532] {strides = array<i32>} : memref<802x128xf32, #tpu.memory_space<vmem>>, vector<16xf32>,
      tpu.vector_store %arg7[%swap3A_531, %swap3A_532], %broadcast_in_dim3A_3 {strides = array<i32>} : memref<802x128xf32, #tpu.memory_space<vmem>>, vector<16xf32>,
      %add3A_534 = arith.constant 7 : i32
      %add3A_535 = arith.addi %add3A_234, %add3A_534 : i32
      %swap3A_536 = arith.index_cast %add3A_535 : i32 to index
      %swap3A_537 = arith.constant 64 : index
      %swap3A_538 = tpu.vector_load %arg7[%swap3A_536, %swap3A_537] {strides = array<i32>} : memref<802x128xf32, #tpu.memory_space<vmem>>, vector<16xf32>,
      tpu.vector_store %arg7[%swap3A_536, %swap3A_537], %broadcast_in_dim3A_3 {strides = array<i32>} : memref<802x128xf32, #tpu.memory_space<vmem>>, vector<16xf32>,
      %add3A_539 = arith.constant 7 : i32
      %add3A_540 = arith.addi %add3A_234, %add3A_539 : i32
      %swap3A_541 = arith.index_cast %add3A_540 : i32 to index
      %swap3A_542 = arith.constant 80 : index
      %swap3A_543 = tpu.vector_load %arg7[%swap3A_541, %swap3A_542] {strides = array<i32>} : memref<802x128xf32, #tpu.memory_space<vmem>>, vector<16xf32>,
      tpu.vector_store %arg7[%swap3A_541, %swap3A_542], %broadcast_in_dim3A_3 {strides = array<i32>} : memref<802x128xf32, #tpu.memory_space<vmem>>, vector<16xf32>,
      %add3A_544 = arith.constant 7 : i32
      %add3A_545 = arith.addi %add3A_234, %add3A_544 : i32
      %swap3A_546 = arith.index_cast %add3A_545 : i32 to index
      %swap3A_547 = arith.constant 96 : index
      %swap3A_548 = tpu.vector_load %arg7[%swap3A_546, %swap3A_547] {strides = array<i32>} : memref<802x128xf32, #tpu.memory_space<vmem>>, vector<16xf32>,
      tpu.vector_store %arg7[%swap3A_546, %swap3A_547], %broadcast_in_dim3A_3 {strides = array<i32>} : memref<802x128xf32, #tpu.memory_space<vmem>>, vector<16xf32>,
      %add3A_549 = arith.constant 7 : i32
      %add3A_550 = arith.addi %add3A_234, %add3A_549 : i32
      %swap3A_551 = arith.index_cast %add3A_550 : i32 to index
      %swap3A_552 = arith.constant 112 : index
      %swap3A_553 = tpu.vector_load %arg7[%swap3A_551, %swap3A_552] {strides = array<i32>} : memref<802x128xf32, #tpu.memory_space<vmem>>, vector<16xf32>,
      tpu.vector_store %arg7[%swap3A_551, %swap3A_552], %broadcast_in_dim3A_3 {strides = array<i32>} : memref<802x128xf32, #tpu.memory_space<vmem>>, vector<16xf32>,
      %add3A_554 = arith.constant 8 : i32
      %add3A_555 = arith.addi %add3A_234, %add3A_554 : i32
      %swap3A_556 = arith.index_cast %add3A_555 : i32 to index
      %swap3A_557 = arith.constant 0 : index
      %swap3A_558 = tpu.vector_load %arg7[%swap3A_556, %swap3A_557] {strides = array<i32>} : memref<802x128xf32, #tpu.memory_space<vmem>>, vector<16xf32>,
      tpu.vector_store %arg7[%swap3A_556, %swap3A_557], %broadcast_in_dim3A_3 {strides = array<i32>} : memref<802x128xf32, #tpu.memory_space<vmem>>, vector<16xf32>,
      %add3A_559 = arith.constant 8 : i32
      %add3A_560 = arith.addi %add3A_234, %add3A_559 : i32
      %swap3A_561 = arith.index_cast %add3A_560 : i32 to index
      %swap3A_562 = arith.constant 16 : index
      %swap3A_563 = tpu.vector_load %arg7[%swap3A_561, %swap3A_562] {strides = array<i32>} : memref<802x128xf32, #tpu.memory_space<vmem>>, vector<16xf32>,
      tpu.vector_store %arg7[%swap3A_561, %swap3A_562], %broadcast_in_dim3A_3 {strides = array<i32>} : memref<802x128xf32, #tpu.memory_space<vmem>>, vector<16xf32>,
      %add3A_564 = arith.constant 8 : i32
      %add3A_565 = arith.addi %add3A_234, %add3A_564 : i32
      %swap3A_566 = arith.index_cast %add3A_565 : i32 to index
      %swap3A_567 = arith.constant 32 : index
      %swap3A_568 = tpu.vector_load %arg7[%swap3A_566, %swap3A_567] {strides = array<i32>} : memref<802x128xf32, #tpu.memory_space<vmem>>, vector<16xf32>,
      tpu.vector_store %arg7[%swap3A_566, %swap3A_567], %broadcast_in_dim3A_3 {strides = array<i32>} : memref<802x128xf32, #tpu.memory_space<vmem>>, vector<16xf32>,
      %add3A_569 = arith.constant 8 : i32
      %add3A_570 = arith.addi %add3A_234, %add3A_569 : i32
      %swap3A_571 = arith.index_cast %add3A_570 : i32 to index
      %swap3A_572 = arith.constant 48 : index
      %swap3A_573 = tpu.vector_load %arg7[%swap3A_571, %swap3A_572] {strides = array<i32>} : memref<802x128xf32, #tpu.memory_space<vmem>>, vector<16xf32>,
      tpu.vector_store %arg7[%swap3A_571, %swap3A_572], %broadcast_in_dim3A_3 {strides = array<i32>} : memref<802x128xf32, #tpu.memory_space<vmem>>, vector<16xf32>,
      %add3A_574 = arith.constant 8 : i32
      %add3A_575 = arith.addi %add3A_234, %add3A_574 : i32
      %swap3A_576 = arith.index_cast %add3A_575 : i32 to index
      %swap3A_577 = arith.constant 64 : index
      %swap3A_578 = tpu.vector_load %arg7[%swap3A_576, %swap3A_577] {strides = array<i32>} : memref<802x128xf32, #tpu.memory_space<vmem>>, vector<16xf32>,
      tpu.vector_store %arg7[%swap3A_576, %swap3A_577], %broadcast_in_dim3A_3 {strides = array<i32>} : memref<802x128xf32, #tpu.memory_space<vmem>>, vector<16xf32>,
      %add3A_579 = arith.constant 8 : i32
      %add3A_580 = arith.addi %add3A_234, %add3A_579 : i32
      %swap3A_581 = arith.index_cast %add3A_580 : i32 to index
      %swap3A_582 = arith.constant 80 : index
      %swap3A_583 = tpu.vector_load %arg7[%swap3A_581, %swap3A_582] {strides = array<i32>} : memref<802x128xf32, #tpu.memory_space<vmem>>, vector<16xf32>,
      tpu.vector_store %arg7[%swap3A_581, %swap3A_582], %broadcast_in_dim3A_3 {strides = array<i32>} : memref<802x128xf32, #tpu.memory_space<vmem>>, vector<16xf32>,
      %add3A_584 = arith.constant 8 : i32
      %add3A_585 = arith.addi %add3A_234, %add3A_584 : i32
      %swap3A_586 = arith.index_cast %add3A_585 : i32 to index
      %swap3A_587 = arith.constant 96 : index
      %swap3A_588 = tpu.vector_load %arg7[%swap3A_586, %swap3A_587] {strides = array<i32>} : memref<802x128xf32, #tpu.memory_space<vmem>>, vector<16xf32>,
      tpu.vector_store %arg7[%swap3A_586, %swap3A_587], %broadcast_in_dim3A_3 {strides = array<i32>} : memref<802x128xf32, #tpu.memory_space<vmem>>, vector<16xf32>,
      %add3A_589 = arith.constant 8 : i32
      %add3A_590 = arith.addi %add3A_234, %add3A_589 : i32
      %swap3A_591 = arith.index_cast %add3A_590 : i32 to index
      %swap3A_592 = arith.constant 112 : index
      %swap3A_593 = tpu.vector_load %arg7[%swap3A_591, %swap3A_592] {strides = array<i32>} : memref<802x128xf32, #tpu.memory_space<vmem>>, vector<16xf32>,
      tpu.vector_store %arg7[%swap3A_591, %swap3A_592], %broadcast_in_dim3A_3 {strides = array<i32>} : memref<802x128xf32, #tpu.memory_space<vmem>>, vector<16xf32>,
      %add3A_594 = arith.constant 9 : i32
      %add3A_595 = arith.addi %add3A_234, %add3A_594 : i32
      %swap3A_596 = arith.index_cast %add3A_595 : i32 to index
      %swap3A_597 = arith.constant 0 : index
      %swap3A_598 = tpu.vector_load %arg7[%swap3A_596, %swap3A_597] {strides = array<i32>} : memref<802x128xf32, #tpu.memory_space<vmem>>, vector<16xf32>,
      tpu.vector_store %arg7[%swap3A_596, %swap3A_597], %broadcast_in_dim3A_3 {strides = array<i32>} : memref<802x128xf32, #tpu.memory_space<vmem>>, vector<16xf32>,
      %add3A_599 = arith.constant 9 : i32
      %add3A_600 = arith.addi %add3A_234, %add3A_599 : i32
      %swap3A_601 = arith.index_cast %add3A_600 : i32 to index
      %swap3A_602 = arith.constant 16 : index
      %swap3A_603 = tpu.vector_load %arg7[%swap3A_601, %swap3A_602] {strides = array<i32>} : memref<802x128xf32, #tpu.memory_space<vmem>>, vector<16xf32>,
      tpu.vector_store %arg7[%swap3A_601, %swap3A_602], %broadcast_in_dim3A_3 {strides = array<i32>} : memref<802x128xf32, #tpu.memory_space<vmem>>, vector<16xf32>,
      %add3A_604 = arith.constant 9 : i32
      %add3A_605 = arith.addi %add3A_234, %add3A_604 : i32
      %swap3A_606 = arith.index_cast %add3A_605 : i32 to index
      %swap3A_607 = arith.constant 32 : index
      %swap3A_608 = tpu.vector_load %arg7[%swap3A_606, %swap3A_607] {strides = array<i32>} : memref<802x128xf32, #tpu.memory_space<vmem>>, vector<16xf32>,
      tpu.vector_store %arg7[%swap3A_606, %swap3A_607], %broadcast_in_dim3A_3 {strides = array<i32>} : memref<802x128xf32, #tpu.memory_space<vmem>>, vector<16xf32>,
      %add3A_609 = arith.constant 9 : i32
      %add3A_610 = arith.addi %add3A_234, %add3A_609 : i32
      %swap3A_611 = arith.index_cast %add3A_610 : i32 to index
      %swap3A_612 = arith.constant 48 : index
      %swap3A_613 = tpu.vector_load %arg7[%swap3A_611, %swap3A_612] {strides = array<i32>} : memref<802x128xf32, #tpu.memory_space<vmem>>, vector<16xf32>,
      tpu.vector_store %arg7[%swap3A_611, %swap3A_612], %broadcast_in_dim3A_3 {strides = array<i32>} : memref<802x128xf32, #tpu.memory_space<vmem>>, vector<16xf32>,
      %add3A_614 = arith.constant 9 : i32
      %add3A_615 = arith.addi %add3A_234, %add3A_614 : i32
      %swap3A_616 = arith.index_cast %add3A_615 : i32 to index
      %swap3A_617 = arith.constant 64 : index
      %swap3A_618 = tpu.vector_load %arg7[%swap3A_616, %swap3A_617] {strides = array<i32>} : memref<802x128xf32, #tpu.memory_space<vmem>>, vector<16xf32>,
      tpu.vector_store %arg7[%swap3A_616, %swap3A_617], %broadcast_in_dim3A_3 {strides = array<i32>} : memref<802x128xf32, #tpu.memory_space<vmem>>, vector<16xf32>,
      %add3A_619 = arith.constant 9 : i32
      %add3A_620 = arith.addi %add3A_234, %add3A_619 : i32
      %swap3A_621 = arith.index_cast %add3A_620 : i32 to index
      %swap3A_622 = arith.constant 80 : index
      %swap3A_623 = tpu.vector_load %arg7[%swap3A_621, %swap3A_622] {strides = array<i32>} : memref<802x128xf32, #tpu.memory_space<vmem>>, vector<16xf32>,
      tpu.vector_store %arg7[%swap3A_621, %swap3A_622], %broadcast_in_dim3A_3 {strides = array<i32>} : memref<802x128xf32, #tpu.memory_space<vmem>>, vector<16xf32>,
      %add3A_624 = arith.constant 9 : i32
      %add3A_625 = arith.addi %add3A_234, %add3A_624 : i32
      %swap3A_626 = arith.index_cast %add3A_625 : i32 to index
      %swap3A_627 = arith.constant 96 : index
      %swap3A_628 = tpu.vector_load %arg7[%swap3A_626, %swap3A_627] {strides = array<i32>} : memref<802x128xf32, #tpu.memory_space<vmem>>, vector<16xf32>,
      tpu.vector_store %arg7[%swap3A_626, %swap3A_627], %broadcast_in_dim3A_3 {strides = array<i32>} : memref<802x128xf32, #tpu.memory_space<vmem>>, vector<16xf32>,
      %add3A_629 = arith.constant 9 : i32
      %add3A_630 = arith.addi %add3A_234, %add3A_629 : i32
      %swap3A_631 = arith.index_cast %add3A_630 : i32 to index
      %swap3A_632 = arith.constant 112 : index
      %swap3A_633 = tpu.vector_load %arg7[%swap3A_631, %swap3A_632] {strides = array<i32>} : memref<802x128xf32, #tpu.memory_space<vmem>>, vector<16xf32>,
      tpu.vector_store %arg7[%swap3A_631, %swap3A_632], %broadcast_in_dim3A_3 {strides = array<i32>} : memref<802x128xf32, #tpu.memory_space<vmem>>, vector<16xf32>,
      %add3A_634 = arith.constant 10 : i32
      %add3A_635 = arith.addi %add3A_234, %add3A_634 : i32
      %swap3A_636 = arith.index_cast %add3A_635 : i32 to index
      %swap3A_637 = arith.constant 0 : index
      %swap3A_638 = tpu.vector_load %arg7[%swap3A_636, %swap3A_637] {strides = array<i32>} : memref<802x128xf32, #tpu.memory_space<vmem>>, vector<16xf32>,
      tpu.vector_store %arg7[%swap3A_636, %swap3A_637], %broadcast_in_dim3A_3 {strides = array<i32>} : memref<802x128xf32, #tpu.memory_space<vmem>>, vector<16xf32>,
      %add3A_639 = arith.constant 10 : i32
      %add3A_640 = arith.addi %add3A_234, %add3A_639 : i32
      %swap3A_641 = arith.index_cast %add3A_640 : i32 to index
      %swap3A_642 = arith.constant 16 : index
      %swap3A_643 = tpu.vector_load %arg7[%swap3A_641, %swap3A_642] {strides = array<i32>} : memref<802x128xf32, #tpu.memory_space<vmem>>, vector<16xf32>,
      tpu.vector_store %arg7[%swap3A_641, %swap3A_642], %broadcast_in_dim3A_3 {strides = array<i32>} : memref<802x128xf32, #tpu.memory_space<vmem>>, vector<16xf32>,
      %add3A_644 = arith.constant 10 : i32
      %add3A_645 = arith.addi %add3A_234, %add3A_644 : i32
      %swap3A_646 = arith.index_cast %add3A_645 : i32 to index
      %swap3A_647 = arith.constant 32 : index
      %swap3A_648 = tpu.vector_load %arg7[%swap3A_646, %swap3A_647] {strides = array<i32>} : memref<802x128xf32, #tpu.memory_space<vmem>>, vector<16xf32>,
      tpu.vector_store %arg7[%swap3A_646, %swap3A_647], %broadcast_in_dim3A_3 {strides = array<i32>} : memref<802x128xf32, #tpu.memory_space<vmem>>, vector<16xf32>,
      %add3A_649 = arith.constant 10 : i32
      %add3A_650 = arith.addi %add3A_234, %add3A_649 : i32
      %swap3A_651 = arith.index_cast %add3A_650 : i32 to index
      %swap3A_652 = arith.constant 48 : index
      %swap3A_653 = tpu.vector_load %arg7[%swap3A_651, %swap3A_652] {strides = array<i32>} : memref<802x128xf32, #tpu.memory_space<vmem>>, vector<16xf32>,
      tpu.vector_store %arg7[%swap3A_651, %swap3A_652], %broadcast_in_dim3A_3 {strides = array<i32>} : memref<802x128xf32, #tpu.memory_space<vmem>>, vector<16xf32>,
      %add3A_654 = arith.constant 10 : i32
      %add3A_655 = arith.addi %add3A_234, %add3A_654 : i32
      %swap3A_656 = arith.index_cast %add3A_655 : i32 to index
      %swap3A_657 = arith.constant 64 : index
      %swap3A_658 = tpu.vector_load %arg7[%swap3A_656, %swap3A_657] {strides = array<i32>} : memref<802x128xf32, #tpu.memory_space<vmem>>, vector<16xf32>,
      tpu.vector_store %arg7[%swap3A_656, %swap3A_657], %broadcast_in_dim3A_3 {strides = array<i32>} : memref<802x128xf32, #tpu.memory_space<vmem>>, vector<16xf32>,
      %add3A_659 = arith.constant 10 : i32
      %add3A_660 = arith.addi %add3A_234, %add3A_659 : i32
      %swap3A_661 = arith.index_cast %add3A_660 : i32 to index
      %swap3A_662 = arith.constant 80 : index
      %swap3A_663 = tpu.vector_load %arg7[%swap3A_661, %swap3A_662] {strides = array<i32>} : memref<802x128xf32, #tpu.memory_space<vmem>>, vector<16xf32>,
      tpu.vector_store %arg7[%swap3A_661, %swap3A_662], %broadcast_in_dim3A_3 {strides = array<i32>} : memref<802x128xf32, #tpu.memory_space<vmem>>, vector<16xf32>,
      %add3A_664 = arith.constant 10 : i32
      %add3A_665 = arith.addi %add3A_234, %add3A_664 : i32
      %swap3A_666 = arith.index_cast %add3A_665 : i32 to index
      %swap3A_667 = arith.constant 96 : index
      %swap3A_668 = tpu.vector_load %arg7[%swap3A_666, %swap3A_667] {strides = array<i32>} : memref<802x128xf32, #tpu.memory_space<vmem>>, vector<16xf32>,
      tpu.vector_store %arg7[%swap3A_666, %swap3A_667], %broadcast_in_dim3A_3 {strides = array<i32>} : memref<802x128xf32, #tpu.memory_space<vmem>>, vector<16xf32>,
      %add3A_669 = arith.constant 10 : i32
      %add3A_670 = arith.addi %add3A_234, %add3A_669 : i32
      %swap3A_671 = arith.index_cast %add3A_670 : i32 to index
      %swap3A_672 = arith.constant 112 : index
      %swap3A_673 = tpu.vector_load %arg7[%swap3A_671, %swap3A_672] {strides = array<i32>} : memref<802x128xf32, #tpu.memory_space<vmem>>, vector<16xf32>,
      tpu.vector_store %arg7[%swap3A_671, %swap3A_672], %broadcast_in_dim3A_3 {strides = array<i32>} : memref<802x128xf32, #tpu.memory_space<vmem>>, vector<16xf32>,
      %add3A_674 = arith.constant 11 : i32
      %add3A_675 = arith.addi %add3A_234, %add3A_674 : i32
      %swap3A_676 = arith.index_cast %add3A_675 : i32 to index
      %swap3A_677 = arith.constant 0 : index
      %swap3A_678 = tpu.vector_load %arg7[%swap3A_676, %swap3A_677] {strides = array<i32>} : memref<802x128xf32, #tpu.memory_space<vmem>>, vector<16xf32>,
      tpu.vector_store %arg7[%swap3A_676, %swap3A_677], %broadcast_in_dim3A_3 {strides = array<i32>} : memref<802x128xf32, #tpu.memory_space<vmem>>, vector<16xf32>,
      %add3A_679 = arith.constant 11 : i32
      %add3A_680 = arith.addi %add3A_234, %add3A_679 : i32
      %swap3A_681 = arith.index_cast %add3A_680 : i32 to index
      %swap3A_682 = arith.constant 16 : index
      %swap3A_683 = tpu.vector_load %arg7[%swap3A_681, %swap3A_682] {strides = array<i32>} : memref<802x128xf32, #tpu.memory_space<vmem>>, vector<16xf32>,
      tpu.vector_store %arg7[%swap3A_681, %swap3A_682], %broadcast_in_dim3A_3 {strides = array<i32>} : memref<802x128xf32, #tpu.memory_space<vmem>>, vector<16xf32>,
      %add3A_684 = arith.constant 11 : i32
      %add3A_685 = arith.addi %add3A_234, %add3A_684 : i32
      %swap3A_686 = arith.index_cast %add3A_685 : i32 to index
      %swap3A_687 = arith.constant 32 : index
      %swap3A_688 = tpu.vector_load %arg7[%swap3A_686, %swap3A_687] {strides = array<i32>} : memref<802x128xf32, #tpu.memory_space<vmem>>, vector<16xf32>,
      tpu.vector_store %arg7[%swap3A_686, %swap3A_687], %broadcast_in_dim3A_3 {strides = array<i32>} : memref<802x128xf32, #tpu.memory_space<vmem>>, vector<16xf32>,
      %add3A_689 = arith.constant 11 : i32
      %add3A_690 = arith.addi %add3A_234, %add3A_689 : i32
      %swap3A_691 = arith.index_cast %add3A_690 : i32 to index
      %swap3A_692 = arith.constant 48 : index
      %swap3A_693 = tpu.vector_load %arg7[%swap3A_691, %swap3A_692] {strides = array<i32>} : memref<802x128xf32, #tpu.memory_space<vmem>>, vector<16xf32>,
      tpu.vector_store %arg7[%swap3A_691, %swap3A_692], %broadcast_in_dim3A_3 {strides = array<i32>} : memref<802x128xf32, #tpu.memory_space<vmem>>, vector<16xf32>,
      %add3A_694 = arith.constant 11 : i32
      %add3A_695 = arith.addi %add3A_234, %add3A_694 : i32
      %swap3A_696 = arith.index_cast %add3A_695 : i32 to index
      %swap3A_697 = arith.constant 64 : index
      %swap3A_698 = tpu.vector_load %arg7[%swap3A_696, %swap3A_697] {strides = array<i32>} : memref<802x128xf32, #tpu.memory_space<vmem>>, vector<16xf32>,
      tpu.vector_store %arg7[%swap3A_696, %swap3A_697], %broadcast_in_dim3A_3 {strides = array<i32>} : memref<802x128xf32, #tpu.memory_space<vmem>>, vector<16xf32>,
      %add3A_699 = arith.constant 11 : i32
      %add3A_700 = arith.addi %add3A_234, %add3A_699 : i32
      %swap3A_701 = arith.index_cast %add3A_700 : i32 to index
      %swap3A_702 = arith.constant 80 : index
      %swap3A_703 = tpu.vector_load %arg7[%swap3A_701, %swap3A_702] {strides = array<i32>} : memref<802x128xf32, #tpu.memory_space<vmem>>, vector<16xf32>,
      tpu.vector_store %arg7[%swap3A_701, %swap3A_702], %broadcast_in_dim3A_3 {strides = array<i32>} : memref<802x128xf32, #tpu.memory_space<vmem>>, vector<16xf32>,
      %add3A_704 = arith.constant 11 : i32
      %add3A_705 = arith.addi %add3A_234, %add3A_704 : i32
      %swap3A_706 = arith.index_cast %add3A_705 : i32 to index
      %swap3A_707 = arith.constant 96 : index
      %swap3A_708 = tpu.vector_load %arg7[%swap3A_706, %swap3A_707] {strides = array<i32>} : memref<802x128xf32, #tpu.memory_space<vmem>>, vector<16xf32>,
      tpu.vector_store %arg7[%swap3A_706, %swap3A_707], %broadcast_in_dim3A_3 {strides = array<i32>} : memref<802x128xf32, #tpu.memory_space<vmem>>, vector<16xf32>,
      %add3A_709 = arith.constant 11 : i32
      %add3A_710 = arith.addi %add3A_234, %add3A_709 : i32
      %swap3A_711 = arith.index_cast %add3A_710 : i32 to index
      %swap3A_712 = arith.constant 112 : index
      %swap3A_713 = tpu.vector_load %arg7[%swap3A_711, %swap3A_712] {strides = array<i32>} : memref<802x128xf32, #tpu.memory_space<vmem>>, vector<16xf32>,
      tpu.vector_store %arg7[%swap3A_711, %swap3A_712], %broadcast_in_dim3A_3 {strides = array<i32>} : memref<802x128xf32, #tpu.memory_space<vmem>>, vector<16xf32>,
      %add3A_714 = arith.constant 12 : i32
      %add3A_715 = arith.addi %add3A_234, %add3A_714 : i32
      %swap3A_716 = arith.index_cast %add3A_715 : i32 to index
      %swap3A_717 = arith.constant 0 : index
      %swap3A_718 = tpu.vector_load %arg7[%swap3A_716, %swap3A_717] {strides = array<i32>} : memref<802x128xf32, #tpu.memory_space<vmem>>, vector<16xf32>,
      tpu.vector_store %arg7[%swap3A_716, %swap3A_717], %broadcast_in_dim3A_3 {strides = array<i32>} : memref<802x128xf32, #tpu.memory_space<vmem>>, vector<16xf32>,
      %add3A_719 = arith.constant 12 : i32
      %add3A_720 = arith.addi %add3A_234, %add3A_719 : i32
      %swap3A_721 = arith.index_cast %add3A_720 : i32 to index
      %swap3A_722 = arith.constant 16 : index
      %swap3A_723 = tpu.vector_load %arg7[%swap3A_721, %swap3A_722] {strides = array<i32>} : memref<802x128xf32, #tpu.memory_space<vmem>>, vector<16xf32>,
      tpu.vector_store %arg7[%swap3A_721, %swap3A_722], %broadcast_in_dim3A_3 {strides = array<i32>} : memref<802x128xf32, #tpu.memory_space<vmem>>, vector<16xf32>,
      %add3A_724 = arith.constant 12 : i32
      %add3A_725 = arith.addi %add3A_234, %add3A_724 : i32
      %swap3A_726 = arith.index_cast %add3A_725 : i32 to index
      %swap3A_727 = arith.constant 32 : index
      %swap3A_728 = tpu.vector_load %arg7[%swap3A_726, %swap3A_727] {strides = array<i32>} : memref<802x128xf32, #tpu.memory_space<vmem>>, vector<16xf32>,
      tpu.vector_store %arg7[%swap3A_726, %swap3A_727], %broadcast_in_dim3A_3 {strides = array<i32>} : memref<802x128xf32, #tpu.memory_space<vmem>>, vector<16xf32>,
      %add3A_729 = arith.constant 12 : i32
      %add3A_730 = arith.addi %add3A_234, %add3A_729 : i32
      %swap3A_731 = arith.index_cast %add3A_730 : i32 to index
      %swap3A_732 = arith.constant 48 : index
      %swap3A_733 = tpu.vector_load %arg7[%swap3A_731, %swap3A_732] {strides = array<i32>} : memref<802x128xf32, #tpu.memory_space<vmem>>, vector<16xf32>,
      tpu.vector_store %arg7[%swap3A_731, %swap3A_732], %broadcast_in_dim3A_3 {strides = array<i32>} : memref<802x128xf32, #tpu.memory_space<vmem>>, vector<16xf32>,
      %add3A_734 = arith.constant 12 : i32
      %add3A_735 = arith.addi %add3A_234, %add3A_734 : i32
      %swap3A_736 = arith.index_cast %add3A_735 : i32 to index
      %swap3A_737 = arith.constant 64 : index
      %swap3A_738 = tpu.vector_load %arg7[%swap3A_736, %swap3A_737] {strides = array<i32>} : memref<802x128xf32, #tpu.memory_space<vmem>>, vector<16xf32>,
      tpu.vector_store %arg7[%swap3A_736, %swap3A_737], %broadcast_in_dim3A_3 {strides = array<i32>} : memref<802x128xf32, #tpu.memory_space<vmem>>, vector<16xf32>,
      %add3A_739 = arith.constant 12 : i32
      %add3A_740 = arith.addi %add3A_234, %add3A_739 : i32
      %swap3A_741 = arith.index_cast %add3A_740 : i32 to index
      %swap3A_742 = arith.constant 80 : index
      %swap3A_743 = tpu.vector_load %arg7[%swap3A_741, %swap3A_742] {strides = array<i32>} : memref<802x128xf32, #tpu.memory_space<vmem>>, vector<16xf32>,
      tpu.vector_store %arg7[%swap3A_741, %swap3A_742], %broadcast_in_dim3A_3 {strides = array<i32>} : memref<802x128xf32, #tpu.memory_space<vmem>>, vector<16xf32>,
      %add3A_744 = arith.constant 12 : i32
      %add3A_745 = arith.addi %add3A_234, %add3A_744 : i32
      %swap3A_746 = arith.index_cast %add3A_745 : i32 to index
      %swap3A_747 = arith.constant 96 : index
      %swap3A_748 = tpu.vector_load %arg7[%swap3A_746, %swap3A_747] {strides = array<i32>} : memref<802x128xf32, #tpu.memory_space<vmem>>, vector<16xf32>,
      tpu.vector_store %arg7[%swap3A_746, %swap3A_747], %broadcast_in_dim3A_3 {strides = array<i32>} : memref<802x128xf32, #tpu.memory_space<vmem>>, vector<16xf32>,
      %add3A_749 = arith.constant 12 : i32
      %add3A_750 = arith.addi %add3A_234, %add3A_749 : i32
      %swap3A_751 = arith.index_cast %add3A_750 : i32 to index
      %swap3A_752 = arith.constant 112 : index
      %swap3A_753 = tpu.vector_load %arg7[%swap3A_751, %swap3A_752] {strides = array<i32>} : memref<802x128xf32, #tpu.memory_space<vmem>>, vector<16xf32>,
      tpu.vector_store %arg7[%swap3A_751, %swap3A_752], %broadcast_in_dim3A_3 {strides = array<i32>} : memref<802x128xf32, #tpu.memory_space<vmem>>, vector<16xf32>,
      %add3A_754 = arith.constant 13 : i32
      %add3A_755 = arith.addi %add3A_234, %add3A_754 : i32
      %swap3A_756 = arith.index_cast %add3A_755 : i32 to index
      %swap3A_757 = arith.constant 0 : index
      %swap3A_758 = tpu.vector_load %arg7[%swap3A_756, %swap3A_757] {strides = array<i32>} : memref<802x128xf32, #tpu.memory_space<vmem>>, vector<16xf32>,
      tpu.vector_store %arg7[%swap3A_756, %swap3A_757], %broadcast_in_dim3A_3 {strides = array<i32>} : memref<802x128xf32, #tpu.memory_space<vmem>>, vector<16xf32>,
      %add3A_759 = arith.constant 13 : i32
      %add3A_760 = arith.addi %add3A_234, %add3A_759 : i32
      %swap3A_761 = arith.index_cast %add3A_760 : i32 to index
      %swap3A_762 = arith.constant 16 : index
      %swap3A_763 = tpu.vector_load %arg7[%swap3A_761, %swap3A_762] {strides = array<i32>} : memref<802x128xf32, #tpu.memory_space<vmem>>, vector<16xf32>,
      tpu.vector_store %arg7[%swap3A_761, %swap3A_762], %broadcast_in_dim3A_3 {strides = array<i32>} : memref<802x128xf32, #tpu.memory_space<vmem>>, vector<16xf32>,
      %add3A_764 = arith.constant 13 : i32
      %add3A_765 = arith.addi %add3A_234, %add3A_764 : i32
      %swap3A_766 = arith.index_cast %add3A_765 : i32 to index
      %swap3A_767 = arith.constant 32 : index
      %swap3A_768 = tpu.vector_load %arg7[%swap3A_766, %swap3A_767] {strides = array<i32>} : memref<802x128xf32, #tpu.memory_space<vmem>>, vector<16xf32>,
      tpu.vector_store %arg7[%swap3A_766, %swap3A_767], %broadcast_in_dim3A_3 {strides = array<i32>} : memref<802x128xf32, #tpu.memory_space<vmem>>, vector<16xf32>,
      %add3A_769 = arith.constant 13 : i32
      %add3A_770 = arith.addi %add3A_234, %add3A_769 : i32
      %swap3A_771 = arith.index_cast %add3A_770 : i32 to index
      %swap3A_772 = arith.constant 48 : index
      %swap3A_773 = tpu.vector_load %arg7[%swap3A_771, %swap3A_772] {strides = array<i32>} : memref<802x128xf32, #tpu.memory_space<vmem>>, vector<16xf32>,
      tpu.vector_store %arg7[%swap3A_771, %swap3A_772], %broadcast_in_dim3A_3 {strides = array<i32>} : memref<802x128xf32, #tpu.memory_space<vmem>>, vector<16xf32>,
      %add3A_774 = arith.constant 13 : i32
      %add3A_775 = arith.addi %add3A_234, %add3A_774 : i32
      %swap3A_776 = arith.index_cast %add3A_775 : i32 to index
      %swap3A_777 = arith.constant 64 : index
      %swap3A_778 = tpu.vector_load %arg7[%swap3A_776, %swap3A_777] {strides = array<i32>} : memref<802x128xf32, #tpu.memory_space<vmem>>, vector<16xf32>,
      tpu.vector_store %arg7[%swap3A_776, %swap3A_777], %broadcast_in_dim3A_3 {strides = array<i32>} : memref<802x128xf32, #tpu.memory_space<vmem>>, vector<16xf32>,
      %add3A_779 = arith.constant 13 : i32
      %add3A_780 = arith.addi %add3A_234, %add3A_779 : i32
      %swap3A_781 = arith.index_cast %add3A_780 : i32 to index
      %swap3A_782 = arith.constant 80 : index
      %swap3A_783 = tpu.vector_load %arg7[%swap3A_781, %swap3A_782] {strides = array<i32>} : memref<802x128xf32, #tpu.memory_space<vmem>>, vector<16xf32>,
      tpu.vector_store %arg7[%swap3A_781, %swap3A_782], %broadcast_in_dim3A_3 {strides = array<i32>} : memref<802x128xf32, #tpu.memory_space<vmem>>, vector<16xf32>,
      %add3A_784 = arith.constant 13 : i32
      %add3A_785 = arith.addi %add3A_234, %add3A_784 : i32
      %swap3A_786 = arith.index_cast %add3A_785 : i32 to index
      %swap3A_787 = arith.constant 96 : index
      %swap3A_788 = tpu.vector_load %arg7[%swap3A_786, %swap3A_787] {strides = array<i32>} : memref<802x128xf32, #tpu.memory_space<vmem>>, vector<16xf32>,
      tpu.vector_store %arg7[%swap3A_786, %swap3A_787], %broadcast_in_dim3A_3 {strides = array<i32>} : memref<802x128xf32, #tpu.memory_space<vmem>>, vector<16xf32>,
      %add3A_789 = arith.constant 13 : i32
      %add3A_790 = arith.addi %add3A_234, %add3A_789 : i32
      %swap3A_791 = arith.index_cast %add3A_790 : i32 to index
      %swap3A_792 = arith.constant 112 : index
      %swap3A_793 = tpu.vector_load %arg7[%swap3A_791, %swap3A_792] {strides = array<i32>} : memref<802x128xf32, #tpu.memory_space<vmem>>, vector<16xf32>,
      tpu.vector_store %arg7[%swap3A_791, %swap3A_792], %broadcast_in_dim3A_3 {strides = array<i32>} : memref<802x128xf32, #tpu.memory_space<vmem>>, vector<16xf32>,
      %add3A_794 = arith.constant 14 : i32
      %add3A_795 = arith.addi %add3A_234, %add3A_794 : i32
      %swap3A_796 = arith.index_cast %add3A_795 : i32 to index
      %swap3A_797 = arith.constant 0 : index
      %swap3A_798 = tpu.vector_load %arg7[%swap3A_796, %swap3A_797] {strides = array<i32>} : memref<802x128xf32, #tpu.memory_space<vmem>>, vector<16xf32>,
      tpu.vector_store %arg7[%swap3A_796, %swap3A_797], %broadcast_in_dim3A_3 {strides = array<i32>} : memref<802x128xf32, #tpu.memory_space<vmem>>, vector<16xf32>,
      %add3A_799 = arith.constant 14 : i32
      %add3A_800 = arith.addi %add3A_234, %add3A_799 : i32
      %swap3A_801 = arith.index_cast %add3A_800 : i32 to index
      %swap3A_802 = arith.constant 16 : index
      %swap3A_803 = tpu.vector_load %arg7[%swap3A_801, %swap3A_802] {strides = array<i32>} : memref<802x128xf32, #tpu.memory_space<vmem>>, vector<16xf32>,
      tpu.vector_store %arg7[%swap3A_801, %swap3A_802], %broadcast_in_dim3A_3 {strides = array<i32>} : memref<802x128xf32, #tpu.memory_space<vmem>>, vector<16xf32>,
      %add3A_804 = arith.constant 14 : i32
      %add3A_805 = arith.addi %add3A_234, %add3A_804 : i32
      %swap3A_806 = arith.index_cast %add3A_805 : i32 to index
      %swap3A_807 = arith.constant 32 : index
      %swap3A_808 = tpu.vector_load %arg7[%swap3A_806, %swap3A_807] {strides = array<i32>} : memref<802x128xf32, #tpu.memory_space<vmem>>, vector<16xf32>,
      tpu.vector_store %arg7[%swap3A_806, %swap3A_807], %broadcast_in_dim3A_3 {strides = array<i32>} : memref<802x128xf32, #tpu.memory_space<vmem>>, vector<16xf32>,
      %add3A_809 = arith.constant 14 : i32
      %add3A_810 = arith.addi %add3A_234, %add3A_809 : i32
      %swap3A_811 = arith.index_cast %add3A_810 : i32 to index
      %swap3A_812 = arith.constant 48 : index
      %swap3A_813 = tpu.vector_load %arg7[%swap3A_811, %swap3A_812] {strides = array<i32>} : memref<802x128xf32, #tpu.memory_space<vmem>>, vector<16xf32>,
      tpu.vector_store %arg7[%swap3A_811, %swap3A_812], %broadcast_in_dim3A_3 {strides = array<i32>} : memref<802x128xf32, #tpu.memory_space<vmem>>, vector<16xf32>,
      %add3A_814 = arith.constant 14 : i32
      %add3A_815 = arith.addi %add3A_234, %add3A_814 : i32
      %swap3A_816 = arith.index_cast %add3A_815 : i32 to index
      %swap3A_817 = arith.constant 64 : index
      %swap3A_818 = tpu.vector_load %arg7[%swap3A_816, %swap3A_817] {strides = array<i32>} : memref<802x128xf32, #tpu.memory_space<vmem>>, vector<16xf32>,
      tpu.vector_store %arg7[%swap3A_816, %swap3A_817], %broadcast_in_dim3A_3 {strides = array<i32>} : memref<802x128xf32, #tpu.memory_space<vmem>>, vector<16xf32>,
      %add3A_819 = arith.constant 14 : i32
      %add3A_820 = arith.addi %add3A_234, %add3A_819 : i32
      %swap3A_821 = arith.index_cast %add3A_820 : i32 to index
      %swap3A_822 = arith.constant 80 : index
      %swap3A_823 = tpu.vector_load %arg7[%swap3A_821, %swap3A_822] {strides = array<i32>} : memref<802x128xf32, #tpu.memory_space<vmem>>, vector<16xf32>,
      tpu.vector_store %arg7[%swap3A_821, %swap3A_822], %broadcast_in_dim3A_3 {strides = array<i32>} : memref<802x128xf32, #tpu.memory_space<vmem>>, vector<16xf32>,
      %add3A_824 = arith.constant 14 : i32
      %add3A_825 = arith.addi %add3A_234, %add3A_824 : i32
      %swap3A_826 = arith.index_cast %add3A_825 : i32 to index
      %swap3A_827 = arith.constant 96 : index
      %swap3A_828 = tpu.vector_load %arg7[%swap3A_826, %swap3A_827] {strides = array<i32>} : memref<802x128xf32, #tpu.memory_space<vmem>>, vector<16xf32>,
      tpu.vector_store %arg7[%swap3A_826, %swap3A_827], %broadcast_in_dim3A_3 {strides = array<i32>} : memref<802x128xf32, #tpu.memory_space<vmem>>, vector<16xf32>,
      %add3A_829 = arith.constant 14 : i32
      %add3A_830 = arith.addi %add3A_234, %add3A_829 : i32
      %swap3A_831 = arith.index_cast %add3A_830 : i32 to index
      %swap3A_832 = arith.constant 112 : index
      %swap3A_833 = tpu.vector_load %arg7[%swap3A_831, %swap3A_832] {strides = array<i32>} : memref<802x128xf32, #tpu.memory_space<vmem>>, vector<16xf32>,
      tpu.vector_store %arg7[%swap3A_831, %swap3A_832], %broadcast_in_dim3A_3 {strides = array<i32>} : memref<802x128xf32, #tpu.memory_space<vmem>>, vector<16xf32>,
      %add3A_834 = arith.constant 15 : i32
      %add3A_835 = arith.addi %add3A_234, %add3A_834 : i32
      %swap3A_836 = arith.index_cast %add3A_835 : i32 to index
      %swap3A_837 = arith.constant 0 : index
      %swap3A_838 = tpu.vector_load %arg7[%swap3A_836, %swap3A_837] {strides = array<i32>} : memref<802x128xf32, #tpu.memory_space<vmem>>, vector<16xf32>,
      tpu.vector_store %arg7[%swap3A_836, %swap3A_837], %broadcast_in_dim3A_3 {strides = array<i32>} : memref<802x128xf32, #tpu.memory_space<vmem>>, vector<16xf32>,
      %add3A_839 = arith.constant 15 : i32
      %add3A_840 = arith.addi %add3A_234, %add3A_839 : i32
      %swap3A_841 = arith.index_cast %add3A_840 : i32 to index
      %swap3A_842 = arith.constant 16 : index
      %swap3A_843 = tpu.vector_load %arg7[%swap3A_841, %swap3A_842] {strides = array<i32>} : memref<802x128xf32, #tpu.memory_space<vmem>>, vector<16xf32>,
      tpu.vector_store %arg7[%swap3A_841, %swap3A_842], %broadcast_in_dim3A_3 {strides = array<i32>} : memref<802x128xf32, #tpu.memory_space<vmem>>, vector<16xf32>,
      %add3A_844 = arith.constant 15 : i32
      %add3A_845 = arith.addi %add3A_234, %add3A_844 : i32
      %swap3A_846 = arith.index_cast %add3A_845 : i32 to index
      %swap3A_847 = arith.constant 32 : index
      %swap3A_848 = tpu.vector_load %arg7[%swap3A_846, %swap3A_847] {strides = array<i32>} : memref<802x128xf32, #tpu.memory_space<vmem>>, vector<16xf32>,
      tpu.vector_store %arg7[%swap3A_846, %swap3A_847], %broadcast_in_dim3A_3 {strides = array<i32>} : memref<802x128xf32, #tpu.memory_space<vmem>>, vector<16xf32>,
      %add3A_849 = arith.constant 15 : i32
      %add3A_850 = arith.addi %add3A_234, %add3A_849 : i32
      %swap3A_851 = arith.index_cast %add3A_850 : i32 to index
      %swap3A_852 = arith.constant 48 : index
      %swap3A_853 = tpu.vector_load %arg7[%swap3A_851, %swap3A_852] {strides = array<i32>} : memref<802x128xf32, #tpu.memory_space<vmem>>, vector<16xf32>,
      tpu.vector_store %arg7[%swap3A_851, %swap3A_852], %broadcast_in_dim3A_3 {strides = array<i32>} : memref<802x128xf32, #tpu.memory_space<vmem>>, vector<16xf32>,
      %add3A_854 = arith.constant 15 : i32
      %add3A_855 = arith.addi %add3A_234, %add3A_854 : i32
      %swap3A_856 = arith.index_cast %add3A_855 : i32 to index
      %swap3A_857 = arith.constant 64 : index
      %swap3A_858 = tpu.vector_load %arg7[%swap3A_856, %swap3A_857] {strides = array<i32>} : memref<802x128xf32, #tpu.memory_space<vmem>>, vector<16xf32>,
      tpu.vector_store %arg7[%swap3A_856, %swap3A_857], %broadcast_in_dim3A_3 {strides = array<i32>} : memref<802x128xf32, #tpu.memory_space<vmem>>, vector<16xf32>,
      %add3A_859 = arith.constant 15 : i32
      %add3A_860 = arith.addi %add3A_234, %add3A_859 : i32
      %swap3A_861 = arith.index_cast %add3A_860 : i32 to index
      %swap3A_862 = arith.constant 80 : index
      %swap3A_863 = tpu.vector_load %arg7[%swap3A_861, %swap3A_862] {strides = array<i32>} : memref<802x128xf32, #tpu.memory_space<vmem>>, vector<16xf32>,
      tpu.vector_store %arg7[%swap3A_861, %swap3A_862], %broadcast_in_dim3A_3 {strides = array<i32>} : memref<802x128xf32, #tpu.memory_space<vmem>>, vector<16xf32>,
      %add3A_864 = arith.constant 15 : i32
      %add3A_865 = arith.addi %add3A_234, %add3A_864 : i32
      %swap3A_866 = arith.index_cast %add3A_865 : i32 to index
      %swap3A_867 = arith.constant 96 : index
      %swap3A_868 = tpu.vector_load %arg7[%swap3A_866, %swap3A_867] {strides = array<i32>} : memref<802x128xf32, #tpu.memory_space<vmem>>, vector<16xf32>,
      tpu.vector_store %arg7[%swap3A_866, %swap3A_867], %broadcast_in_dim3A_3 {strides = array<i32>} : memref<802x128xf32, #tpu.memory_space<vmem>>, vector<16xf32>,
      %add3A_869 = arith.constant 15 : i32
      %add3A_870 = arith.addi %add3A_234, %add3A_869 : i32
      %swap3A_871 = arith.index_cast %add3A_870 : i32 to index
      %swap3A_872 = arith.constant 112 : index
      %swap3A_873 = tpu.vector_load %arg7[%swap3A_871, %swap3A_872] {strides = array<i32>} : memref<802x128xf32, #tpu.memory_space<vmem>>, vector<16xf32>,
      tpu.vector_store %arg7[%swap3A_871, %swap3A_872], %broadcast_in_dim3A_3 {strides = array<i32>} : memref<802x128xf32, #tpu.memory_space<vmem>>, vector<16xf32>,
      %while3A_874 = arith.constant 0 : i32
      scf.yield %while3A_874 : i32
    }
    %while3A_89 = arith.constant 1 : i32
    %while3A_90 = scf.for %while3A_230 = %while3A_86 to %while3A_82 step %while3A_89 iter_args(%while3A_231 = %while3A_88) -> (i32)  : i32 {
      %mul3A_232 = arith.constant 16 : i32
      %mul3A_233 = arith.muli %while3A_230, %mul3A_232 : i32
      %add3A_234 = arith.addi %shift_right_logical3A_72, %mul3A_233 : i32
      %add3A_235 = arith.constant 0 : i32
      %add3A_236 = arith.addi %add3A_234, %add3A_235 : i32
      %swap3A = arith.index_cast %add3A_236 : i32 to index
      %swap3A_237 = arith.constant 0 : index
      %swap3A_238 = tpu.vector_load %arg7[%swap3A, %swap3A_237] {strides = array<i32>} : memref<802x128xf32, #tpu.memory_space<vmem>>, vector<16xf32>,
      tpu.vector_store %arg7[%swap3A, %swap3A_237], %broadcast_in_dim3A_3 {strides = array<i32>} : memref<802x128xf32, #tpu.memory_space<vmem>>, vector<16xf32>,
      %add3A_239 = arith.constant 0 : i32
      %add3A_240 = arith.addi %add3A_234, %add3A_239 : i32
      %swap3A_241 = arith.index_cast %add3A_240 : i32 to index
      %swap3A_242 = arith.constant 16 : index
      %swap3A_243 = tpu.vector_load %arg7[%swap3A_241, %swap3A_242] {strides = array<i32>} : memref<802x128xf32, #tpu.memory_space<vmem>>, vector<16xf32>,
      tpu.vector_store %arg7[%swap3A_241, %swap3A_242], %broadcast_in_dim3A_3 {strides = array<i32>} : memref<802x128xf32, #tpu.memory_space<vmem>>, vector<16xf32>,
      %add3A_244 = arith.constant 0 : i32
      %add3A_245 = arith.addi %add3A_234, %add3A_244 : i32
      %swap3A_246 = arith.index_cast %add3A_245 : i32 to index
      %swap3A_247 = arith.constant 32 : index
      %swap3A_248 = tpu.vector_load %arg7[%swap3A_246, %swap3A_247] {strides = array<i32>} : memref<802x128xf32, #tpu.memory_space<vmem>>, vector<16xf32>,
      tpu.vector_store %arg7[%swap3A_246, %swap3A_247], %broadcast_in_dim3A_3 {strides = array<i32>} : memref<802x128xf32, #tpu.memory_space<vmem>>, vector<16xf32>,
      %add3A_249 = arith.constant 0 : i32
      %add3A_250 = arith.addi %add3A_234, %add3A_249 : i32
      %swap3A_251 = arith.index_cast %add3A_250 : i32 to index
      %swap3A_252 = arith.constant 48 : index
      %swap3A_253 = tpu.vector_load %arg7[%swap3A_251, %swap3A_252] {strides = array<i32>} : memref<802x128xf32, #tpu.memory_space<vmem>>, vector<16xf32>,
      tpu.vector_store %arg7[%swap3A_251, %swap3A_252], %broadcast_in_dim3A_3 {strides = array<i32>} : memref<802x128xf32, #tpu.memory_space<vmem>>, vector<16xf32>,
      %add3A_254 = arith.constant 0 : i32
      %add3A_255 = arith.addi %add3A_234, %add3A_254 : i32
      %swap3A_256 = arith.index_cast %add3A_255 : i32 to index
      %swap3A_257 = arith.constant 64 : index
      %swap3A_258 = tpu.vector_load %arg7[%swap3A_256, %swap3A_257] {strides = array<i32>} : memref<802x128xf32, #tpu.memory_space<vmem>>, vector<16xf32>,
      tpu.vector_store %arg7[%swap3A_256, %swap3A_257], %broadcast_in_dim3A_3 {strides = array<i32>} : memref<802x128xf32, #tpu.memory_space<vmem>>, vector<16xf32>,
      %add3A_259 = arith.constant 0 : i32
      %add3A_260 = arith.addi %add3A_234, %add3A_259 : i32
      %swap3A_261 = arith.index_cast %add3A_260 : i32 to index
      %swap3A_262 = arith.constant 80 : index
      %swap3A_263 = tpu.vector_load %arg7[%swap3A_261, %swap3A_262] {strides = array<i32>} : memref<802x128xf32, #tpu.memory_space<vmem>>, vector<16xf32>,
      tpu.vector_store %arg7[%swap3A_261, %swap3A_262], %broadcast_in_dim3A_3 {strides = array<i32>} : memref<802x128xf32, #tpu.memory_space<vmem>>, vector<16xf32>,
      %add3A_264 = arith.constant 0 : i32
      %add3A_265 = arith.addi %add3A_234, %add3A_264 : i32
      %swap3A_266 = arith.index_cast %add3A_265 : i32 to index
      %swap3A_267 = arith.constant 96 : index
      %swap3A_268 = tpu.vector_load %arg7[%swap3A_266, %swap3A_267] {strides = array<i32>} : memref<802x128xf32, #tpu.memory_space<vmem>>, vector<16xf32>,
      tpu.vector_store %arg7[%swap3A_266, %swap3A_267], %broadcast_in_dim3A_3 {strides = array<i32>} : memref<802x128xf32, #tpu.memory_space<vmem>>, vector<16xf32>,
      %add3A_269 = arith.constant 0 : i32
      %add3A_270 = arith.addi %add3A_234, %add3A_269 : i32
      %swap3A_271 = arith.index_cast %add3A_270 : i32 to index
      %swap3A_272 = arith.constant 112 : index
      %swap3A_273 = tpu.vector_load %arg7[%swap3A_271, %swap3A_272] {strides = array<i32>} : memref<802x128xf32, #tpu.memory_space<vmem>>, vector<16xf32>,
      tpu.vector_store %arg7[%swap3A_271, %swap3A_272], %broadcast_in_dim3A_3 {strides = array<i32>} : memref<802x128xf32, #tpu.memory_space<vmem>>, vector<16xf32>,
      %add3A_274 = arith.constant 1 : i32
      %add3A_275 = arith.addi %add3A_234, %add3A_274 : i32
      %swap3A_276 = arith.index_cast %add3A_275 : i32 to index
      %swap3A_277 = arith.constant 0 : index
      %swap3A_278 = tpu.vector_load %arg7[%swap3A_276, %swap3A_277] {strides = array<i32>} : memref<802x128xf32, #tpu.memory_space<vmem>>, vector<16xf32>,
      tpu.vector_store %arg7[%swap3A_276, %swap3A_277], %broadcast_in_dim3A_3 {strides = array<i32>} : memref<802x128xf32, #tpu.memory_space<vmem>>, vector<16xf32>,
      %add3A_279 = arith.constant 1 : i32
      %add3A_280 = arith.addi %add3A_234, %add3A_279 : i32
      %swap3A_281 = arith.index_cast %add3A_280 : i32 to index
      %swap3A_282 = arith.constant 16 : index
      %swap3A_283 = tpu.vector_load %arg7[%swap3A_281, %swap3A_282] {strides = array<i32>} : memref<802x128xf32, #tpu.memory_space<vmem>>, vector<16xf32>,
      tpu.vector_store %arg7[%swap3A_281, %swap3A_282], %broadcast_in_dim3A_3 {strides = array<i32>} : memref<802x128xf32, #tpu.memory_space<vmem>>, vector<16xf32>,
      %add3A_284 = arith.constant 1 : i32
      %add3A_285 = arith.addi %add3A_234, %add3A_284 : i32
      %swap3A_286 = arith.index_cast %add3A_285 : i32 to index
      %swap3A_287 = arith.constant 32 : index
      %swap3A_288 = tpu.vector_load %arg7[%swap3A_286, %swap3A_287] {strides = array<i32>} : memref<802x128xf32, #tpu.memory_space<vmem>>, vector<16xf32>,
      tpu.vector_store %arg7[%swap3A_286, %swap3A_287], %broadcast_in_dim3A_3 {strides = array<i32>} : memref<802x128xf32, #tpu.memory_space<vmem>>, vector<16xf32>,
      %add3A_289 = arith.constant 1 : i32
      %add3A_290 = arith.addi %add3A_234, %add3A_289 : i32
      %swap3A_291 = arith.index_cast %add3A_290 : i32 to index
      %swap3A_292 = arith.constant 48 : index
      %swap3A_293 = tpu.vector_load %arg7[%swap3A_291, %swap3A_292] {strides = array<i32>} : memref<802x128xf32, #tpu.memory_space<vmem>>, vector<16xf32>,
      tpu.vector_store %arg7[%swap3A_291, %swap3A_292], %broadcast_in_dim3A_3 {strides = array<i32>} : memref<802x128xf32, #tpu.memory_space<vmem>>, vector<16xf32>,
      %add3A_294 = arith.constant 1 : i32
      %add3A_295 = arith.addi %add3A_234, %add3A_294 : i32
      %swap3A_296 = arith.index_cast %add3A_295 : i32 to index
      %swap3A_297 = arith.constant 64 : index
      %swap3A_298 = tpu.vector_load %arg7[%swap3A_296, %swap3A_297] {strides = array<i32>} : memref<802x128xf32, #tpu.memory_space<vmem>>, vector<16xf32>,
      tpu.vector_store %arg7[%swap3A_296, %swap3A_297], %broadcast_in_dim3A_3 {strides = array<i32>} : memref<802x128xf32, #tpu.memory_space<vmem>>, vector<16xf32>,
      %add3A_299 = arith.constant 1 : i32
      %add3A_300 = arith.addi %add3A_234, %add3A_299 : i32
      %swap3A_301 = arith.index_cast %add3A_300 : i32 to index
      %swap3A_302 = arith.constant 80 : index
      %swap3A_303 = tpu.vector_load %arg7[%swap3A_301, %swap3A_302] {strides = array<i32>} : memref<802x128xf32, #tpu.memory_space<vmem>>, vector<16xf32>,
      tpu.vector_store %arg7[%swap3A_301, %swap3A_302], %broadcast_in_dim3A_3 {strides = array<i32>} : memref<802x128xf32, #tpu.memory_space<vmem>>, vector<16xf32>,
      %add3A_304 = arith.constant 1 : i32
      %add3A_305 = arith.addi %add3A_234, %add3A_304 : i32
      %swap3A_306 = arith.index_cast %add3A_305 : i32 to index
      %swap3A_307 = arith.constant 96 : index
      %swap3A_308 = tpu.vector_load %arg7[%swap3A_306, %swap3A_307] {strides = array<i32>} : memref<802x128xf32, #tpu.memory_space<vmem>>, vector<16xf32>,
      tpu.vector_store %arg7[%swap3A_306, %swap3A_307], %broadcast_in_dim3A_3 {strides = array<i32>} : memref<802x128xf32, #tpu.memory_space<vmem>>, vector<16xf32>,
      %add3A_309 = arith.constant 1 : i32
      %add3A_310 = arith.addi %add3A_234, %add3A_309 : i32
      %swap3A_311 = arith.index_cast %add3A_310 : i32 to index
      %swap3A_312 = arith.constant 112 : index
      %swap3A_313 = tpu.vector_load %arg7[%swap3A_311, %swap3A_312] {strides = array<i32>} : memref<802x128xf32, #tpu.memory_space<vmem>>, vector<16xf32>,
      tpu.vector_store %arg7[%swap3A_311, %swap3A_312], %broadcast_in_dim3A_3 {strides = array<i32>} : memref<802x128xf32, #tpu.memory_space<vmem>>, vector<16xf32>,
      %add3A_314 = arith.constant 2 : i32
      %add3A_315 = arith.addi %add3A_234, %add3A_314 : i32
      %swap3A_316 = arith.index_cast %add3A_315 : i32 to index
      %swap3A_317 = arith.constant 0 : index
      %swap3A_318 = tpu.vector_load %arg7[%swap3A_316, %swap3A_317] {strides = array<i32>} : memref<802x128xf32, #tpu.memory_space<vmem>>, vector<16xf32>,
      tpu.vector_store %arg7[%swap3A_316, %swap3A_317], %broadcast_in_dim3A_3 {strides = array<i32>} : memref<802x128xf32, #tpu.memory_space<vmem>>, vector<16xf32>,
      %add3A_319 = arith.constant 2 : i32
      %add3A_320 = arith.addi %add3A_234, %add3A_319 : i32
      %swap3A_321 = arith.index_cast %add3A_320 : i32 to index
      %swap3A_322 = arith.constant 16 : index
      %swap3A_323 = tpu.vector_load %arg7[%swap3A_321, %swap3A_322] {strides = array<i32>} : memref<802x128xf32, #tpu.memory_space<vmem>>, vector<16xf32>,
      tpu.vector_store %arg7[%swap3A_321, %swap3A_322], %broadcast_in_dim3A_3 {strides = array<i32>} : memref<802x128xf32, #tpu.memory_space<vmem>>, vector<16xf32>,
      %add3A_324 = arith.constant 2 : i32
      %add3A_325 = arith.addi %add3A_234, %add3A_324 : i32
      %swap3A_326 = arith.index_cast %add3A_325 : i32 to index
      %swap3A_327 = arith.constant 32 : index
      %swap3A_328 = tpu.vector_load %arg7[%swap3A_326, %swap3A_327] {strides = array<i32>} : memref<802x128xf32, #tpu.memory_space<vmem>>, vector<16xf32>,
      tpu.vector_store %arg7[%swap3A_326, %swap3A_327], %broadcast_in_dim3A_3 {strides = array<i32>} : memref<802x128xf32, #tpu.memory_space<vmem>>, vector<16xf32>,
      %add3A_329 = arith.constant 2 : i32
      %add3A_330 = arith.addi %add3A_234, %add3A_329 : i32
      %swap3A_331 = arith.index_cast %add3A_330 : i32 to index
      %swap3A_332 = arith.constant 48 : index
      %swap3A_333 = tpu.vector_load %arg7[%swap3A_331, %swap3A_332] {strides = array<i32>} : memref<802x128xf32, #tpu.memory_space<vmem>>, vector<16xf32>,
      tpu.vector_store %arg7[%swap3A_331, %swap3A_332], %broadcast_in_dim3A_3 {strides = array<i32>} : memref<802x128xf32, #tpu.memory_space<vmem>>, vector<16xf32>,
      %add3A_334 = arith.constant 2 : i32
      %add3A_335 = arith.addi %add3A_234, %add3A_334 : i32
      %swap3A_336 = arith.index_cast %add3A_335 : i32 to index
      %swap3A_337 = arith.constant 64 : index
      %swap3A_338 = tpu.vector_load %arg7[%swap3A_336, %swap3A_337] {strides = array<i32>} : memref<802x128xf32, #tpu.memory_space<vmem>>, vector<16xf32>,
      tpu.vector_store %arg7[%swap3A_336, %swap3A_337], %broadcast_in_dim3A_3 {strides = array<i32>} : memref<802x128xf32, #tpu.memory_space<vmem>>, vector<16xf32>,
      %add3A_339 = arith.constant 2 : i32
      %add3A_340 = arith.addi %add3A_234, %add3A_339 : i32
      %swap3A_341 = arith.index_cast %add3A_340 : i32 to index
      %swap3A_342 = arith.constant 80 : index
      %swap3A_343 = tpu.vector_load %arg7[%swap3A_341, %swap3A_342] {strides = array<i32>} : memref<802x128xf32, #tpu.memory_space<vmem>>, vector<16xf32>,
      tpu.vector_store %arg7[%swap3A_341, %swap3A_342], %broadcast_in_dim3A_3 {strides = array<i32>} : memref<802x128xf32, #tpu.memory_space<vmem>>, vector<16xf32>,
      %add3A_344 = arith.constant 2 : i32
      %add3A_345 = arith.addi %add3A_234, %add3A_344 : i32
      %swap3A_346 = arith.index_cast %add3A_345 : i32 to index
      %swap3A_347 = arith.constant 96 : index
      %swap3A_348 = tpu.vector_load %arg7[%swap3A_346, %swap3A_347] {strides = array<i32>} : memref<802x128xf32, #tpu.memory_space<vmem>>, vector<16xf32>,
      tpu.vector_store %arg7[%swap3A_346, %swap3A_347], %broadcast_in_dim3A_3 {strides = array<i32>} : memref<802x128xf32, #tpu.memory_space<vmem>>, vector<16xf32>,
      %add3A_349 = arith.constant 2 : i32
      %add3A_350 = arith.addi %add3A_234, %add3A_349 : i32
      %swap3A_351 = arith.index_cast %add3A_350 : i32 to index
      %swap3A_352 = arith.constant 112 : index
      %swap3A_353 = tpu.vector_load %arg7[%swap3A_351, %swap3A_352] {strides = array<i32>} : memref<802x128xf32, #tpu.memory_space<vmem>>, vector<16xf32>,
      tpu.vector_store %arg7[%swap3A_351, %swap3A_352], %broadcast_in_dim3A_3 {strides = array<i32>} : memref<802x128xf32, #tpu.memory_space<vmem>>, vector<16xf32>,
      %add3A_354 = arith.constant 3 : i32
      %add3A_355 = arith.addi %add3A_234, %add3A_354 : i32
      %swap3A_356 = arith.index_cast %add3A_355 : i32 to index
      %swap3A_357 = arith.constant 0 : index
      %swap3A_358 = tpu.vector_load %arg7[%swap3A_356, %swap3A_357] {strides = array<i32>} : memref<802x128xf32, #tpu.memory_space<vmem>>, vector<16xf32>,
      tpu.vector_store %arg7[%swap3A_356, %swap3A_357], %broadcast_in_dim3A_3 {strides = array<i32>} : memref<802x128xf32, #tpu.memory_space<vmem>>, vector<16xf32>,
      %add3A_359 = arith.constant 3 : i32
      %add3A_360 = arith.addi %add3A_234, %add3A_359 : i32
      %swap3A_361 = arith.index_cast %add3A_360 : i32 to index
      %swap3A_362 = arith.constant 16 : index
      %swap3A_363 = tpu.vector_load %arg7[%swap3A_361, %swap3A_362] {strides = array<i32>} : memref<802x128xf32, #tpu.memory_space<vmem>>, vector<16xf32>,
      tpu.vector_store %arg7[%swap3A_361, %swap3A_362], %broadcast_in_dim3A_3 {strides = array<i32>} : memref<802x128xf32, #tpu.memory_space<vmem>>, vector<16xf32>,
      %add3A_364 = arith.constant 3 : i32
      %add3A_365 = arith.addi %add3A_234, %add3A_364 : i32
      %swap3A_366 = arith.index_cast %add3A_365 : i32 to index
      %swap3A_367 = arith.constant 32 : index
      %swap3A_368 = tpu.vector_load %arg7[%swap3A_366, %swap3A_367] {strides = array<i32>} : memref<802x128xf32, #tpu.memory_space<vmem>>, vector<16xf32>,
      tpu.vector_store %arg7[%swap3A_366, %swap3A_367], %broadcast_in_dim3A_3 {strides = array<i32>} : memref<802x128xf32, #tpu.memory_space<vmem>>, vector<16xf32>,
      %add3A_369 = arith.constant 3 : i32
      %add3A_370 = arith.addi %add3A_234, %add3A_369 : i32
      %swap3A_371 = arith.index_cast %add3A_370 : i32 to index
      %swap3A_372 = arith.constant 48 : index
      %swap3A_373 = tpu.vector_load %arg7[%swap3A_371, %swap3A_372] {strides = array<i32>} : memref<802x128xf32, #tpu.memory_space<vmem>>, vector<16xf32>,
      tpu.vector_store %arg7[%swap3A_371, %swap3A_372], %broadcast_in_dim3A_3 {strides = array<i32>} : memref<802x128xf32, #tpu.memory_space<vmem>>, vector<16xf32>,
      %add3A_374 = arith.constant 3 : i32
      %add3A_375 = arith.addi %add3A_234, %add3A_374 : i32
      %swap3A_376 = arith.index_cast %add3A_375 : i32 to index
      %swap3A_377 = arith.constant 64 : index
      %swap3A_378 = tpu.vector_load %arg7[%swap3A_376, %swap3A_377] {strides = array<i32>} : memref<802x128xf32, #tpu.memory_space<vmem>>, vector<16xf32>,
      tpu.vector_store %arg7[%swap3A_376, %swap3A_377], %broadcast_in_dim3A_3 {strides = array<i32>} : memref<802x128xf32, #tpu.memory_space<vmem>>, vector<16xf32>,
      %add3A_379 = arith.constant 3 : i32
      %add3A_380 = arith.addi %add3A_234, %add3A_379 : i32
      %swap3A_381 = arith.index_cast %add3A_380 : i32 to index
      %swap3A_382 = arith.constant 80 : index
      %swap3A_383 = tpu.vector_load %arg7[%swap3A_381, %swap3A_382] {strides = array<i32>} : memref<802x128xf32, #tpu.memory_space<vmem>>, vector<16xf32>,
      tpu.vector_store %arg7[%swap3A_381, %swap3A_382], %broadcast_in_dim3A_3 {strides = array<i32>} : memref<802x128xf32, #tpu.memory_space<vmem>>, vector<16xf32>,
      %add3A_384 = arith.constant 3 : i32
      %add3A_385 = arith.addi %add3A_234, %add3A_384 : i32
      %swap3A_386 = arith.index_cast %add3A_385 : i32 to index
      %swap3A_387 = arith.constant 96 : index
      %swap3A_388 = tpu.vector_load %arg7[%swap3A_386, %swap3A_387] {strides = array<i32>} : memref<802x128xf32, #tpu.memory_space<vmem>>, vector<16xf32>,
      tpu.vector_store %arg7[%swap3A_386, %swap3A_387], %broadcast_in_dim3A_3 {strides = array<i32>} : memref<802x128xf32, #tpu.memory_space<vmem>>, vector<16xf32>,
      %add3A_389 = arith.constant 3 : i32
      %add3A_390 = arith.addi %add3A_234, %add3A_389 : i32
      %swap3A_391 = arith.index_cast %add3A_390 : i32 to index
      %swap3A_392 = arith.constant 112 : index
      %swap3A_393 = tpu.vector_load %arg7[%swap3A_391, %swap3A_392] {strides = array<i32>} : memref<802x128xf32, #tpu.memory_space<vmem>>, vector<16xf32>,
      tpu.vector_store %arg7[%swap3A_391, %swap3A_392], %broadcast_in_dim3A_3 {strides = array<i32>} : memref<802x128xf32, #tpu.memory_space<vmem>>, vector<16xf32>,
      %add3A_394 = arith.constant 4 : i32
      %add3A_395 = arith.addi %add3A_234, %add3A_394 : i32
      %swap3A_396 = arith.index_cast %add3A_395 : i32 to index
      %swap3A_397 = arith.constant 0 : index
      %swap3A_398 = tpu.vector_load %arg7[%swap3A_396, %swap3A_397] {strides = array<i32>} : memref<802x128xf32, #tpu.memory_space<vmem>>, vector<16xf32>,
      tpu.vector_store %arg7[%swap3A_396, %swap3A_397], %broadcast_in_dim3A_3 {strides = array<i32>} : memref<802x128xf32, #tpu.memory_space<vmem>>, vector<16xf32>,
      %add3A_399 = arith.constant 4 : i32
      %add3A_400 = arith.addi %add3A_234, %add3A_399 : i32
      %swap3A_401 = arith.index_cast %add3A_400 : i32 to index
      %swap3A_402 = arith.constant 16 : index
      %swap3A_403 = tpu.vector_load %arg7[%swap3A_401, %swap3A_402] {strides = array<i32>} : memref<802x128xf32, #tpu.memory_space<vmem>>, vector<16xf32>,
      tpu.vector_store %arg7[%swap3A_401, %swap3A_402], %broadcast_in_dim3A_3 {strides = array<i32>} : memref<802x128xf32, #tpu.memory_space<vmem>>, vector<16xf32>,
      %add3A_404 = arith.constant 4 : i32
      %add3A_405 = arith.addi %add3A_234, %add3A_404 : i32
      %swap3A_406 = arith.index_cast %add3A_405 : i32 to index
      %swap3A_407 = arith.constant 32 : index
      %swap3A_408 = tpu.vector_load %arg7[%swap3A_406, %swap3A_407] {strides = array<i32>} : memref<802x128xf32, #tpu.memory_space<vmem>>, vector<16xf32>,
      tpu.vector_store %arg7[%swap3A_406, %swap3A_407], %broadcast_in_dim3A_3 {strides = array<i32>} : memref<802x128xf32, #tpu.memory_space<vmem>>, vector<16xf32>,
      %add3A_409 = arith.constant 4 : i32
      %add3A_410 = arith.addi %add3A_234, %add3A_409 : i32
      %swap3A_411 = arith.index_cast %add3A_410 : i32 to index
      %swap3A_412 = arith.constant 48 : index
      %swap3A_413 = tpu.vector_load %arg7[%swap3A_411, %swap3A_412] {strides = array<i32>} : memref<802x128xf32, #tpu.memory_space<vmem>>, vector<16xf32>,
      tpu.vector_store %arg7[%swap3A_411, %swap3A_412], %broadcast_in_dim3A_3 {strides = array<i32>} : memref<802x128xf32, #tpu.memory_space<vmem>>, vector<16xf32>,
      %add3A_414 = arith.constant 4 : i32
      %add3A_415 = arith.addi %add3A_234, %add3A_414 : i32
      %swap3A_416 = arith.index_cast %add3A_415 : i32 to index
      %swap3A_417 = arith.constant 64 : index
      %swap3A_418 = tpu.vector_load %arg7[%swap3A_416, %swap3A_417] {strides = array<i32>} : memref<802x128xf32, #tpu.memory_space<vmem>>, vector<16xf32>,
      tpu.vector_store %arg7[%swap3A_416, %swap3A_417], %broadcast_in_dim3A_3 {strides = array<i32>} : memref<802x128xf32, #tpu.memory_space<vmem>>, vector<16xf32>,
      %add3A_419 = arith.constant 4 : i32
      %add3A_420 = arith.addi %add3A_234, %add3A_419 : i32
      %swap3A_421 = arith.index_cast %add3A_420 : i32 to index
      %swap3A_422 = arith.constant 80 : index
      %swap3A_423 = tpu.vector_load %arg7[%swap3A_421, %swap3A_422] {strides = array<i32>} : memref<802x128xf32, #tpu.memory_space<vmem>>, vector<16xf32>,
      tpu.vector_store %arg7[%swap3A_421, %swap3A_422], %broadcast_in_dim3A_3 {strides = array<i32>} : memref<802x128xf32, #tpu.memory_space<vmem>>, vector<16xf32>,
      %add3A_424 = arith.constant 4 : i32
      %add3A_425 = arith.addi %add3A_234, %add3A_424 : i32
      %swap3A_426 = arith.index_cast %add3A_425 : i32 to index
      %swap3A_427 = arith.constant 96 : index
      %swap3A_428 = tpu.vector_load %arg7[%swap3A_426, %swap3A_427] {strides = array<i32>} : memref<802x128xf32, #tpu.memory_space<vmem>>, vector<16xf32>,
      tpu.vector_store %arg7[%swap3A_426, %swap3A_427], %broadcast_in_dim3A_3 {strides = array<i32>} : memref<802x128xf32, #tpu.memory_space<vmem>>, vector<16xf32>,
      %add3A_429 = arith.constant 4 : i32
      %add3A_430 = arith.addi %add3A_234, %add3A_429 : i32
      %swap3A_431 = arith.index_cast %add3A_430 : i32 to index
      %swap3A_432 = arith.constant 112 : index
      %swap3A_433 = tpu.vector_load %arg7[%swap3A_431, %swap3A_432] {strides = array<i32>} : memref<802x128xf32, #tpu.memory_space<vmem>>, vector<16xf32>,
      tpu.vector_store %arg7[%swap3A_431, %swap3A_432], %broadcast_in_dim3A_3 {strides = array<i32>} : memref<802x128xf32, #tpu.memory_space<vmem>>, vector<16xf32>,
      %add3A_434 = arith.constant 5 : i32
      %add3A_435 = arith.addi %add3A_234, %add3A_434 : i32
      %swap3A_436 = arith.index_cast %add3A_435 : i32 to index
      %swap3A_437 = arith.constant 0 : index
      %swap3A_438 = tpu.vector_load %arg7[%swap3A_436, %swap3A_437] {strides = array<i32>} : memref<802x128xf32, #tpu.memory_space<vmem>>, vector<16xf32>,
      tpu.vector_store %arg7[%swap3A_436, %swap3A_437], %broadcast_in_dim3A_3 {strides = array<i32>} : memref<802x128xf32, #tpu.memory_space<vmem>>, vector<16xf32>,
      %add3A_439 = arith.constant 5 : i32
      %add3A_440 = arith.addi %add3A_234, %add3A_439 : i32
      %swap3A_441 = arith.index_cast %add3A_440 : i32 to index
      %swap3A_442 = arith.constant 16 : index
      %swap3A_443 = tpu.vector_load %arg7[%swap3A_441, %swap3A_442] {strides = array<i32>} : memref<802x128xf32, #tpu.memory_space<vmem>>, vector<16xf32>,
      tpu.vector_store %arg7[%swap3A_441, %swap3A_442], %broadcast_in_dim3A_3 {strides = array<i32>} : memref<802x128xf32, #tpu.memory_space<vmem>>, vector<16xf32>,
      %add3A_444 = arith.constant 5 : i32
      %add3A_445 = arith.addi %add3A_234, %add3A_444 : i32
      %swap3A_446 = arith.index_cast %add3A_445 : i32 to index
      %swap3A_447 = arith.constant 32 : index
      %swap3A_448 = tpu.vector_load %arg7[%swap3A_446, %swap3A_447] {strides = array<i32>} : memref<802x128xf32, #tpu.memory_space<vmem>>, vector<16xf32>,
      tpu.vector_store %arg7[%swap3A_446, %swap3A_447], %broadcast_in_dim3A_3 {strides = array<i32>} : memref<802x128xf32, #tpu.memory_space<vmem>>, vector<16xf32>,
      %add3A_449 = arith.constant 5 : i32
      %add3A_450 = arith.addi %add3A_234, %add3A_449 : i32
      %swap3A_451 = arith.index_cast %add3A_450 : i32 to index
      %swap3A_452 = arith.constant 48 : index
      %swap3A_453 = tpu.vector_load %arg7[%swap3A_451, %swap3A_452] {strides = array<i32>} : memref<802x128xf32, #tpu.memory_space<vmem>>, vector<16xf32>,
      tpu.vector_store %arg7[%swap3A_451, %swap3A_452], %broadcast_in_dim3A_3 {strides = array<i32>} : memref<802x128xf32, #tpu.memory_space<vmem>>, vector<16xf32>,
      %add3A_454 = arith.constant 5 : i32
      %add3A_455 = arith.addi %add3A_234, %add3A_454 : i32
      %swap3A_456 = arith.index_cast %add3A_455 : i32 to index
      %swap3A_457 = arith.constant 64 : index
      %swap3A_458 = tpu.vector_load %arg7[%swap3A_456, %swap3A_457] {strides = array<i32>} : memref<802x128xf32, #tpu.memory_space<vmem>>, vector<16xf32>,
      tpu.vector_store %arg7[%swap3A_456, %swap3A_457], %broadcast_in_dim3A_3 {strides = array<i32>} : memref<802x128xf32, #tpu.memory_space<vmem>>, vector<16xf32>,
      %add3A_459 = arith.constant 5 : i32
      %add3A_460 = arith.addi %add3A_234, %add3A_459 : i32
      %swap3A_461 = arith.index_cast %add3A_460 : i32 to index
      %swap3A_462 = arith.constant 80 : index
      %swap3A_463 = tpu.vector_load %arg7[%swap3A_461, %swap3A_462] {strides = array<i32>} : memref<802x128xf32, #tpu.memory_space<vmem>>, vector<16xf32>,
      tpu.vector_store %arg7[%swap3A_461, %swap3A_462], %broadcast_in_dim3A_3 {strides = array<i32>} : memref<802x128xf32, #tpu.memory_space<vmem>>, vector<16xf32>,
      %add3A_464 = arith.constant 5 : i32
      %add3A_465 = arith.addi %add3A_234, %add3A_464 : i32
      %swap3A_466 = arith.index_cast %add3A_465 : i32 to index
      %swap3A_467 = arith.constant 96 : index
      %swap3A_468 = tpu.vector_load %arg7[%swap3A_466, %swap3A_467] {strides = array<i32>} : memref<802x128xf32, #tpu.memory_space<vmem>>, vector<16xf32>,
      tpu.vector_store %arg7[%swap3A_466, %swap3A_467], %broadcast_in_dim3A_3 {strides = array<i32>} : memref<802x128xf32, #tpu.memory_space<vmem>>, vector<16xf32>,
      %add3A_469 = arith.constant 5 : i32
      %add3A_470 = arith.addi %add3A_234, %add3A_469 : i32
      %swap3A_471 = arith.index_cast %add3A_470 : i32 to index
      %swap3A_472 = arith.constant 112 : index
      %swap3A_473 = tpu.vector_load %arg7[%swap3A_471, %swap3A_472] {strides = array<i32>} : memref<802x128xf32, #tpu.memory_space<vmem>>, vector<16xf32>,
      tpu.vector_store %arg7[%swap3A_471, %swap3A_472], %broadcast_in_dim3A_3 {strides = array<i32>} : memref<802x128xf32, #tpu.memory_space<vmem>>, vector<16xf32>,
      %add3A_474 = arith.constant 6 : i32
      %add3A_475 = arith.addi %add3A_234, %add3A_474 : i32
      %swap3A_476 = arith.index_cast %add3A_475 : i32 to index
      %swap3A_477 = arith.constant 0 : index
      %swap3A_478 = tpu.vector_load %arg7[%swap3A_476, %swap3A_477] {strides = array<i32>} : memref<802x128xf32, #tpu.memory_space<vmem>>, vector<16xf32>,
      tpu.vector_store %arg7[%swap3A_476, %swap3A_477], %broadcast_in_dim3A_3 {strides = array<i32>} : memref<802x128xf32, #tpu.memory_space<vmem>>, vector<16xf32>,
      %add3A_479 = arith.constant 6 : i32
      %add3A_480 = arith.addi %add3A_234, %add3A_479 : i32
      %swap3A_481 = arith.index_cast %add3A_480 : i32 to index
      %swap3A_482 = arith.constant 16 : index
      %swap3A_483 = tpu.vector_load %arg7[%swap3A_481, %swap3A_482] {strides = array<i32>} : memref<802x128xf32, #tpu.memory_space<vmem>>, vector<16xf32>,
      tpu.vector_store %arg7[%swap3A_481, %swap3A_482], %broadcast_in_dim3A_3 {strides = array<i32>} : memref<802x128xf32, #tpu.memory_space<vmem>>, vector<16xf32>,
      %add3A_484 = arith.constant 6 : i32
      %add3A_485 = arith.addi %add3A_234, %add3A_484 : i32
      %swap3A_486 = arith.index_cast %add3A_485 : i32 to index
      %swap3A_487 = arith.constant 32 : index
      %swap3A_488 = tpu.vector_load %arg7[%swap3A_486, %swap3A_487] {strides = array<i32>} : memref<802x128xf32, #tpu.memory_space<vmem>>, vector<16xf32>,
      tpu.vector_store %arg7[%swap3A_486, %swap3A_487], %broadcast_in_dim3A_3 {strides = array<i32>} : memref<802x128xf32, #tpu.memory_space<vmem>>, vector<16xf32>,
      %add3A_489 = arith.constant 6 : i32
      %add3A_490 = arith.addi %add3A_234, %add3A_489 : i32
      %swap3A_491 = arith.index_cast %add3A_490 : i32 to index
      %swap3A_492 = arith.constant 48 : index
      %swap3A_493 = tpu.vector_load %arg7[%swap3A_491, %swap3A_492] {strides = array<i32>} : memref<802x128xf32, #tpu.memory_space<vmem>>, vector<16xf32>,
      tpu.vector_store %arg7[%swap3A_491, %swap3A_492], %broadcast_in_dim3A_3 {strides = array<i32>} : memref<802x128xf32, #tpu.memory_space<vmem>>, vector<16xf32>,
      %add3A_494 = arith.constant 6 : i32
      %add3A_495 = arith.addi %add3A_234, %add3A_494 : i32
      %swap3A_496 = arith.index_cast %add3A_495 : i32 to index
      %swap3A_497 = arith.constant 64 : index
      %swap3A_498 = tpu.vector_load %arg7[%swap3A_496, %swap3A_497] {strides = array<i32>} : memref<802x128xf32, #tpu.memory_space<vmem>>, vector<16xf32>,
      tpu.vector_store %arg7[%swap3A_496, %swap3A_497], %broadcast_in_dim3A_3 {strides = array<i32>} : memref<802x128xf32, #tpu.memory_space<vmem>>, vector<16xf32>,
      %add3A_499 = arith.constant 6 : i32
      %add3A_500 = arith.addi %add3A_234, %add3A_499 : i32
      %swap3A_501 = arith.index_cast %add3A_500 : i32 to index
      %swap3A_502 = arith.constant 80 : index
      %swap3A_503 = tpu.vector_load %arg7[%swap3A_501, %swap3A_502] {strides = array<i32>} : memref<802x128xf32, #tpu.memory_space<vmem>>, vector<16xf32>,
      tpu.vector_store %arg7[%swap3A_501, %swap3A_502], %broadcast_in_dim3A_3 {strides = array<i32>} : memref<802x128xf32, #tpu.memory_space<vmem>>, vector<16xf32>,
      %add3A_504 = arith.constant 6 : i32
      %add3A_505 = arith.addi %add3A_234, %add3A_504 : i32
      %swap3A_506 = arith.index_cast %add3A_505 : i32 to index
      %swap3A_507 = arith.constant 96 : index
      %swap3A_508 = tpu.vector_load %arg7[%swap3A_506, %swap3A_507] {strides = array<i32>} : memref<802x128xf32, #tpu.memory_space<vmem>>, vector<16xf32>,
      tpu.vector_store %arg7[%swap3A_506, %swap3A_507], %broadcast_in_dim3A_3 {strides = array<i32>} : memref<802x128xf32, #tpu.memory_space<vmem>>, vector<16xf32>,
      %add3A_509 = arith.constant 6 : i32
      %add3A_510 = arith.addi %add3A_234, %add3A_509 : i32
      %swap3A_511 = arith.index_cast %add3A_510 : i32 to index
      %swap3A_512 = arith.constant 112 : index
      %swap3A_513 = tpu.vector_load %arg7[%swap3A_511, %swap3A_512] {strides = array<i32>} : memref<802x128xf32, #tpu.memory_space<vmem>>, vector<16xf32>,
      tpu.vector_store %arg7[%swap3A_511, %swap3A_512], %broadcast_in_dim3A_3 {strides = array<i32>} : memref<802x128xf32, #tpu.memory_space<vmem>>, vector<16xf32>,
      %add3A_514 = arith.constant 7 : i32
      %add3A_515 = arith.addi %add3A_234, %add3A_514 : i32
      %swap3A_516 = arith.index_cast %add3A_515 : i32 to index
      %swap3A_517 = arith.constant 0 : index
      %swap3A_518 = tpu.vector_load %arg7[%swap3A_516, %swap3A_517] {strides = array<i32>} : memref<802x128xf32, #tpu.memory_space<vmem>>, vector<16xf32>,
      tpu.vector_store %arg7[%swap3A_516, %swap3A_517], %broadcast_in_dim3A_3 {strides = array<i32>} : memref<802x128xf32, #tpu.memory_space<vmem>>, vector<16xf32>,
      %add3A_519 = arith.constant 7 : i32
      %add3A_520 = arith.addi %add3A_234, %add3A_519 : i32
      %swap3A_521 = arith.index_cast %add3A_520 : i32 to index
      %swap3A_522 = arith.constant 16 : index
      %swap3A_523 = tpu.vector_load %arg7[%swap3A_521, %swap3A_522] {strides = array<i32>} : memref<802x128xf32, #tpu.memory_space<vmem>>, vector<16xf32>,
      tpu.vector_store %arg7[%swap3A_521, %swap3A_522], %broadcast_in_dim3A_3 {strides = array<i32>} : memref<802x128xf32, #tpu.memory_space<vmem>>, vector<16xf32>,
      %add3A_524 = arith.constant 7 : i32
      %add3A_525 = arith.addi %add3A_234, %add3A_524 : i32
      %swap3A_526 = arith.index_cast %add3A_525 : i32 to index
      %swap3A_527 = arith.constant 32 : index
      %swap3A_528 = tpu.vector_load %arg7[%swap3A_526, %swap3A_527] {strides = array<i32>} : memref<802x128xf32, #tpu.memory_space<vmem>>, vector<16xf32>,
      tpu.vector_store %arg7[%swap3A_526, %swap3A_527], %broadcast_in_dim3A_3 {strides = array<i32>} : memref<802x128xf32, #tpu.memory_space<vmem>>, vector<16xf32>,
      %add3A_529 = arith.constant 7 : i32
      %add3A_530 = arith.addi %add3A_234, %add3A_529 : i32
      %swap3A_531 = arith.index_cast %add3A_530 : i32 to index
      %swap3A_532 = arith.constant 48 : index
      %swap3A_533 = tpu.vector_load %arg7[%swap3A_531, %swap3A_532] {strides = array<i32>} : memref<802x128xf32, #tpu.memory_space<vmem>>, vector<16xf32>,
      tpu.vector_store %arg7[%swap3A_531, %swap3A_532], %broadcast_in_dim3A_3 {strides = array<i32>} : memref<802x128xf32, #tpu.memory_space<vmem>>, vector<16xf32>,
      %add3A_534 = arith.constant 7 : i32
      %add3A_535 = arith.addi %add3A_234, %add3A_534 : i32
      %swap3A_536 = arith.index_cast %add3A_535 : i32 to index
      %swap3A_537 = arith.constant 64 : index
      %swap3A_538 = tpu.vector_load %arg7[%swap3A_536, %swap3A_537] {strides = array<i32>} : memref<802x128xf32, #tpu.memory_space<vmem>>, vector<16xf32>,
      tpu.vector_store %arg7[%swap3A_536, %swap3A_537], %broadcast_in_dim3A_3 {strides = array<i32>} : memref<802x128xf32, #tpu.memory_space<vmem>>, vector<16xf32>,
      %add3A_539 = arith.constant 7 : i32
      %add3A_540 = arith.addi %add3A_234, %add3A_539 : i32
      %swap3A_541 = arith.index_cast %add3A_540 : i32 to index
      %swap3A_542 = arith.constant 80 : index
      %swap3A_543 = tpu.vector_load %arg7[%swap3A_541, %swap3A_542] {strides = array<i32>} : memref<802x128xf32, #tpu.memory_space<vmem>>, vector<16xf32>,
      tpu.vector_store %arg7[%swap3A_541, %swap3A_542], %broadcast_in_dim3A_3 {strides = array<i32>} : memref<802x128xf32, #tpu.memory_space<vmem>>, vector<16xf32>,
      %add3A_544 = arith.constant 7 : i32
      %add3A_545 = arith.addi %add3A_234, %add3A_544 : i32
      %swap3A_546 = arith.index_cast %add3A_545 : i32 to index
      %swap3A_547 = arith.constant 96 : index
      %swap3A_548 = tpu.vector_load %arg7[%swap3A_546, %swap3A_547] {strides = array<i32>} : memref<802x128xf32, #tpu.memory_space<vmem>>, vector<16xf32>,
      tpu.vector_store %arg7[%swap3A_546, %swap3A_547], %broadcast_in_dim3A_3 {strides = array<i32>} : memref<802x128xf32, #tpu.memory_space<vmem>>, vector<16xf32>,
      %add3A_549 = arith.constant 7 : i32
      %add3A_550 = arith.addi %add3A_234, %add3A_549 : i32
      %swap3A_551 = arith.index_cast %add3A_550 : i32 to index
      %swap3A_552 = arith.constant 112 : index
      %swap3A_553 = tpu.vector_load %arg7[%swap3A_551, %swap3A_552] {strides = array<i32>} : memref<802x128xf32, #tpu.memory_space<vmem>>, vector<16xf32>,
      tpu.vector_store %arg7[%swap3A_551, %swap3A_552], %broadcast_in_dim3A_3 {strides = array<i32>} : memref<802x128xf32, #tpu.memory_space<vmem>>, vector<16xf32>,
      %add3A_554 = arith.constant 8 : i32
      %add3A_555 = arith.addi %add3A_234, %add3A_554 : i32
      %swap3A_556 = arith.index_cast %add3A_555 : i32 to index
      %swap3A_557 = arith.constant 0 : index
      %swap3A_558 = tpu.vector_load %arg7[%swap3A_556, %swap3A_557] {strides = array<i32>} : memref<802x128xf32, #tpu.memory_space<vmem>>, vector<16xf32>,
      tpu.vector_store %arg7[%swap3A_556, %swap3A_557], %broadcast_in_dim3A_3 {strides = array<i32>} : memref<802x128xf32, #tpu.memory_space<vmem>>, vector<16xf32>,
      %add3A_559 = arith.constant 8 : i32
      %add3A_560 = arith.addi %add3A_234, %add3A_559 : i32
      %swap3A_561 = arith.index_cast %add3A_560 : i32 to index
      %swap3A_562 = arith.constant 16 : index
      %swap3A_563 = tpu.vector_load %arg7[%swap3A_561, %swap3A_562] {strides = array<i32>} : memref<802x128xf32, #tpu.memory_space<vmem>>, vector<16xf32>,
      tpu.vector_store %arg7[%swap3A_561, %swap3A_562], %broadcast_in_dim3A_3 {strides = array<i32>} : memref<802x128xf32, #tpu.memory_space<vmem>>, vector<16xf32>,
      %add3A_564 = arith.constant 8 : i32
      %add3A_565 = arith.addi %add3A_234, %add3A_564 : i32
      %swap3A_566 = arith.index_cast %add3A_565 : i32 to index
      %swap3A_567 = arith.constant 32 : index
      %swap3A_568 = tpu.vector_load %arg7[%swap3A_566, %swap3A_567] {strides = array<i32>} : memref<802x128xf32, #tpu.memory_space<vmem>>, vector<16xf32>,
      tpu.vector_store %arg7[%swap3A_566, %swap3A_567], %broadcast_in_dim3A_3 {strides = array<i32>} : memref<802x128xf32, #tpu.memory_space<vmem>>, vector<16xf32>,
      %add3A_569 = arith.constant 8 : i32
      %add3A_570 = arith.addi %add3A_234, %add3A_569 : i32
      %swap3A_571 = arith.index_cast %add3A_570 : i32 to index
      %swap3A_572 = arith.constant 48 : index
      %swap3A_573 = tpu.vector_load %arg7[%swap3A_571, %swap3A_572] {strides = array<i32>} : memref<802x128xf32, #tpu.memory_space<vmem>>, vector<16xf32>,
      tpu.vector_store %arg7[%swap3A_571, %swap3A_572], %broadcast_in_dim3A_3 {strides = array<i32>} : memref<802x128xf32, #tpu.memory_space<vmem>>, vector<16xf32>,
      %add3A_574 = arith.constant 8 : i32
      %add3A_575 = arith.addi %add3A_234, %add3A_574 : i32
      %swap3A_576 = arith.index_cast %add3A_575 : i32 to index
      %swap3A_577 = arith.constant 64 : index
      %swap3A_578 = tpu.vector_load %arg7[%swap3A_576, %swap3A_577] {strides = array<i32>} : memref<802x128xf32, #tpu.memory_space<vmem>>, vector<16xf32>,
      tpu.vector_store %arg7[%swap3A_576, %swap3A_577], %broadcast_in_dim3A_3 {strides = array<i32>} : memref<802x128xf32, #tpu.memory_space<vmem>>, vector<16xf32>,
      %add3A_579 = arith.constant 8 : i32
      %add3A_580 = arith.addi %add3A_234, %add3A_579 : i32
      %swap3A_581 = arith.index_cast %add3A_580 : i32 to index
      %swap3A_582 = arith.constant 80 : index
      %swap3A_583 = tpu.vector_load %arg7[%swap3A_581, %swap3A_582] {strides = array<i32>} : memref<802x128xf32, #tpu.memory_space<vmem>>, vector<16xf32>,
      tpu.vector_store %arg7[%swap3A_581, %swap3A_582], %broadcast_in_dim3A_3 {strides = array<i32>} : memref<802x128xf32, #tpu.memory_space<vmem>>, vector<16xf32>,
      %add3A_584 = arith.constant 8 : i32
      %add3A_585 = arith.addi %add3A_234, %add3A_584 : i32
      %swap3A_586 = arith.index_cast %add3A_585 : i32 to index
      %swap3A_587 = arith.constant 96 : index
      %swap3A_588 = tpu.vector_load %arg7[%swap3A_586, %swap3A_587] {strides = array<i32>} : memref<802x128xf32, #tpu.memory_space<vmem>>, vector<16xf32>,
      tpu.vector_store %arg7[%swap3A_586, %swap3A_587], %broadcast_in_dim3A_3 {strides = array<i32>} : memref<802x128xf32, #tpu.memory_space<vmem>>, vector<16xf32>,
      %add3A_589 = arith.constant 8 : i32
      %add3A_590 = arith.addi %add3A_234, %add3A_589 : i32
      %swap3A_591 = arith.index_cast %add3A_590 : i32 to index
      %swap3A_592 = arith.constant 112 : index
      %swap3A_593 = tpu.vector_load %arg7[%swap3A_591, %swap3A_592] {strides = array<i32>} : memref<802x128xf32, #tpu.memory_space<vmem>>, vector<16xf32>,
      tpu.vector_store %arg7[%swap3A_591, %swap3A_592], %broadcast_in_dim3A_3 {strides = array<i32>} : memref<802x128xf32, #tpu.memory_space<vmem>>, vector<16xf32>,
      %add3A_594 = arith.constant 9 : i32
      %add3A_595 = arith.addi %add3A_234, %add3A_594 : i32
      %swap3A_596 = arith.index_cast %add3A_595 : i32 to index
      %swap3A_597 = arith.constant 0 : index
      %swap3A_598 = tpu.vector_load %arg7[%swap3A_596, %swap3A_597] {strides = array<i32>} : memref<802x128xf32, #tpu.memory_space<vmem>>, vector<16xf32>,
      tpu.vector_store %arg7[%swap3A_596, %swap3A_597], %broadcast_in_dim3A_3 {strides = array<i32>} : memref<802x128xf32, #tpu.memory_space<vmem>>, vector<16xf32>,
      %add3A_599 = arith.constant 9 : i32
      %add3A_600 = arith.addi %add3A_234, %add3A_599 : i32
      %swap3A_601 = arith.index_cast %add3A_600 : i32 to index
      %swap3A_602 = arith.constant 16 : index
      %swap3A_603 = tpu.vector_load %arg7[%swap3A_601, %swap3A_602] {strides = array<i32>} : memref<802x128xf32, #tpu.memory_space<vmem>>, vector<16xf32>,
      tpu.vector_store %arg7[%swap3A_601, %swap3A_602], %broadcast_in_dim3A_3 {strides = array<i32>} : memref<802x128xf32, #tpu.memory_space<vmem>>, vector<16xf32>,
      %add3A_604 = arith.constant 9 : i32
      %add3A_605 = arith.addi %add3A_234, %add3A_604 : i32
      %swap3A_606 = arith.index_cast %add3A_605 : i32 to index
      %swap3A_607 = arith.constant 32 : index
      %swap3A_608 = tpu.vector_load %arg7[%swap3A_606, %swap3A_607] {strides = array<i32>} : memref<802x128xf32, #tpu.memory_space<vmem>>, vector<16xf32>,
      tpu.vector_store %arg7[%swap3A_606, %swap3A_607], %broadcast_in_dim3A_3 {strides = array<i32>} : memref<802x128xf32, #tpu.memory_space<vmem>>, vector<16xf32>,
      %add3A_609 = arith.constant 9 : i32
      %add3A_610 = arith.addi %add3A_234, %add3A_609 : i32
      %swap3A_611 = arith.index_cast %add3A_610 : i32 to index
      %swap3A_612 = arith.constant 48 : index
      %swap3A_613 = tpu.vector_load %arg7[%swap3A_611, %swap3A_612] {strides = array<i32>} : memref<802x128xf32, #tpu.memory_space<vmem>>, vector<16xf32>,
      tpu.vector_store %arg7[%swap3A_611, %swap3A_612], %broadcast_in_dim3A_3 {strides = array<i32>} : memref<802x128xf32, #tpu.memory_space<vmem>>, vector<16xf32>,
      %add3A_614 = arith.constant 9 : i32
      %add3A_615 = arith.addi %add3A_234, %add3A_614 : i32
      %swap3A_616 = arith.index_cast %add3A_615 : i32 to index
      %swap3A_617 = arith.constant 64 : index
      %swap3A_618 = tpu.vector_load %arg7[%swap3A_616, %swap3A_617] {strides = array<i32>} : memref<802x128xf32, #tpu.memory_space<vmem>>, vector<16xf32>,
      tpu.vector_store %arg7[%swap3A_616, %swap3A_617], %broadcast_in_dim3A_3 {strides = array<i32>} : memref<802x128xf32, #tpu.memory_space<vmem>>, vector<16xf32>,
      %add3A_619 = arith.constant 9 : i32
      %add3A_620 = arith.addi %add3A_234, %add3A_619 : i32
      %swap3A_621 = arith.index_cast %add3A_620 : i32 to index
      %swap3A_622 = arith.constant 80 : index
      %swap3A_623 = tpu.vector_load %arg7[%swap3A_621, %swap3A_622] {strides = array<i32>} : memref<802x128xf32, #tpu.memory_space<vmem>>, vector<16xf32>,
      tpu.vector_store %arg7[%swap3A_621, %swap3A_622], %broadcast_in_dim3A_3 {strides = array<i32>} : memref<802x128xf32, #tpu.memory_space<vmem>>, vector<16xf32>,
      %add3A_624 = arith.constant 9 : i32
      %add3A_625 = arith.addi %add3A_234, %add3A_624 : i32
      %swap3A_626 = arith.index_cast %add3A_625 : i32 to index
      %swap3A_627 = arith.constant 96 : index
      %swap3A_628 = tpu.vector_load %arg7[%swap3A_626, %swap3A_627] {strides = array<i32>} : memref<802x128xf32, #tpu.memory_space<vmem>>, vector<16xf32>,
      tpu.vector_store %arg7[%swap3A_626, %swap3A_627], %broadcast_in_dim3A_3 {strides = array<i32>} : memref<802x128xf32, #tpu.memory_space<vmem>>, vector<16xf32>,
      %add3A_629 = arith.constant 9 : i32
      %add3A_630 = arith.addi %add3A_234, %add3A_629 : i32
      %swap3A_631 = arith.index_cast %add3A_630 : i32 to index
      %swap3A_632 = arith.constant 112 : index
      %swap3A_633 = tpu.vector_load %arg7[%swap3A_631, %swap3A_632] {strides = array<i32>} : memref<802x128xf32, #tpu.memory_space<vmem>>, vector<16xf32>,
      tpu.vector_store %arg7[%swap3A_631, %swap3A_632], %broadcast_in_dim3A_3 {strides = array<i32>} : memref<802x128xf32, #tpu.memory_space<vmem>>, vector<16xf32>,
      %add3A_634 = arith.constant 10 : i32
      %add3A_635 = arith.addi %add3A_234, %add3A_634 : i32
      %swap3A_636 = arith.index_cast %add3A_635 : i32 to index
      %swap3A_637 = arith.constant 0 : index
      %swap3A_638 = tpu.vector_load %arg7[%swap3A_636, %swap3A_637] {strides = array<i32>} : memref<802x128xf32, #tpu.memory_space<vmem>>, vector<16xf32>,
      tpu.vector_store %arg7[%swap3A_636, %swap3A_637], %broadcast_in_dim3A_3 {strides = array<i32>} : memref<802x128xf32, #tpu.memory_space<vmem>>, vector<16xf32>,
      %add3A_639 = arith.constant 10 : i32
      %add3A_640 = arith.addi %add3A_234, %add3A_639 : i32
      %swap3A_641 = arith.index_cast %add3A_640 : i32 to index
      %swap3A_642 = arith.constant 16 : index
      %swap3A_643 = tpu.vector_load %arg7[%swap3A_641, %swap3A_642] {strides = array<i32>} : memref<802x128xf32, #tpu.memory_space<vmem>>, vector<16xf32>,
      tpu.vector_store %arg7[%swap3A_641, %swap3A_642], %broadcast_in_dim3A_3 {strides = array<i32>} : memref<802x128xf32, #tpu.memory_space<vmem>>, vector<16xf32>,
      %add3A_644 = arith.constant 10 : i32
      %add3A_645 = arith.addi %add3A_234, %add3A_644 : i32
      %swap3A_646 = arith.index_cast %add3A_645 : i32 to index
      %swap3A_647 = arith.constant 32 : index
      %swap3A_648 = tpu.vector_load %arg7[%swap3A_646, %swap3A_647] {strides = array<i32>} : memref<802x128xf32, #tpu.memory_space<vmem>>, vector<16xf32>,
      tpu.vector_store %arg7[%swap3A_646, %swap3A_647], %broadcast_in_dim3A_3 {strides = array<i32>} : memref<802x128xf32, #tpu.memory_space<vmem>>, vector<16xf32>,
      %add3A_649 = arith.constant 10 : i32
      %add3A_650 = arith.addi %add3A_234, %add3A_649 : i32
      %swap3A_651 = arith.index_cast %add3A_650 : i32 to index
      %swap3A_652 = arith.constant 48 : index
      %swap3A_653 = tpu.vector_load %arg7[%swap3A_651, %swap3A_652] {strides = array<i32>} : memref<802x128xf32, #tpu.memory_space<vmem>>, vector<16xf32>,
      tpu.vector_store %arg7[%swap3A_651, %swap3A_652], %broadcast_in_dim3A_3 {strides = array<i32>} : memref<802x128xf32, #tpu.memory_space<vmem>>, vector<16xf32>,
      %add3A_654 = arith.constant 10 : i32
      %add3A_655 = arith.addi %add3A_234, %add3A_654 : i32
      %swap3A_656 = arith.index_cast %add3A_655 : i32 to index
      %swap3A_657 = arith.constant 64 : index
      %swap3A_658 = tpu.vector_load %arg7[%swap3A_656, %swap3A_657] {strides = array<i32>} : memref<802x128xf32, #tpu.memory_space<vmem>>, vector<16xf32>,
      tpu.vector_store %arg7[%swap3A_656, %swap3A_657], %broadcast_in_dim3A_3 {strides = array<i32>} : memref<802x128xf32, #tpu.memory_space<vmem>>, vector<16xf32>,
      %add3A_659 = arith.constant 10 : i32
      %add3A_660 = arith.addi %add3A_234, %add3A_659 : i32
      %swap3A_661 = arith.index_cast %add3A_660 : i32 to index
      %swap3A_662 = arith.constant 80 : index
      %swap3A_663 = tpu.vector_load %arg7[%swap3A_661, %swap3A_662] {strides = array<i32>} : memref<802x128xf32, #tpu.memory_space<vmem>>, vector<16xf32>,
      tpu.vector_store %arg7[%swap3A_661, %swap3A_662], %broadcast_in_dim3A_3 {strides = array<i32>} : memref<802x128xf32, #tpu.memory_space<vmem>>, vector<16xf32>,
      %add3A_664 = arith.constant 10 : i32
      %add3A_665 = arith.addi %add3A_234, %add3A_664 : i32
      %swap3A_666 = arith.index_cast %add3A_665 : i32 to index
      %swap3A_667 = arith.constant 96 : index
      %swap3A_668 = tpu.vector_load %arg7[%swap3A_666, %swap3A_667] {strides = array<i32>} : memref<802x128xf32, #tpu.memory_space<vmem>>, vector<16xf32>,
      tpu.vector_store %arg7[%swap3A_666, %swap3A_667], %broadcast_in_dim3A_3 {strides = array<i32>} : memref<802x128xf32, #tpu.memory_space<vmem>>, vector<16xf32>,
      %add3A_669 = arith.constant 10 : i32
      %add3A_670 = arith.addi %add3A_234, %add3A_669 : i32
      %swap3A_671 = arith.index_cast %add3A_670 : i32 to index
      %swap3A_672 = arith.constant 112 : index
      %swap3A_673 = tpu.vector_load %arg7[%swap3A_671, %swap3A_672] {strides = array<i32>} : memref<802x128xf32, #tpu.memory_space<vmem>>, vector<16xf32>,
      tpu.vector_store %arg7[%swap3A_671, %swap3A_672], %broadcast_in_dim3A_3 {strides = array<i32>} : memref<802x128xf32, #tpu.memory_space<vmem>>, vector<16xf32>,
      %add3A_674 = arith.constant 11 : i32
      %add3A_675 = arith.addi %add3A_234, %add3A_674 : i32
      %swap3A_676 = arith.index_cast %add3A_675 : i32 to index
      %swap3A_677 = arith.constant 0 : index
      %swap3A_678 = tpu.vector_load %arg7[%swap3A_676, %swap3A_677] {strides = array<i32>} : memref<802x128xf32, #tpu.memory_space<vmem>>, vector<16xf32>,
      tpu.vector_store %arg7[%swap3A_676, %swap3A_677], %broadcast_in_dim3A_3 {strides = array<i32>} : memref<802x128xf32, #tpu.memory_space<vmem>>, vector<16xf32>,
      %add3A_679 = arith.constant 11 : i32
      %add3A_680 = arith.addi %add3A_234, %add3A_679 : i32
      %swap3A_681 = arith.index_cast %add3A_680 : i32 to index
      %swap3A_682 = arith.constant 16 : index
      %swap3A_683 = tpu.vector_load %arg7[%swap3A_681, %swap3A_682] {strides = array<i32>} : memref<802x128xf32, #tpu.memory_space<vmem>>, vector<16xf32>,
      tpu.vector_store %arg7[%swap3A_681, %swap3A_682], %broadcast_in_dim3A_3 {strides = array<i32>} : memref<802x128xf32, #tpu.memory_space<vmem>>, vector<16xf32>,
      %add3A_684 = arith.constant 11 : i32
      %add3A_685 = arith.addi %add3A_234, %add3A_684 : i32
      %swap3A_686 = arith.index_cast %add3A_685 : i32 to index
      %swap3A_687 = arith.constant 32 : index
      %swap3A_688 = tpu.vector_load %arg7[%swap3A_686, %swap3A_687] {strides = array<i32>} : memref<802x128xf32, #tpu.memory_space<vmem>>, vector<16xf32>,
      tpu.vector_store %arg7[%swap3A_686, %swap3A_687], %broadcast_in_dim3A_3 {strides = array<i32>} : memref<802x128xf32, #tpu.memory_space<vmem>>, vector<16xf32>,
      %add3A_689 = arith.constant 11 : i32
      %add3A_690 = arith.addi %add3A_234, %add3A_689 : i32
      %swap3A_691 = arith.index_cast %add3A_690 : i32 to index
      %swap3A_692 = arith.constant 48 : index
      %swap3A_693 = tpu.vector_load %arg7[%swap3A_691, %swap3A_692] {strides = array<i32>} : memref<802x128xf32, #tpu.memory_space<vmem>>, vector<16xf32>,
      tpu.vector_store %arg7[%swap3A_691, %swap3A_692], %broadcast_in_dim3A_3 {strides = array<i32>} : memref<802x128xf32, #tpu.memory_space<vmem>>, vector<16xf32>,
      %add3A_694 = arith.constant 11 : i32
      %add3A_695 = arith.addi %add3A_234, %add3A_694 : i32
      %swap3A_696 = arith.index_cast %add3A_695 : i32 to index
      %swap3A_697 = arith.constant 64 : index
      %swap3A_698 = tpu.vector_load %arg7[%swap3A_696, %swap3A_697] {strides = array<i32>} : memref<802x128xf32, #tpu.memory_space<vmem>>, vector<16xf32>,
      tpu.vector_store %arg7[%swap3A_696, %swap3A_697], %broadcast_in_dim3A_3 {strides = array<i32>} : memref<802x128xf32, #tpu.memory_space<vmem>>, vector<16xf32>,
      %add3A_699 = arith.constant 11 : i32
      %add3A_700 = arith.addi %add3A_234, %add3A_699 : i32
      %swap3A_701 = arith.index_cast %add3A_700 : i32 to index
      %swap3A_702 = arith.constant 80 : index
      %swap3A_703 = tpu.vector_load %arg7[%swap3A_701, %swap3A_702] {strides = array<i32>} : memref<802x128xf32, #tpu.memory_space<vmem>>, vector<16xf32>,
      tpu.vector_store %arg7[%swap3A_701, %swap3A_702], %broadcast_in_dim3A_3 {strides = array<i32>} : memref<802x128xf32, #tpu.memory_space<vmem>>, vector<16xf32>,
      %add3A_704 = arith.constant 11 : i32
      %add3A_705 = arith.addi %add3A_234, %add3A_704 : i32
      %swap3A_706 = arith.index_cast %add3A_705 : i32 to index
      %swap3A_707 = arith.constant 96 : index
      %swap3A_708 = tpu.vector_load %arg7[%swap3A_706, %swap3A_707] {strides = array<i32>} : memref<802x128xf32, #tpu.memory_space<vmem>>, vector<16xf32>,
      tpu.vector_store %arg7[%swap3A_706, %swap3A_707], %broadcast_in_dim3A_3 {strides = array<i32>} : memref<802x128xf32, #tpu.memory_space<vmem>>, vector<16xf32>,
      %add3A_709 = arith.constant 11 : i32
      %add3A_710 = arith.addi %add3A_234, %add3A_709 : i32
      %swap3A_711 = arith.index_cast %add3A_710 : i32 to index
      %swap3A_712 = arith.constant 112 : index
      %swap3A_713 = tpu.vector_load %arg7[%swap3A_711, %swap3A_712] {strides = array<i32>} : memref<802x128xf32, #tpu.memory_space<vmem>>, vector<16xf32>,
      tpu.vector_store %arg7[%swap3A_711, %swap3A_712], %broadcast_in_dim3A_3 {strides = array<i32>} : memref<802x128xf32, #tpu.memory_space<vmem>>, vector<16xf32>,
      %add3A_714 = arith.constant 12 : i32
      %add3A_715 = arith.addi %add3A_234, %add3A_714 : i32
      %swap3A_716 = arith.index_cast %add3A_715 : i32 to index
      %swap3A_717 = arith.constant 0 : index
      %swap3A_718 = tpu.vector_load %arg7[%swap3A_716, %swap3A_717] {strides = array<i32>} : memref<802x128xf32, #tpu.memory_space<vmem>>, vector<16xf32>,
      tpu.vector_store %arg7[%swap3A_716, %swap3A_717], %broadcast_in_dim3A_3 {strides = array<i32>} : memref<802x128xf32, #tpu.memory_space<vmem>>, vector<16xf32>,
      %add3A_719 = arith.constant 12 : i32
      %add3A_720 = arith.addi %add3A_234, %add3A_719 : i32
      %swap3A_721 = arith.index_cast %add3A_720 : i32 to index
      %swap3A_722 = arith.constant 16 : index
      %swap3A_723 = tpu.vector_load %arg7[%swap3A_721, %swap3A_722] {strides = array<i32>} : memref<802x128xf32, #tpu.memory_space<vmem>>, vector<16xf32>,
      tpu.vector_store %arg7[%swap3A_721, %swap3A_722], %broadcast_in_dim3A_3 {strides = array<i32>} : memref<802x128xf32, #tpu.memory_space<vmem>>, vector<16xf32>,
      %add3A_724 = arith.constant 12 : i32
      %add3A_725 = arith.addi %add3A_234, %add3A_724 : i32
      %swap3A_726 = arith.index_cast %add3A_725 : i32 to index
      %swap3A_727 = arith.constant 32 : index
      %swap3A_728 = tpu.vector_load %arg7[%swap3A_726, %swap3A_727] {strides = array<i32>} : memref<802x128xf32, #tpu.memory_space<vmem>>, vector<16xf32>,
      tpu.vector_store %arg7[%swap3A_726, %swap3A_727], %broadcast_in_dim3A_3 {strides = array<i32>} : memref<802x128xf32, #tpu.memory_space<vmem>>, vector<16xf32>,
      %add3A_729 = arith.constant 12 : i32
      %add3A_730 = arith.addi %add3A_234, %add3A_729 : i32
      %swap3A_731 = arith.index_cast %add3A_730 : i32 to index
      %swap3A_732 = arith.constant 48 : index
      %swap3A_733 = tpu.vector_load %arg7[%swap3A_731, %swap3A_732] {strides = array<i32>} : memref<802x128xf32, #tpu.memory_space<vmem>>, vector<16xf32>,
      tpu.vector_store %arg7[%swap3A_731, %swap3A_732], %broadcast_in_dim3A_3 {strides = array<i32>} : memref<802x128xf32, #tpu.memory_space<vmem>>, vector<16xf32>,
      %add3A_734 = arith.constant 12 : i32
      %add3A_735 = arith.addi %add3A_234, %add3A_734 : i32
      %swap3A_736 = arith.index_cast %add3A_735 : i32 to index
      %swap3A_737 = arith.constant 64 : index
      %swap3A_738 = tpu.vector_load %arg7[%swap3A_736, %swap3A_737] {strides = array<i32>} : memref<802x128xf32, #tpu.memory_space<vmem>>, vector<16xf32>,
      tpu.vector_store %arg7[%swap3A_736, %swap3A_737], %broadcast_in_dim3A_3 {strides = array<i32>} : memref<802x128xf32, #tpu.memory_space<vmem>>, vector<16xf32>,
      %add3A_739 = arith.constant 12 : i32
      %add3A_740 = arith.addi %add3A_234, %add3A_739 : i32
      %swap3A_741 = arith.index_cast %add3A_740 : i32 to index
      %swap3A_742 = arith.constant 80 : index
      %swap3A_743 = tpu.vector_load %arg7[%swap3A_741, %swap3A_742] {strides = array<i32>} : memref<802x128xf32, #tpu.memory_space<vmem>>, vector<16xf32>,
      tpu.vector_store %arg7[%swap3A_741, %swap3A_742], %broadcast_in_dim3A_3 {strides = array<i32>} : memref<802x128xf32, #tpu.memory_space<vmem>>, vector<16xf32>,
      %add3A_744 = arith.constant 12 : i32
      %add3A_745 = arith.addi %add3A_234, %add3A_744 : i32
      %swap3A_746 = arith.index_cast %add3A_745 : i32 to index
      %swap3A_747 = arith.constant 96 : index
      %swap3A_748 = tpu.vector_load %arg7[%swap3A_746, %swap3A_747] {strides = array<i32>} : memref<802x128xf32, #tpu.memory_space<vmem>>, vector<16xf32>,
      tpu.vector_store %arg7[%swap3A_746, %swap3A_747], %broadcast_in_dim3A_3 {strides = array<i32>} : memref<802x128xf32, #tpu.memory_space<vmem>>, vector<16xf32>,
      %add3A_749 = arith.constant 12 : i32
      %add3A_750 = arith.addi %add3A_234, %add3A_749 : i32
      %swap3A_751 = arith.index_cast %add3A_750 : i32 to index
      %swap3A_752 = arith.constant 112 : index
      %swap3A_753 = tpu.vector_load %arg7[%swap3A_751, %swap3A_752] {strides = array<i32>} : memref<802x128xf32, #tpu.memory_space<vmem>>, vector<16xf32>,
      tpu.vector_store %arg7[%swap3A_751, %swap3A_752], %broadcast_in_dim3A_3 {strides = array<i32>} : memref<802x128xf32, #tpu.memory_space<vmem>>, vector<16xf32>,
      %add3A_754 = arith.constant 13 : i32
      %add3A_755 = arith.addi %add3A_234, %add3A_754 : i32
      %swap3A_756 = arith.index_cast %add3A_755 : i32 to index
      %swap3A_757 = arith.constant 0 : index
      %swap3A_758 = tpu.vector_load %arg7[%swap3A_756, %swap3A_757] {strides = array<i32>} : memref<802x128xf32, #tpu.memory_space<vmem>>, vector<16xf32>,
      tpu.vector_store %arg7[%swap3A_756, %swap3A_757], %broadcast_in_dim3A_3 {strides = array<i32>} : memref<802x128xf32, #tpu.memory_space<vmem>>, vector<16xf32>,
      %add3A_759 = arith.constant 13 : i32
      %add3A_760 = arith.addi %add3A_234, %add3A_759 : i32
      %swap3A_761 = arith.index_cast %add3A_760 : i32 to index
      %swap3A_762 = arith.constant 16 : index
      %swap3A_763 = tpu.vector_load %arg7[%swap3A_761, %swap3A_762] {strides = array<i32>} : memref<802x128xf32, #tpu.memory_space<vmem>>, vector<16xf32>,
      tpu.vector_store %arg7[%swap3A_761, %swap3A_762], %broadcast_in_dim3A_3 {strides = array<i32>} : memref<802x128xf32, #tpu.memory_space<vmem>>, vector<16xf32>,
      %add3A_764 = arith.constant 13 : i32
      %add3A_765 = arith.addi %add3A_234, %add3A_764 : i32
      %swap3A_766 = arith.index_cast %add3A_765 : i32 to index
      %swap3A_767 = arith.constant 32 : index
      %swap3A_768 = tpu.vector_load %arg7[%swap3A_766, %swap3A_767] {strides = array<i32>} : memref<802x128xf32, #tpu.memory_space<vmem>>, vector<16xf32>,
      tpu.vector_store %arg7[%swap3A_766, %swap3A_767], %broadcast_in_dim3A_3 {strides = array<i32>} : memref<802x128xf32, #tpu.memory_space<vmem>>, vector<16xf32>,
      %add3A_769 = arith.constant 13 : i32
      %add3A_770 = arith.addi %add3A_234, %add3A_769 : i32
      %swap3A_771 = arith.index_cast %add3A_770 : i32 to index
      %swap3A_772 = arith.constant 48 : index
      %swap3A_773 = tpu.vector_load %arg7[%swap3A_771, %swap3A_772] {strides = array<i32>} : memref<802x128xf32, #tpu.memory_space<vmem>>, vector<16xf32>,
      tpu.vector_store %arg7[%swap3A_771, %swap3A_772], %broadcast_in_dim3A_3 {strides = array<i32>} : memref<802x128xf32, #tpu.memory_space<vmem>>, vector<16xf32>,
      %add3A_774 = arith.constant 13 : i32
      %add3A_775 = arith.addi %add3A_234, %add3A_774 : i32
      %swap3A_776 = arith.index_cast %add3A_775 : i32 to index
      %swap3A_777 = arith.constant 64 : index
      %swap3A_778 = tpu.vector_load %arg7[%swap3A_776, %swap3A_777] {strides = array<i32>} : memref<802x128xf32, #tpu.memory_space<vmem>>, vector<16xf32>,
      tpu.vector_store %arg7[%swap3A_776, %swap3A_777], %broadcast_in_dim3A_3 {strides = array<i32>} : memref<802x128xf32, #tpu.memory_space<vmem>>, vector<16xf32>,
      %add3A_779 = arith.constant 13 : i32
      %add3A_780 = arith.addi %add3A_234, %add3A_779 : i32
      %swap3A_781 = arith.index_cast %add3A_780 : i32 to index
      %swap3A_782 = arith.constant 80 : index
      %swap3A_783 = tpu.vector_load %arg7[%swap3A_781, %swap3A_782] {strides = array<i32>} : memref<802x128xf32, #tpu.memory_space<vmem>>, vector<16xf32>,
      tpu.vector_store %arg7[%swap3A_781, %swap3A_782], %broadcast_in_dim3A_3 {strides = array<i32>} : memref<802x128xf32, #tpu.memory_space<vmem>>, vector<16xf32>,
      %add3A_784 = arith.constant 13 : i32
      %add3A_785 = arith.addi %add3A_234, %add3A_784 : i32
      %swap3A_786 = arith.index_cast %add3A_785 : i32 to index
      %swap3A_787 = arith.constant 96 : index
      %swap3A_788 = tpu.vector_load %arg7[%swap3A_786, %swap3A_787] {strides = array<i32>} : memref<802x128xf32, #tpu.memory_space<vmem>>, vector<16xf32>,
      tpu.vector_store %arg7[%swap3A_786, %swap3A_787], %broadcast_in_dim3A_3 {strides = array<i32>} : memref<802x128xf32, #tpu.memory_space<vmem>>, vector<16xf32>,
      %add3A_789 = arith.constant 13 : i32
      %add3A_790 = arith.addi %add3A_234, %add3A_789 : i32
      %swap3A_791 = arith.index_cast %add3A_790 : i32 to index
      %swap3A_792 = arith.constant 112 : index
      %swap3A_793 = tpu.vector_load %arg7[%swap3A_791, %swap3A_792] {strides = array<i32>} : memref<802x128xf32, #tpu.memory_space<vmem>>, vector<16xf32>,
      tpu.vector_store %arg7[%swap3A_791, %swap3A_792], %broadcast_in_dim3A_3 {strides = array<i32>} : memref<802x128xf32, #tpu.memory_space<vmem>>, vector<16xf32>,
      %add3A_794 = arith.constant 14 : i32
      %add3A_795 = arith.addi %add3A_234, %add3A_794 : i32
      %swap3A_796 = arith.index_cast %add3A_795 : i32 to index
      %swap3A_797 = arith.constant 0 : index
      %swap3A_798 = tpu.vector_load %arg7[%swap3A_796, %swap3A_797] {strides = array<i32>} : memref<802x128xf32, #tpu.memory_space<vmem>>, vector<16xf32>,
      tpu.vector_store %arg7[%swap3A_796, %swap3A_797], %broadcast_in_dim3A_3 {strides = array<i32>} : memref<802x128xf32, #tpu.memory_space<vmem>>, vector<16xf32>,
      %add3A_799 = arith.constant 14 : i32
      %add3A_800 = arith.addi %add3A_234, %add3A_799 : i32
      %swap3A_801 = arith.index_cast %add3A_800 : i32 to index
      %swap3A_802 = arith.constant 16 : index
      %swap3A_803 = tpu.vector_load %arg7[%swap3A_801, %swap3A_802] {strides = array<i32>} : memref<802x128xf32, #tpu.memory_space<vmem>>, vector<16xf32>,
      tpu.vector_store %arg7[%swap3A_801, %swap3A_802], %broadcast_in_dim3A_3 {strides = array<i32>} : memref<802x128xf32, #tpu.memory_space<vmem>>, vector<16xf32>,
      %add3A_804 = arith.constant 14 : i32
      %add3A_805 = arith.addi %add3A_234, %add3A_804 : i32
      %swap3A_806 = arith.index_cast %add3A_805 : i32 to index
      %swap3A_807 = arith.constant 32 : index
      %swap3A_808 = tpu.vector_load %arg7[%swap3A_806, %swap3A_807] {strides = array<i32>} : memref<802x128xf32, #tpu.memory_space<vmem>>, vector<16xf32>,
      tpu.vector_store %arg7[%swap3A_806, %swap3A_807], %broadcast_in_dim3A_3 {strides = array<i32>} : memref<802x128xf32, #tpu.memory_space<vmem>>, vector<16xf32>,
      %add3A_809 = arith.constant 14 : i32
      %add3A_810 = arith.addi %add3A_234, %add3A_809 : i32
      %swap3A_811 = arith.index_cast %add3A_810 : i32 to index
      %swap3A_812 = arith.constant 48 : index
      %swap3A_813 = tpu.vector_load %arg7[%swap3A_811, %swap3A_812] {strides = array<i32>} : memref<802x128xf32, #tpu.memory_space<vmem>>, vector<16xf32>,
      tpu.vector_store %arg7[%swap3A_811, %swap3A_812], %broadcast_in_dim3A_3 {strides = array<i32>} : memref<802x128xf32, #tpu.memory_space<vmem>>, vector<16xf32>,
      %add3A_814 = arith.constant 14 : i32
      %add3A_815 = arith.addi %add3A_234, %add3A_814 : i32
      %swap3A_816 = arith.index_cast %add3A_815 : i32 to index
      %swap3A_817 = arith.constant 64 : index
      %swap3A_818 = tpu.vector_load %arg7[%swap3A_816, %swap3A_817] {strides = array<i32>} : memref<802x128xf32, #tpu.memory_space<vmem>>, vector<16xf32>,
      tpu.vector_store %arg7[%swap3A_816, %swap3A_817], %broadcast_in_dim3A_3 {strides = array<i32>} : memref<802x128xf32, #tpu.memory_space<vmem>>, vector<16xf32>,
      %add3A_819 = arith.constant 14 : i32
      %add3A_820 = arith.addi %add3A_234, %add3A_819 : i32
      %swap3A_821 = arith.index_cast %add3A_820 : i32 to index
      %swap3A_822 = arith.constant 80 : index
      %swap3A_823 = tpu.vector_load %arg7[%swap3A_821, %swap3A_822] {strides = array<i32>} : memref<802x128xf32, #tpu.memory_space<vmem>>, vector<16xf32>,
      tpu.vector_store %arg7[%swap3A_821, %swap3A_822], %broadcast_in_dim3A_3 {strides = array<i32>} : memref<802x128xf32, #tpu.memory_space<vmem>>, vector<16xf32>,
      %add3A_824 = arith.constant 14 : i32
      %add3A_825 = arith.addi %add3A_234, %add3A_824 : i32
      %swap3A_826 = arith.index_cast %add3A_825 : i32 to index
      %swap3A_827 = arith.constant 96 : index
      %swap3A_828 = tpu.vector_load %arg7[%swap3A_826, %swap3A_827] {strides = array<i32>} : memref<802x128xf32, #tpu.memory_space<vmem>>, vector<16xf32>,
      tpu.vector_store %arg7[%swap3A_826, %swap3A_827], %broadcast_in_dim3A_3 {strides = array<i32>} : memref<802x128xf32, #tpu.memory_space<vmem>>, vector<16xf32>,
      %add3A_829 = arith.constant 14 : i32
      %add3A_830 = arith.addi %add3A_234, %add3A_829 : i32
      %swap3A_831 = arith.index_cast %add3A_830 : i32 to index
      %swap3A_832 = arith.constant 112 : index
      %swap3A_833 = tpu.vector_load %arg7[%swap3A_831, %swap3A_832] {strides = array<i32>} : memref<802x128xf32, #tpu.memory_space<vmem>>, vector<16xf32>,
      tpu.vector_store %arg7[%swap3A_831, %swap3A_832], %broadcast_in_dim3A_3 {strides = array<i32>} : memref<802x128xf32, #tpu.memory_space<vmem>>, vector<16xf32>,
      %add3A_834 = arith.constant 15 : i32
      %add3A_835 = arith.addi %add3A_234, %add3A_834 : i32
      %swap3A_836 = arith.index_cast %add3A_835 : i32 to index
      %swap3A_837 = arith.constant 0 : index
      %swap3A_838 = tpu.vector_load %arg7[%swap3A_836, %swap3A_837] {strides = array<i32>} : memref<802x128xf32, #tpu.memory_space<vmem>>, vector<16xf32>,
      tpu.vector_store %arg7[%swap3A_836, %swap3A_837], %broadcast_in_dim3A_3 {strides = array<i32>} : memref<802x128xf32, #tpu.memory_space<vmem>>, vector<16xf32>,
      %add3A_839 = arith.constant 15 : i32
      %add3A_840 = arith.addi %add3A_234, %add3A_839 : i32
      %swap3A_841 = arith.index_cast %add3A_840 : i32 to index
      %swap3A_842 = arith.constant 16 : index
      %swap3A_843 = tpu.vector_load %arg7[%swap3A_841, %swap3A_842] {strides = array<i32>} : memref<802x128xf32, #tpu.memory_space<vmem>>, vector<16xf32>,
      tpu.vector_store %arg7[%swap3A_841, %swap3A_842], %broadcast_in_dim3A_3 {strides = array<i32>} : memref<802x128xf32, #tpu.memory_space<vmem>>, vector<16xf32>,
      %add3A_844 = arith.constant 15 : i32
      %add3A_845 = arith.addi %add3A_234, %add3A_844 : i32
      %swap3A_846 = arith.index_cast %add3A_845 : i32 to index
      %swap3A_847 = arith.constant 32 : index
      %swap3A_848 = tpu.vector_load %arg7[%swap3A_846, %swap3A_847] {strides = array<i32>} : memref<802x128xf32, #tpu.memory_space<vmem>>, vector<16xf32>,
      tpu.vector_store %arg7[%swap3A_846, %swap3A_847], %broadcast_in_dim3A_3 {strides = array<i32>} : memref<802x128xf32, #tpu.memory_space<vmem>>, vector<16xf32>,
      %add3A_849 = arith.constant 15 : i32
      %add3A_850 = arith.addi %add3A_234, %add3A_849 : i32
      %swap3A_851 = arith.index_cast %add3A_850 : i32 to index
      %swap3A_852 = arith.constant 48 : index
      %swap3A_853 = tpu.vector_load %arg7[%swap3A_851, %swap3A_852] {strides = array<i32>} : memref<802x128xf32, #tpu.memory_space<vmem>>, vector<16xf32>,
      tpu.vector_store %arg7[%swap3A_851, %swap3A_852], %broadcast_in_dim3A_3 {strides = array<i32>} : memref<802x128xf32, #tpu.memory_space<vmem>>, vector<16xf32>,
      %add3A_854 = arith.constant 15 : i32
      %add3A_855 = arith.addi %add3A_234, %add3A_854 : i32
      %swap3A_856 = arith.index_cast %add3A_855 : i32 to index
      %swap3A_857 = arith.constant 64 : index
      %swap3A_858 = tpu.vector_load %arg7[%swap3A_856, %swap3A_857] {strides = array<i32>} : memref<802x128xf32, #tpu.memory_space<vmem>>, vector<16xf32>,
      tpu.vector_store %arg7[%swap3A_856, %swap3A_857], %broadcast_in_dim3A_3 {strides = array<i32>} : memref<802x128xf32, #tpu.memory_space<vmem>>, vector<16xf32>,
      %add3A_859 = arith.constant 15 : i32
      %add3A_860 = arith.addi %add3A_234, %add3A_859 : i32
      %swap3A_861 = arith.index_cast %add3A_860 : i32 to index
      %swap3A_862 = arith.constant 80 : index
      %swap3A_863 = tpu.vector_load %arg7[%swap3A_861, %swap3A_862] {strides = array<i32>} : memref<802x128xf32, #tpu.memory_space<vmem>>, vector<16xf32>,
      tpu.vector_store %arg7[%swap3A_861, %swap3A_862], %broadcast_in_dim3A_3 {strides = array<i32>} : memref<802x128xf32, #tpu.memory_space<vmem>>, vector<16xf32>,
      %add3A_864 = arith.constant 15 : i32
      %add3A_865 = arith.addi %add3A_234, %add3A_864 : i32
      %swap3A_866 = arith.index_cast %add3A_865 : i32 to index
      %swap3A_867 = arith.constant 96 : index
      %swap3A_868 = tpu.vector_load %arg7[%swap3A_866, %swap3A_867] {strides = array<i32>} : memref<802x128xf32, #tpu.memory_space<vmem>>, vector<16xf32>,
      tpu.vector_store %arg7[%swap3A_866, %swap3A_867], %broadcast_in_dim3A_3 {strides = array<i32>} : memref<802x128xf32, #tpu.memory_space<vmem>>, vector<16xf32>,
      %add3A_869 = arith.constant 15 : i32
      %add3A_870 = arith.addi %add3A_234, %add3A_869 : i32
      %swap3A_871 = arith.index_cast %add3A_870 : i32 to index
      %swap3A_872 = arith.constant 112 : index
      %swap3A_873 = tpu.vector_load %arg7[%swap3A_871, %swap3A_872] {strides = array<i32>} : memref<802x128xf32, #tpu.memory_space<vmem>>, vector<16xf32>,
      tpu.vector_store %arg7[%swap3A_871, %swap3A_872], %broadcast_in_dim3A_3 {strides = array<i32>} : memref<802x128xf32, #tpu.memory_space<vmem>>, vector<16xf32>,
      %while3A_874 = arith.constant 0 : i32
      scf.yield %while3A_874 : i32
    }
    %mul3A_91 = arith.constant 56 : i32
    %mul3A_92 = arith.muli %arg1, %mul3A_91 : i32
    %add3A_93 = arith.constant 0 : i32
    %add3A_94 = arith.addi %mul3A_92, %add3A_93 : i32
    "tpu.region"() ({
      %run_scoped3A = tpu.sem_alloc : memref<!tpu.dma_semaphore, #tpu.memory_space<semaphore_mem>>
      %dma_start3A_230 = arith.constant 0 : i32
      %dma_start3A_231 = tpu.memref_slice %arg7[%shift_right_logical3A_72, %dma_start3A_230] : memref<802x128xf32, #tpu.memory_space<vmem>> -> memref<14x128xf32, #tpu.memory_space<vmem>>
      %dma_start3A_232 = arith.constant 0 : i32
      %dma_start3A_233 = tpu.memref_slice %arg9[%add3A_94, %dma_start3A_232] : memref<896x128xf32, #tpu.memory_space<vmem_shared>> -> memref<14x128xf32, #tpu.memory_space<vmem_shared>>
      %dma_start3A_234 = arith.constant 0 : i32
      %dma_start3A_235 = tpu.memref_slice %arg9[%add3A_94, %dma_start3A_234] : memref<896x128xf32, #tpu.memory_space<vmem_shared>> -> memref<14x128xf32, #tpu.memory_space<vmem_shared>>
      %dma_start3A_236 = arith.constant 0 : i32
      %dma_start3A_237 = tpu.memref_slice %arg7[%shift_right_logical3A_72, %dma_start3A_236] : memref<802x128xf32, #tpu.memory_space<vmem>> -> memref<14x128xf32, #tpu.memory_space<vmem>>
      tpu.enqueue_dma source(%dma_start3A_237 : memref<14x128xf32, #tpu.memory_space<vmem>>) target(%dma_start3A_235 : memref<14x128xf32, #tpu.memory_space<vmem_shared>>) target_semaphore(%run_scoped3A : memref<!tpu.dma_semaphore, #tpu.memory_space<semaphore_mem>>)
      %dma_wait3A_238 = arith.constant 0 : i32
      %dma_wait3A_239 = tpu.memref_slice %arg7[%shift_right_logical3A_72, %dma_wait3A_238] : memref<802x128xf32, #tpu.memory_space<vmem>> -> memref<14x128xf32, #tpu.memory_space<vmem>>
      %dma_wait3A_240 = arith.constant 0 : i32
      %dma_wait3A_241 = tpu.memref_slice %arg9[%add3A_94, %dma_wait3A_240] : memref<896x128xf32, #tpu.memory_space<vmem_shared>> -> memref<14x128xf32, #tpu.memory_space<vmem_shared>>
      %dma_wait3A_242 = arith.constant 0 : i32
      %dma_wait3A_243 = tpu.memref_slice %arg9[%add3A_94, %dma_wait3A_242] : memref<896x128xf32, #tpu.memory_space<vmem_shared>> -> memref<14x128xf32, #tpu.memory_space<vmem_shared>>
      %dma_wait3A_244 = arith.constant 0 : i32
      %dma_wait3A_245 = tpu.memref_slice %arg7[%shift_right_logical3A_72, %dma_wait3A_244] : memref<802x128xf32, #tpu.memory_space<vmem>> -> memref<14x128xf32, #tpu.memory_space<vmem>>
      tpu.wait_dma2 semaphore(%run_scoped3A : memref<!tpu.dma_semaphore, #tpu.memory_space<semaphore_mem>>) src(%dma_wait3A_245 : memref<14x128xf32, #tpu.memory_space<vmem>>) dst(%dma_wait3A_243 : memref<14x128xf32, #tpu.memory_space<vmem_shared>>)
      tpu.yield
    }) : () -> ()
    %mul3A_95 = arith.constant 56 : i32
    %mul3A_96 = arith.muli %arg1, %mul3A_95 : i32
    %add3A_97 = arith.constant 14 : i32
    %add3A_98 = arith.addi %mul3A_96, %add3A_97 : i32
    "tpu.region"() ({
      %run_scoped3A = tpu.sem_alloc : memref<!tpu.dma_semaphore, #tpu.memory_space<semaphore_mem>>
      %dma_start3A_230 = arith.constant 0 : i32
      %dma_start3A_231 = tpu.memref_slice %arg7[%shift_right_logical3A_72, %dma_start3A_230] : memref<802x128xf32, #tpu.memory_space<vmem>> -> memref<14x128xf32, #tpu.memory_space<vmem>>
      %dma_start3A_232 = arith.constant 0 : i32
      %dma_start3A_233 = tpu.memref_slice %arg9[%add3A_98, %dma_start3A_232] : memref<896x128xf32, #tpu.memory_space<vmem_shared>> -> memref<14x128xf32, #tpu.memory_space<vmem_shared>>
      %dma_start3A_234 = arith.constant 0 : i32
      %dma_start3A_235 = tpu.memref_slice %arg9[%add3A_98, %dma_start3A_234] : memref<896x128xf32, #tpu.memory_space<vmem_shared>> -> memref<14x128xf32, #tpu.memory_space<vmem_shared>>
      %dma_start3A_236 = arith.constant 0 : i32
      %dma_start3A_237 = tpu.memref_slice %arg7[%shift_right_logical3A_72, %dma_start3A_236] : memref<802x128xf32, #tpu.memory_space<vmem>> -> memref<14x128xf32, #tpu.memory_space<vmem>>
      tpu.enqueue_dma source(%dma_start3A_237 : memref<14x128xf32, #tpu.memory_space<vmem>>) target(%dma_start3A_235 : memref<14x128xf32, #tpu.memory_space<vmem_shared>>) target_semaphore(%run_scoped3A : memref<!tpu.dma_semaphore, #tpu.memory_space<semaphore_mem>>)
      %dma_wait3A_238 = arith.constant 0 : i32
      %dma_wait3A_239 = tpu.memref_slice %arg7[%shift_right_logical3A_72, %dma_wait3A_238] : memref<802x128xf32, #tpu.memory_space<vmem>> -> memref<14x128xf32, #tpu.memory_space<vmem>>
      %dma_wait3A_240 = arith.constant 0 : i32
      %dma_wait3A_241 = tpu.memref_slice %arg9[%add3A_98, %dma_wait3A_240] : memref<896x128xf32, #tpu.memory_space<vmem_shared>> -> memref<14x128xf32, #tpu.memory_space<vmem_shared>>
      %dma_wait3A_242 = arith.constant 0 : i32
      %dma_wait3A_243 = tpu.memref_slice %arg9[%add3A_98, %dma_wait3A_242] : memref<896x128xf32, #tpu.memory_space<vmem_shared>> -> memref<14x128xf32, #tpu.memory_space<vmem_shared>>
      %dma_wait3A_244 = arith.constant 0 : i32
      %dma_wait3A_245 = tpu.memref_slice %arg7[%shift_right_logical3A_72, %dma_wait3A_244] : memref<802x128xf32, #tpu.memory_space<vmem>> -> memref<14x128xf32, #tpu.memory_space<vmem>>
      tpu.wait_dma2 semaphore(%run_scoped3A : memref<!tpu.dma_semaphore, #tpu.memory_space<semaphore_mem>>) src(%dma_wait3A_245 : memref<14x128xf32, #tpu.memory_space<vmem>>) dst(%dma_wait3A_243 : memref<14x128xf32, #tpu.memory_space<vmem_shared>>)
      tpu.yield
    }) : () -> ()
    %mul3A_99 = arith.constant 56 : i32
    %mul3A_100 = arith.muli %arg1, %mul3A_99 : i32
    %add3A_101 = arith.constant 28 : i32
    %add3A_102 = arith.addi %mul3A_100, %add3A_101 : i32
    "tpu.region"() ({
      %run_scoped3A = tpu.sem_alloc : memref<!tpu.dma_semaphore, #tpu.memory_space<semaphore_mem>>
      %dma_start3A_230 = arith.constant 0 : i32
      %dma_start3A_231 = tpu.memref_slice %arg7[%shift_right_logical3A_72, %dma_start3A_230] : memref<802x128xf32, #tpu.memory_space<vmem>> -> memref<14x128xf32, #tpu.memory_space<vmem>>
      %dma_start3A_232 = arith.constant 0 : i32
      %dma_start3A_233 = tpu.memref_slice %arg9[%add3A_102, %dma_start3A_232] : memref<896x128xf32, #tpu.memory_space<vmem_shared>> -> memref<14x128xf32, #tpu.memory_space<vmem_shared>>
      %dma_start3A_234 = arith.constant 0 : i32
      %dma_start3A_235 = tpu.memref_slice %arg9[%add3A_102, %dma_start3A_234] : memref<896x128xf32, #tpu.memory_space<vmem_shared>> -> memref<14x128xf32, #tpu.memory_space<vmem_shared>>
      %dma_start3A_236 = arith.constant 0 : i32
      %dma_start3A_237 = tpu.memref_slice %arg7[%shift_right_logical3A_72, %dma_start3A_236] : memref<802x128xf32, #tpu.memory_space<vmem>> -> memref<14x128xf32, #tpu.memory_space<vmem>>
      tpu.enqueue_dma source(%dma_start3A_237 : memref<14x128xf32, #tpu.memory_space<vmem>>) target(%dma_start3A_235 : memref<14x128xf32, #tpu.memory_space<vmem_shared>>) target_semaphore(%run_scoped3A : memref<!tpu.dma_semaphore, #tpu.memory_space<semaphore_mem>>)
      %dma_wait3A_238 = arith.constant 0 : i32
      %dma_wait3A_239 = tpu.memref_slice %arg7[%shift_right_logical3A_72, %dma_wait3A_238] : memref<802x128xf32, #tpu.memory_space<vmem>> -> memref<14x128xf32, #tpu.memory_space<vmem>>
      %dma_wait3A_240 = arith.constant 0 : i32
      %dma_wait3A_241 = tpu.memref_slice %arg9[%add3A_102, %dma_wait3A_240] : memref<896x128xf32, #tpu.memory_space<vmem_shared>> -> memref<14x128xf32, #tpu.memory_space<vmem_shared>>
      %dma_wait3A_242 = arith.constant 0 : i32
      %dma_wait3A_243 = tpu.memref_slice %arg9[%add3A_102, %dma_wait3A_242] : memref<896x128xf32, #tpu.memory_space<vmem_shared>> -> memref<14x128xf32, #tpu.memory_space<vmem_shared>>
      %dma_wait3A_244 = arith.constant 0 : i32
      %dma_wait3A_245 = tpu.memref_slice %arg7[%shift_right_logical3A_72, %dma_wait3A_244] : memref<802x128xf32, #tpu.memory_space<vmem>> -> memref<14x128xf32, #tpu.memory_space<vmem>>
      tpu.wait_dma2 semaphore(%run_scoped3A : memref<!tpu.dma_semaphore, #tpu.memory_space<semaphore_mem>>) src(%dma_wait3A_245 : memref<14x128xf32, #tpu.memory_space<vmem>>) dst(%dma_wait3A_243 : memref<14x128xf32, #tpu.memory_space<vmem_shared>>)
      tpu.yield
    }) : () -> ()
    %mul3A_103 = arith.constant 56 : i32
    %mul3A_104 = arith.muli %arg1, %mul3A_103 : i32
    %add3A_105 = arith.constant 42 : i32
    %add3A_106 = arith.addi %mul3A_104, %add3A_105 : i32
    "tpu.region"() ({
      %run_scoped3A = tpu.sem_alloc : memref<!tpu.dma_semaphore, #tpu.memory_space<semaphore_mem>>
      %dma_start3A_230 = arith.constant 0 : i32
      %dma_start3A_231 = tpu.memref_slice %arg7[%shift_right_logical3A_72, %dma_start3A_230] : memref<802x128xf32, #tpu.memory_space<vmem>> -> memref<14x128xf32, #tpu.memory_space<vmem>>
      %dma_start3A_232 = arith.constant 0 : i32
      %dma_start3A_233 = tpu.memref_slice %arg9[%add3A_106, %dma_start3A_232] : memref<896x128xf32, #tpu.memory_space<vmem_shared>> -> memref<14x128xf32, #tpu.memory_space<vmem_shared>>
      %dma_start3A_234 = arith.constant 0 : i32
      %dma_start3A_235 = tpu.memref_slice %arg9[%add3A_106, %dma_start3A_234] : memref<896x128xf32, #tpu.memory_space<vmem_shared>> -> memref<14x128xf32, #tpu.memory_space<vmem_shared>>
      %dma_start3A_236 = arith.constant 0 : i32
      %dma_start3A_237 = tpu.memref_slice %arg7[%shift_right_logical3A_72, %dma_start3A_236] : memref<802x128xf32, #tpu.memory_space<vmem>> -> memref<14x128xf32, #tpu.memory_space<vmem>>
      tpu.enqueue_dma source(%dma_start3A_237 : memref<14x128xf32, #tpu.memory_space<vmem>>) target(%dma_start3A_235 : memref<14x128xf32, #tpu.memory_space<vmem_shared>>) target_semaphore(%run_scoped3A : memref<!tpu.dma_semaphore, #tpu.memory_space<semaphore_mem>>)
      %dma_wait3A_238 = arith.constant 0 : i32
      %dma_wait3A_239 = tpu.memref_slice %arg7[%shift_right_logical3A_72, %dma_wait3A_238] : memref<802x128xf32, #tpu.memory_space<vmem>> -> memref<14x128xf32, #tpu.memory_space<vmem>>
      %dma_wait3A_240 = arith.constant 0 : i32
      %dma_wait3A_241 = tpu.memref_slice %arg9[%add3A_106, %dma_wait3A_240] : memref<896x128xf32, #tpu.memory_space<vmem_shared>> -> memref<14x128xf32, #tpu.memory_space<vmem_shared>>
      %dma_wait3A_242 = arith.constant 0 : i32
      %dma_wait3A_243 = tpu.memref_slice %arg9[%add3A_106, %dma_wait3A_242] : memref<896x128xf32, #tpu.memory_space<vmem_shared>> -> memref<14x128xf32, #tpu.memory_space<vmem_shared>>
      %dma_wait3A_244 = arith.constant 0 : i32
      %dma_wait3A_245 = tpu.memref_slice %arg7[%shift_right_logical3A_72, %dma_wait3A_244] : memref<802x128xf32, #tpu.memory_space<vmem>> -> memref<14x128xf32, #tpu.memory_space<vmem>>
      tpu.wait_dma2 semaphore(%run_scoped3A : memref<!tpu.dma_semaphore, #tpu.memory_space<semaphore_mem>>) src(%dma_wait3A_245 : memref<14x128xf32, #tpu.memory_space<vmem>>) dst(%dma_wait3A_243 : memref<14x128xf32, #tpu.memory_space<vmem_shared>>)
      tpu.yield
    }) : () -> ()
    %barrier3A = arith.constant 0 : index
    tpu.barrier barrier_id(%barrier3A)
    %add3A_107 = arith.constant 4000 : i32
    %add3A_108 = arith.addi %mul3A_2, %add3A_107 : i32
    %dma_start3A_109 = arith.constant 2 : i32
    %dma_start3A_110 = arith.constant 4000 : i32
    %dma_start3A_111 = tpu.memref_slice %arg5[%dma_start3A_110] : memref<6000xi32, #tpu.memory_space<vmem>> -> memref<2000xi32, #tpu.memory_space<vmem>>
    %dma_start3A_112 = tpu.memref_slice %arg2[%add3A_108] : memref<6400000xi32, #tpu.memory_space<hbm>> -> memref<2000xi32, #tpu.memory_space<hbm>>
    %dma_start3A_113 = tpu.memref_slice %arg10[%dma_start3A_109] : memref<3x!tpu.dma_semaphore, #tpu.memory_space<semaphore_mem>> -> memref<1x!tpu.dma_semaphore, #tpu.memory_space<semaphore_mem>>
    %dma_start3A_114 = tpu.memref_squeeze %dma_start3A_113 : memref<1x!tpu.dma_semaphore, #tpu.memory_space<semaphore_mem>> -> memref<!tpu.dma_semaphore, #tpu.memory_space<semaphore_mem>>
    %dma_start3A_115 = arith.constant 4000 : i32
    %dma_start3A_116 = tpu.memref_slice %arg5[%dma_start3A_115] : memref<6000xi32, #tpu.memory_space<vmem>> -> memref<2000xi32, #tpu.memory_space<vmem>>
    %dma_start3A_117 = tpu.memref_slice %arg2[%add3A_108] : memref<6400000xi32, #tpu.memory_space<hbm>> -> memref<2000xi32, #tpu.memory_space<hbm>>
    tpu.enqueue_dma source(%dma_start3A_117 : memref<2000xi32, #tpu.memory_space<hbm>>) target(%dma_start3A_116 : memref<2000xi32, #tpu.memory_space<vmem>>) target_semaphore(%dma_start3A_114 : memref<!tpu.dma_semaphore, #tpu.memory_space<semaphore_mem>>)
    %dma_start3A_118 = arith.constant 2 : i32
    %dma_start3A_119 = arith.constant 4000 : i32
    %dma_start3A_120 = tpu.memref_slice %arg6[%dma_start3A_119] : memref<6000xf32, #tpu.memory_space<vmem>> -> memref<2000xf32, #tpu.memory_space<vmem>>
    %dma_start3A_121 = tpu.memref_slice %arg3[%add3A_108] : memref<6400000xf32, #tpu.memory_space<hbm>> -> memref<2000xf32, #tpu.memory_space<hbm>>
    %dma_start3A_122 = tpu.memref_slice %arg10[%dma_start3A_118] : memref<3x!tpu.dma_semaphore, #tpu.memory_space<semaphore_mem>> -> memref<1x!tpu.dma_semaphore, #tpu.memory_space<semaphore_mem>>
    %dma_start3A_123 = tpu.memref_squeeze %dma_start3A_122 : memref<1x!tpu.dma_semaphore, #tpu.memory_space<semaphore_mem>> -> memref<!tpu.dma_semaphore, #tpu.memory_space<semaphore_mem>>
    %dma_start3A_124 = arith.constant 4000 : i32
    %dma_start3A_125 = tpu.memref_slice %arg6[%dma_start3A_124] : memref<6000xf32, #tpu.memory_space<vmem>> -> memref<2000xf32, #tpu.memory_space<vmem>>
    %dma_start3A_126 = tpu.memref_slice %arg3[%add3A_108] : memref<6400000xf32, #tpu.memory_space<hbm>> -> memref<2000xf32, #tpu.memory_space<hbm>>
    tpu.enqueue_dma source(%dma_start3A_126 : memref<2000xf32, #tpu.memory_space<hbm>>) target(%dma_start3A_125 : memref<2000xf32, #tpu.memory_space<vmem>>) target_semaphore(%dma_start3A_123 : memref<!tpu.dma_semaphore, #tpu.memory_space<semaphore_mem>>)
    %mul3A_127 = arith.constant 125 : i32
    %mul3A_128 = vector.broadcast %mul3A_127 : i32 to vector<16xi32>
    %mul3A_129 = arith.muli %iota3A, %mul3A_128 : vector<16xi32>
    %add3A_130 = arith.constant 0 : i32
    %add3A_131 = vector.broadcast %add3A_130 : i32 to vector<16xi32>
    %add3A_132 = arith.addi %mul3A_129, %add3A_131 : vector<16xi32>
    %scan3A = arith.constant 0 : i32
    %scan3A_133 = arith.constant 25 : i32
    %scan3A_134 = arith.addi %scan3A, %scan3A_133 : i32
    %scan3A_135 = arith.constant 1 : i32
    %scan3A_136:3 = scf.for %scan3A_230 = %scan3A to %scan3A_134 step %scan3A_135 iter_args(%scan3A_231 = %broadcast_in_dim3A_5, %scan3A_232 = %broadcast_in_dim3A_3, %scan3A_233 = %broadcast_in_dim3A_3) -> (vector<16xi32>, vector<16xf32>, vector<16xf32>)  : i32 {
      %mul3A_234 = arith.constant 5 : i32
      %mul3A_235 = arith.muli %scan3A_230, %mul3A_234 : i32
      %add3A_236 = arith.constant 0 : i32
      %add3A_237 = arith.addi %mul3A_235, %add3A_236 : i32
      %add3A_238 = vector.broadcast %add3A_237 : i32 to vector<16xi32>
      %add3A_239 = arith.addi %add3A_132, %add3A_238 : vector<16xi32>
      %gather3A = tpu.vector_load_idx %arg5[%add3A_239] : memref<6000xi32, #tpu.memory_space<vmem>>[vector<16xi32>], vector<16xi32>,
      %gather3A_240 = tpu.vector_load_idx %arg6[%add3A_239] : memref<6000xf32, #tpu.memory_space<vmem>>[vector<16xi32>], vector<16xf32>,
      %add3A_241 = arith.constant 1 : i32
      %add3A_242 = arith.addi %mul3A_235, %add3A_241 : i32
      %add3A_243 = vector.broadcast %add3A_242 : i32 to vector<16xi32>
      %add3A_244 = arith.addi %add3A_132, %add3A_243 : vector<16xi32>
      %gather3A_245 = tpu.vector_load_idx %arg5[%add3A_244] : memref<6000xi32, #tpu.memory_space<vmem>>[vector<16xi32>], vector<16xi32>,
      %gather3A_246 = tpu.vector_load_idx %arg6[%add3A_244] : memref<6000xf32, #tpu.memory_space<vmem>>[vector<16xi32>], vector<16xf32>,
      %add3A_247 = arith.constant 2 : i32
      %add3A_248 = arith.addi %mul3A_235, %add3A_247 : i32
      %add3A_249 = vector.broadcast %add3A_248 : i32 to vector<16xi32>
      %add3A_250 = arith.addi %add3A_132, %add3A_249 : vector<16xi32>
      %gather3A_251 = tpu.vector_load_idx %arg5[%add3A_250] : memref<6000xi32, #tpu.memory_space<vmem>>[vector<16xi32>], vector<16xi32>,
      %gather3A_252 = tpu.vector_load_idx %arg6[%add3A_250] : memref<6000xf32, #tpu.memory_space<vmem>>[vector<16xi32>], vector<16xf32>,
      %add3A_253 = arith.constant 3 : i32
      %add3A_254 = arith.addi %mul3A_235, %add3A_253 : i32
      %add3A_255 = vector.broadcast %add3A_254 : i32 to vector<16xi32>
      %add3A_256 = arith.addi %add3A_132, %add3A_255 : vector<16xi32>
      %gather3A_257 = tpu.vector_load_idx %arg5[%add3A_256] : memref<6000xi32, #tpu.memory_space<vmem>>[vector<16xi32>], vector<16xi32>,
      %gather3A_258 = tpu.vector_load_idx %arg6[%add3A_256] : memref<6000xf32, #tpu.memory_space<vmem>>[vector<16xi32>], vector<16xf32>,
      %add3A_259 = arith.constant 4 : i32
      %add3A_260 = arith.addi %mul3A_235, %add3A_259 : i32
      %add3A_261 = vector.broadcast %add3A_260 : i32 to vector<16xi32>
      %add3A_262 = arith.addi %add3A_132, %add3A_261 : vector<16xi32>
      %gather3A_263 = tpu.vector_load_idx %arg5[%add3A_262] : memref<6000xi32, #tpu.memory_space<vmem>>[vector<16xi32>], vector<16xi32>,
      %gather3A_264 = tpu.vector_load_idx %arg6[%add3A_262] : memref<6000xf32, #tpu.memory_space<vmem>>[vector<16xi32>], vector<16xf32>,
      %ne3A = arith.cmpi ne, %gather3A, %scan3A_231 : vector<16xi32>
      %shift_right_logical3A_265 = arith.constant 7 : i32
      %shift_right_logical3A_266 = vector.broadcast %shift_right_logical3A_265 : i32 to vector<16xi32>
      %shift_right_logical3A_267 = arith.shrui %scan3A_231, %shift_right_logical3A_266 : vector<16xi32>
      %and3A_268 = arith.constant 127 : i32
      %and3A_269 = vector.broadcast %and3A_268 : i32 to vector<16xi32>
      %and3A_270 = arith.andi %scan3A_231, %and3A_269 : vector<16xi32>
      %sub3A_271 = arith.subf %scan3A_232, %scan3A_233 : vector<16xf32>
      tpu.vector_store_idx %arg7[%shift_right_logical3A_267, %and3A_270], %sub3A_271 masked %ne3A {add = true} : memref<802x128xf32, #tpu.memory_space<vmem>>[vector<16xi32>, vector<16xi32>], vector<16xf32>, vector<16xi1>
      %select_n3A = arith.select %ne3A, %scan3A_232, %scan3A_233 : vector<16xi1>, vector<16xf32>
      %add3A_272 = arith.addf %scan3A_232, %gather3A_240 : vector<16xf32>
      %ne3A_273 = arith.cmpi ne, %gather3A_245, %gather3A : vector<16xi32>
      %shift_right_logical3A_274 = arith.constant 7 : i32
      %shift_right_logical3A_275 = vector.broadcast %shift_right_logical3A_274 : i32 to vector<16xi32>
      %shift_right_logical3A_276 = arith.shrui %gather3A, %shift_right_logical3A_275 : vector<16xi32>
      %and3A_277 = arith.constant 127 : i32
      %and3A_278 = vector.broadcast %and3A_277 : i32 to vector<16xi32>
      %and3A_279 = arith.andi %gather3A, %and3A_278 : vector<16xi32>
      %sub3A_280 = arith.subf %add3A_272, %select_n3A : vector<16xf32>
      tpu.vector_store_idx %arg7[%shift_right_logical3A_276, %and3A_279], %sub3A_280 masked %ne3A_273 {add = true} : memref<802x128xf32, #tpu.memory_space<vmem>>[vector<16xi32>, vector<16xi32>], vector<16xf32>, vector<16xi1>
      %select_n3A_281 = arith.select %ne3A_273, %add3A_272, %select_n3A : vector<16xi1>, vector<16xf32>
      %add3A_282 = arith.addf %add3A_272, %gather3A_246 : vector<16xf32>
      %ne3A_283 = arith.cmpi ne, %gather3A_251, %gather3A_245 : vector<16xi32>
      %shift_right_logical3A_284 = arith.constant 7 : i32
      %shift_right_logical3A_285 = vector.broadcast %shift_right_logical3A_284 : i32 to vector<16xi32>
      %shift_right_logical3A_286 = arith.shrui %gather3A_245, %shift_right_logical3A_285 : vector<16xi32>
      %and3A_287 = arith.constant 127 : i32
      %and3A_288 = vector.broadcast %and3A_287 : i32 to vector<16xi32>
      %and3A_289 = arith.andi %gather3A_245, %and3A_288 : vector<16xi32>
      %sub3A_290 = arith.subf %add3A_282, %select_n3A_281 : vector<16xf32>
      tpu.vector_store_idx %arg7[%shift_right_logical3A_286, %and3A_289], %sub3A_290 masked %ne3A_283 {add = true} : memref<802x128xf32, #tpu.memory_space<vmem>>[vector<16xi32>, vector<16xi32>], vector<16xf32>, vector<16xi1>
      %select_n3A_291 = arith.select %ne3A_283, %add3A_282, %select_n3A_281 : vector<16xi1>, vector<16xf32>
      %add3A_292 = arith.addf %add3A_282, %gather3A_252 : vector<16xf32>
      %ne3A_293 = arith.cmpi ne, %gather3A_257, %gather3A_251 : vector<16xi32>
      %shift_right_logical3A_294 = arith.constant 7 : i32
      %shift_right_logical3A_295 = vector.broadcast %shift_right_logical3A_294 : i32 to vector<16xi32>
      %shift_right_logical3A_296 = arith.shrui %gather3A_251, %shift_right_logical3A_295 : vector<16xi32>
      %and3A_297 = arith.constant 127 : i32
      %and3A_298 = vector.broadcast %and3A_297 : i32 to vector<16xi32>
      %and3A_299 = arith.andi %gather3A_251, %and3A_298 : vector<16xi32>
      %sub3A_300 = arith.subf %add3A_292, %select_n3A_291 : vector<16xf32>
      tpu.vector_store_idx %arg7[%shift_right_logical3A_296, %and3A_299], %sub3A_300 masked %ne3A_293 {add = true} : memref<802x128xf32, #tpu.memory_space<vmem>>[vector<16xi32>, vector<16xi32>], vector<16xf32>, vector<16xi1>
      %select_n3A_301 = arith.select %ne3A_293, %add3A_292, %select_n3A_291 : vector<16xi1>, vector<16xf32>
      %add3A_302 = arith.addf %add3A_292, %gather3A_258 : vector<16xf32>
      %ne3A_303 = arith.cmpi ne, %gather3A_263, %gather3A_257 : vector<16xi32>
      %shift_right_logical3A_304 = arith.constant 7 : i32
      %shift_right_logical3A_305 = vector.broadcast %shift_right_logical3A_304 : i32 to vector<16xi32>
      %shift_right_logical3A_306 = arith.shrui %gather3A_257, %shift_right_logical3A_305 : vector<16xi32>
      %and3A_307 = arith.constant 127 : i32
      %and3A_308 = vector.broadcast %and3A_307 : i32 to vector<16xi32>
      %and3A_309 = arith.andi %gather3A_257, %and3A_308 : vector<16xi32>
      %sub3A_310 = arith.subf %add3A_302, %select_n3A_301 : vector<16xf32>
      tpu.vector_store_idx %arg7[%shift_right_logical3A_306, %and3A_309], %sub3A_310 masked %ne3A_303 {add = true} : memref<802x128xf32, #tpu.memory_space<vmem>>[vector<16xi32>, vector<16xi32>], vector<16xf32>, vector<16xi1>
      %select_n3A_311 = arith.select %ne3A_303, %add3A_302, %select_n3A_301 : vector<16xi1>, vector<16xf32>
      %add3A_312 = arith.addf %add3A_302, %gather3A_264 : vector<16xf32>
      scf.yield %gather3A_263, %add3A_312, %select_n3A_311 : vector<16xi32>, vector<16xf32>, vector<16xf32>
    }
    %scan3A_137 = arith.constant 25 : i32
    %shift_right_logical3A_138 = arith.constant 7 : i32
    %shift_right_logical3A_139 = vector.broadcast %shift_right_logical3A_138 : i32 to vector<16xi32>
    %shift_right_logical3A_140 = arith.shrui %scan3A_136#0, %shift_right_logical3A_139 : vector<16xi32>
    %and3A = arith.constant 127 : i32
    %and3A_141 = vector.broadcast %and3A : i32 to vector<16xi32>
    %and3A_142 = arith.andi %scan3A_136#0, %and3A_141 : vector<16xi32>
    %sub3A_143 = arith.subf %scan3A_136#1, %scan3A_136#2 : vector<16xf32>
    %eq3A = arith.constant 0 : i32
    %eq3A_144 = vector.broadcast %eq3A : i32 to vector<16xi32>
    %eq3A_145 = arith.cmpi eq, %iota3A, %eq3A_144 : vector<16xi32>
    tpu.vector_store_idx %arg7[%shift_right_logical3A_140, %and3A_142], %sub3A_143 masked %eq3A_145 {add = true} : memref<802x128xf32, #tpu.memory_space<vmem>>[vector<16xi32>, vector<16xi32>], vector<16xf32>, vector<16xi1>
    %sub3A_146 = arith.subf %scan3A_136#1, %scan3A_136#2 : vector<16xf32>
    %eq3A_147 = arith.constant 1 : i32
    %eq3A_148 = vector.broadcast %eq3A_147 : i32 to vector<16xi32>
    %eq3A_149 = arith.cmpi eq, %iota3A, %eq3A_148 : vector<16xi32>
    tpu.vector_store_idx %arg7[%shift_right_logical3A_140, %and3A_142], %sub3A_146 masked %eq3A_149 {add = true} : memref<802x128xf32, #tpu.memory_space<vmem>>[vector<16xi32>, vector<16xi32>], vector<16xf32>, vector<16xi1>
    %sub3A_150 = arith.subf %scan3A_136#1, %scan3A_136#2 : vector<16xf32>
    %eq3A_151 = arith.constant 2 : i32
    %eq3A_152 = vector.broadcast %eq3A_151 : i32 to vector<16xi32>
    %eq3A_153 = arith.cmpi eq, %iota3A, %eq3A_152 : vector<16xi32>
    tpu.vector_store_idx %arg7[%shift_right_logical3A_140, %and3A_142], %sub3A_150 masked %eq3A_153 {add = true} : memref<802x128xf32, #tpu.memory_space<vmem>>[vector<16xi32>, vector<16xi32>], vector<16xf32>, vector<16xi1>
    %sub3A_154 = arith.subf %scan3A_136#1, %scan3A_136#2 : vector<16xf32>
    %eq3A_155 = arith.constant 3 : i32
    %eq3A_156 = vector.broadcast %eq3A_155 : i32 to vector<16xi32>
    %eq3A_157 = arith.cmpi eq, %iota3A, %eq3A_156 : vector<16xi32>
    tpu.vector_store_idx %arg7[%shift_right_logical3A_140, %and3A_142], %sub3A_154 masked %eq3A_157 {add = true} : memref<802x128xf32, #tpu.memory_space<vmem>>[vector<16xi32>, vector<16xi32>], vector<16xf32>, vector<16xi1>
    %sub3A_158 = arith.subf %scan3A_136#1, %scan3A_136#2 : vector<16xf32>
    %eq3A_159 = arith.constant 4 : i32
    %eq3A_160 = vector.broadcast %eq3A_159 : i32 to vector<16xi32>
    %eq3A_161 = arith.cmpi eq, %iota3A, %eq3A_160 : vector<16xi32>
    tpu.vector_store_idx %arg7[%shift_right_logical3A_140, %and3A_142], %sub3A_158 masked %eq3A_161 {add = true} : memref<802x128xf32, #tpu.memory_space<vmem>>[vector<16xi32>, vector<16xi32>], vector<16xf32>, vector<16xi1>
    %sub3A_162 = arith.subf %scan3A_136#1, %scan3A_136#2 : vector<16xf32>
    %eq3A_163 = arith.constant 5 : i32
    %eq3A_164 = vector.broadcast %eq3A_163 : i32 to vector<16xi32>
    %eq3A_165 = arith.cmpi eq, %iota3A, %eq3A_164 : vector<16xi32>
    tpu.vector_store_idx %arg7[%shift_right_logical3A_140, %and3A_142], %sub3A_162 masked %eq3A_165 {add = true} : memref<802x128xf32, #tpu.memory_space<vmem>>[vector<16xi32>, vector<16xi32>], vector<16xf32>, vector<16xi1>
    %sub3A_166 = arith.subf %scan3A_136#1, %scan3A_136#2 : vector<16xf32>
    %eq3A_167 = arith.constant 6 : i32
    %eq3A_168 = vector.broadcast %eq3A_167 : i32 to vector<16xi32>
    %eq3A_169 = arith.cmpi eq, %iota3A, %eq3A_168 : vector<16xi32>
    tpu.vector_store_idx %arg7[%shift_right_logical3A_140, %and3A_142], %sub3A_166 masked %eq3A_169 {add = true} : memref<802x128xf32, #tpu.memory_space<vmem>>[vector<16xi32>, vector<16xi32>], vector<16xf32>, vector<16xi1>
    %sub3A_170 = arith.subf %scan3A_136#1, %scan3A_136#2 : vector<16xf32>
    %eq3A_171 = arith.constant 7 : i32
    %eq3A_172 = vector.broadcast %eq3A_171 : i32 to vector<16xi32>
    %eq3A_173 = arith.cmpi eq, %iota3A, %eq3A_172 : vector<16xi32>
    tpu.vector_store_idx %arg7[%shift_right_logical3A_140, %and3A_142], %sub3A_170 masked %eq3A_173 {add = true} : memref<802x128xf32, #tpu.memory_space<vmem>>[vector<16xi32>, vector<16xi32>], vector<16xf32>, vector<16xi1>
    %sub3A_174 = arith.subf %scan3A_136#1, %scan3A_136#2 : vector<16xf32>
    %eq3A_175 = arith.constant 8 : i32
    %eq3A_176 = vector.broadcast %eq3A_175 : i32 to vector<16xi32>
    %eq3A_177 = arith.cmpi eq, %iota3A, %eq3A_176 : vector<16xi32>
    tpu.vector_store_idx %arg7[%shift_right_logical3A_140, %and3A_142], %sub3A_174 masked %eq3A_177 {add = true} : memref<802x128xf32, #tpu.memory_space<vmem>>[vector<16xi32>, vector<16xi32>], vector<16xf32>, vector<16xi1>
    %sub3A_178 = arith.subf %scan3A_136#1, %scan3A_136#2 : vector<16xf32>
    %eq3A_179 = arith.constant 9 : i32
    %eq3A_180 = vector.broadcast %eq3A_179 : i32 to vector<16xi32>
    %eq3A_181 = arith.cmpi eq, %iota3A, %eq3A_180 : vector<16xi32>
    tpu.vector_store_idx %arg7[%shift_right_logical3A_140, %and3A_142], %sub3A_178 masked %eq3A_181 {add = true} : memref<802x128xf32, #tpu.memory_space<vmem>>[vector<16xi32>, vector<16xi32>], vector<16xf32>, vector<16xi1>
    %sub3A_182 = arith.subf %scan3A_136#1, %scan3A_136#2 : vector<16xf32>
    %eq3A_183 = arith.constant 10 : i32
    %eq3A_184 = vector.broadcast %eq3A_183 : i32 to vector<16xi32>
    %eq3A_185 = arith.cmpi eq, %iota3A, %eq3A_184 : vector<16xi32>
    tpu.vector_store_idx %arg7[%shift_right_logical3A_140, %and3A_142], %sub3A_182 masked %eq3A_185 {add = true} : memref<802x128xf32, #tpu.memory_space<vmem>>[vector<16xi32>, vector<16xi32>], vector<16xf32>, vector<16xi1>
    %sub3A_186 = arith.subf %scan3A_136#1, %scan3A_136#2 : vector<16xf32>
    %eq3A_187 = arith.constant 11 : i32
    %eq3A_188 = vector.broadcast %eq3A_187 : i32 to vector<16xi32>
    %eq3A_189 = arith.cmpi eq, %iota3A, %eq3A_188 : vector<16xi32>
    tpu.vector_store_idx %arg7[%shift_right_logical3A_140, %and3A_142], %sub3A_186 masked %eq3A_189 {add = true} : memref<802x128xf32, #tpu.memory_space<vmem>>[vector<16xi32>, vector<16xi32>], vector<16xf32>, vector<16xi1>
    %sub3A_190 = arith.subf %scan3A_136#1, %scan3A_136#2 : vector<16xf32>
    %eq3A_191 = arith.constant 12 : i32
    %eq3A_192 = vector.broadcast %eq3A_191 : i32 to vector<16xi32>
    %eq3A_193 = arith.cmpi eq, %iota3A, %eq3A_192 : vector<16xi32>
    tpu.vector_store_idx %arg7[%shift_right_logical3A_140, %and3A_142], %sub3A_190 masked %eq3A_193 {add = true} : memref<802x128xf32, #tpu.memory_space<vmem>>[vector<16xi32>, vector<16xi32>], vector<16xf32>, vector<16xi1>
    %sub3A_194 = arith.subf %scan3A_136#1, %scan3A_136#2 : vector<16xf32>
    %eq3A_195 = arith.constant 13 : i32
    %eq3A_196 = vector.broadcast %eq3A_195 : i32 to vector<16xi32>
    %eq3A_197 = arith.cmpi eq, %iota3A, %eq3A_196 : vector<16xi32>
    tpu.vector_store_idx %arg7[%shift_right_logical3A_140, %and3A_142], %sub3A_194 masked %eq3A_197 {add = true} : memref<802x128xf32, #tpu.memory_space<vmem>>[vector<16xi32>, vector<16xi32>], vector<16xf32>, vector<16xi1>
    %sub3A_198 = arith.subf %scan3A_136#1, %scan3A_136#2 : vector<16xf32>
    %eq3A_199 = arith.constant 14 : i32
    %eq3A_200 = vector.broadcast %eq3A_199 : i32 to vector<16xi32>
    %eq3A_201 = arith.cmpi eq, %iota3A, %eq3A_200 : vector<16xi32>
    tpu.vector_store_idx %arg7[%shift_right_logical3A_140, %and3A_142], %sub3A_198 masked %eq3A_201 {add = true} : memref<802x128xf32, #tpu.memory_space<vmem>>[vector<16xi32>, vector<16xi32>], vector<16xf32>, vector<16xi1>
    %sub3A_202 = arith.subf %scan3A_136#1, %scan3A_136#2 : vector<16xf32>
    %eq3A_203 = arith.constant 15 : i32
    %eq3A_204 = vector.broadcast %eq3A_203 : i32 to vector<16xi32>
    %eq3A_205 = arith.cmpi eq, %iota3A, %eq3A_204 : vector<16xi32>
    tpu.vector_store_idx %arg7[%shift_right_logical3A_140, %and3A_142], %sub3A_202 masked %eq3A_205 {add = true} : memref<802x128xf32, #tpu.memory_space<vmem>>[vector<16xi32>, vector<16xi32>], vector<16xf32>, vector<16xi1>
    %scan3A_206 = arith.constant 0 : i32
    %scan3A_207 = arith.constant 1 : i32
    %scan3A_208 = arith.constant 99 : i32
    %scan3A_209 = arith.addi %scan3A_207, %scan3A_208 : i32
    %scan3A_210 = arith.constant 1 : i32
    %scan3A_211 = scf.for %scan3A_230 = %scan3A_207 to %scan3A_209 step %scan3A_210 iter_args(%scan3A_231 = %scan3A_206) -> (i32)  : i32 {
      %jit3A = arith.constant 3 : i32
      %eq3A_232 = arith.constant 0 : i32
      %eq3A_233 = arith.cmpi eq, %jit3A, %eq3A_232 : i32
      %jit3A_234 = arith.constant 1 : i32
      %select_n3A = arith.select %eq3A_233, %jit3A_234, %jit3A : i32
      %rem3A = arith.remsi %scan3A_230, %select_n3A : i32
      %ne3A = arith.constant 0 : i32
      %ne3A_235 = arith.cmpi ne, %rem3A, %ne3A : i32
      %lt3A = arith.constant 0 : i32
      %lt3A_236 = arith.cmpi slt, %rem3A, %lt3A : i32
      %lt3A_237 = arith.constant 0 : i32
      %lt3A_238 = arith.cmpi slt, %select_n3A, %lt3A_237 : i32
      %ne3A_239 = arith.xori %lt3A_236, %lt3A_238 : i1
      %and3A_240 = arith.andi %ne3A_239, %ne3A_235 : i1
      %add3A_241 = arith.addi %rem3A, %select_n3A : i32
      %select_n3A_242 = arith.select %and3A_240, %add3A_241, %rem3A : i32
      %mul3A_243 = arith.constant 2000 : i32
      %mul3A_244 = arith.muli %scan3A_230, %mul3A_243 : i32
      %add3A_245 = arith.addi %mul3A_2, %mul3A_244 : i32
      %mul3A_246 = arith.constant 2000 : i32
      %mul3A_247 = arith.muli %select_n3A_242, %mul3A_246 : i32
      %dma_wait3A_248 = tpu.memref_slice %arg5[%mul3A_247] : memref<6000xi32, #tpu.memory_space<vmem>> -> memref<2000xi32, #tpu.memory_space<vmem>>
      %dma_wait3A_249 = tpu.memref_slice %arg2[%add3A_245] : memref<6400000xi32, #tpu.memory_space<hbm>> -> memref<2000xi32, #tpu.memory_space<hbm>>
      %dma_wait3A_250 = tpu.memref_slice %arg10[%select_n3A_242] : memref<3x!tpu.dma_semaphore, #tpu.memory_space<semaphore_mem>> -> memref<1x!tpu.dma_semaphore, #tpu.memory_space<semaphore_mem>>
      %dma_wait3A_251 = tpu.memref_squeeze %dma_wait3A_250 : memref<1x!tpu.dma_semaphore, #tpu.memory_space<semaphore_mem>> -> memref<!tpu.dma_semaphore, #tpu.memory_space<semaphore_mem>>
      %dma_wait3A_252 = tpu.memref_slice %arg5[%mul3A_247] : memref<6000xi32, #tpu.memory_space<vmem>> -> memref<2000xi32, #tpu.memory_space<vmem>>
      %dma_wait3A_253 = tpu.memref_slice %arg2[%add3A_245] : memref<6400000xi32, #tpu.memory_space<hbm>> -> memref<2000xi32, #tpu.memory_space<hbm>>
      tpu.wait_dma2 semaphore(%dma_wait3A_251 : memref<!tpu.dma_semaphore, #tpu.memory_space<semaphore_mem>>) src(%dma_wait3A_253 : memref<2000xi32, #tpu.memory_space<hbm>>) dst(%dma_wait3A_252 : memref<2000xi32, #tpu.memory_space<vmem>>)
      %mul3A_254 = arith.constant 2000 : i32
      %mul3A_255 = arith.muli %select_n3A_242, %mul3A_254 : i32
      %dma_wait3A_256 = tpu.memref_slice %arg6[%mul3A_255] : memref<6000xf32, #tpu.memory_space<vmem>> -> memref<2000xf32, #tpu.memory_space<vmem>>
      %dma_wait3A_257 = tpu.memref_slice %arg3[%add3A_245] : memref<6400000xf32, #tpu.memory_space<hbm>> -> memref<2000xf32, #tpu.memory_space<hbm>>
      %dma_wait3A_258 = tpu.memref_slice %arg10[%select_n3A_242] : memref<3x!tpu.dma_semaphore, #tpu.memory_space<semaphore_mem>> -> memref<1x!tpu.dma_semaphore, #tpu.memory_space<semaphore_mem>>
      %dma_wait3A_259 = tpu.memref_squeeze %dma_wait3A_258 : memref<1x!tpu.dma_semaphore, #tpu.memory_space<semaphore_mem>> -> memref<!tpu.dma_semaphore, #tpu.memory_space<semaphore_mem>>
      %dma_wait3A_260 = tpu.memref_slice %arg6[%mul3A_255] : memref<6000xf32, #tpu.memory_space<vmem>> -> memref<2000xf32, #tpu.memory_space<vmem>>
      %dma_wait3A_261 = tpu.memref_slice %arg3[%add3A_245] : memref<6400000xf32, #tpu.memory_space<hbm>> -> memref<2000xf32, #tpu.memory_space<hbm>>
      tpu.wait_dma2 semaphore(%dma_wait3A_259 : memref<!tpu.dma_semaphore, #tpu.memory_space<semaphore_mem>>) src(%dma_wait3A_261 : memref<2000xf32, #tpu.memory_space<hbm>>) dst(%dma_wait3A_260 : memref<2000xf32, #tpu.memory_space<vmem>>)
      %add3A_262 = arith.constant 2 : i32
      %add3A_263 = arith.addi %scan3A_230, %add3A_262 : i32
      %lt3A_264 = arith.constant 100 : i32
      %lt3A_265 = arith.cmpi slt, %add3A_263, %lt3A_264 : i32
      %convert_element_type3A = arith.extui %lt3A_265 : i1 to i32
      %cond3A = arith.constant 0 : i32
      %cond3A_266 = arith.cmpi ne, %convert_element_type3A, %cond3A : i32
      scf.if %cond3A_266 {
        %add3A_351 = arith.constant 2 : i32
        %add3A_352 = arith.addi %scan3A_230, %add3A_351 : i32
        %add3A_353 = arith.constant 2 : i32
        %add3A_354 = arith.addi %scan3A_230, %add3A_353 : i32
        %jit3A_355 = arith.constant 3 : i32
        %eq3A_356 = arith.constant 0 : i32
        %eq3A_357 = arith.cmpi eq, %jit3A_355, %eq3A_356 : i32
        %jit3A_358 = arith.constant 1 : i32
        %select_n3A_359 = arith.select %eq3A_357, %jit3A_358, %jit3A_355 : i32
        %rem3A_360 = arith.remsi %add3A_354, %select_n3A_359 : i32
        %ne3A_361 = arith.constant 0 : i32
        %ne3A_362 = arith.cmpi ne, %rem3A_360, %ne3A_361 : i32
        %lt3A_363 = arith.constant 0 : i32
        %lt3A_364 = arith.cmpi slt, %rem3A_360, %lt3A_363 : i32
        %lt3A_365 = arith.constant 0 : i32
        %lt3A_366 = arith.cmpi slt, %select_n3A_359, %lt3A_365 : i32
        %ne3A_367 = arith.xori %lt3A_364, %lt3A_366 : i1
        %and3A_368 = arith.andi %ne3A_367, %ne3A_362 : i1
        %add3A_369 = arith.addi %rem3A_360, %select_n3A_359 : i32
        %select_n3A_370 = arith.select %and3A_368, %add3A_369, %rem3A_360 : i32
        %mul3A_371 = arith.constant 2000 : i32
        %mul3A_372 = arith.muli %add3A_352, %mul3A_371 : i32
        %add3A_373 = arith.addi %mul3A_2, %mul3A_372 : i32
        %mul3A_374 = arith.constant 2000 : i32
        %mul3A_375 = arith.muli %select_n3A_370, %mul3A_374 : i32
        %dma_start3A_376 = tpu.memref_slice %arg5[%mul3A_375] : memref<6000xi32, #tpu.memory_space<vmem>> -> memref<2000xi32, #tpu.memory_space<vmem>>
        %dma_start3A_377 = tpu.memref_slice %arg2[%add3A_373] : memref<6400000xi32, #tpu.memory_space<hbm>> -> memref<2000xi32, #tpu.memory_space<hbm>>
        %dma_start3A_378 = tpu.memref_slice %arg10[%select_n3A_370] : memref<3x!tpu.dma_semaphore, #tpu.memory_space<semaphore_mem>> -> memref<1x!tpu.dma_semaphore, #tpu.memory_space<semaphore_mem>>
        %dma_start3A_379 = tpu.memref_squeeze %dma_start3A_378 : memref<1x!tpu.dma_semaphore, #tpu.memory_space<semaphore_mem>> -> memref<!tpu.dma_semaphore, #tpu.memory_space<semaphore_mem>>
        %dma_start3A_380 = tpu.memref_slice %arg5[%mul3A_375] : memref<6000xi32, #tpu.memory_space<vmem>> -> memref<2000xi32, #tpu.memory_space<vmem>>
        %dma_start3A_381 = tpu.memref_slice %arg2[%add3A_373] : memref<6400000xi32, #tpu.memory_space<hbm>> -> memref<2000xi32, #tpu.memory_space<hbm>>
        tpu.enqueue_dma source(%dma_start3A_381 : memref<2000xi32, #tpu.memory_space<hbm>>) target(%dma_start3A_380 : memref<2000xi32, #tpu.memory_space<vmem>>) target_semaphore(%dma_start3A_379 : memref<!tpu.dma_semaphore, #tpu.memory_space<semaphore_mem>>)
        %mul3A_382 = arith.constant 2000 : i32
        %mul3A_383 = arith.muli %select_n3A_370, %mul3A_382 : i32
        %dma_start3A_384 = tpu.memref_slice %arg6[%mul3A_383] : memref<6000xf32, #tpu.memory_space<vmem>> -> memref<2000xf32, #tpu.memory_space<vmem>>
        %dma_start3A_385 = tpu.memref_slice %arg3[%add3A_373] : memref<6400000xf32, #tpu.memory_space<hbm>> -> memref<2000xf32, #tpu.memory_space<hbm>>
        %dma_start3A_386 = tpu.memref_slice %arg10[%select_n3A_370] : memref<3x!tpu.dma_semaphore, #tpu.memory_space<semaphore_mem>> -> memref<1x!tpu.dma_semaphore, #tpu.memory_space<semaphore_mem>>
        %dma_start3A_387 = tpu.memref_squeeze %dma_start3A_386 : memref<1x!tpu.dma_semaphore, #tpu.memory_space<semaphore_mem>> -> memref<!tpu.dma_semaphore, #tpu.memory_space<semaphore_mem>>
        %dma_start3A_388 = tpu.memref_slice %arg6[%mul3A_383] : memref<6000xf32, #tpu.memory_space<vmem>> -> memref<2000xf32, #tpu.memory_space<vmem>>
        %dma_start3A_389 = tpu.memref_slice %arg3[%add3A_373] : memref<6400000xf32, #tpu.memory_space<hbm>> -> memref<2000xf32, #tpu.memory_space<hbm>>
        tpu.enqueue_dma source(%dma_start3A_389 : memref<2000xf32, #tpu.memory_space<hbm>>) target(%dma_start3A_388 : memref<2000xf32, #tpu.memory_space<vmem>>) target_semaphore(%dma_start3A_387 : memref<!tpu.dma_semaphore, #tpu.memory_space<semaphore_mem>>)
      } else {
      }
      %mul3A_267 = arith.constant 125 : i32
      %mul3A_268 = vector.broadcast %mul3A_267 : i32 to vector<16xi32>
      %mul3A_269 = arith.muli %iota3A, %mul3A_268 : vector<16xi32>
      %mul3A_270 = arith.constant 2000 : i32
      %mul3A_271 = arith.muli %select_n3A_242, %mul3A_270 : i32
      %add3A_272 = vector.broadcast %mul3A_271 : i32 to vector<16xi32>
      %add3A_273 = arith.addi %mul3A_269, %add3A_272 : vector<16xi32>
      %scan3A_274 = arith.constant 0 : i32
      %scan3A_275 = arith.constant 25 : i32
      %scan3A_276 = arith.addi %scan3A_274, %scan3A_275 : i32
      %scan3A_277 = arith.constant 1 : i32
      %scan3A_278:3 = scf.for %scan3A_351 = %scan3A_274 to %scan3A_276 step %scan3A_277 iter_args(%scan3A_352 = %broadcast_in_dim3A_5, %scan3A_353 = %broadcast_in_dim3A_3, %scan3A_354 = %broadcast_in_dim3A_3) -> (vector<16xi32>, vector<16xf32>, vector<16xf32>)  : i32 {
        %mul3A_355 = arith.constant 5 : i32
        %mul3A_356 = arith.muli %scan3A_351, %mul3A_355 : i32
        %add3A_357 = arith.constant 0 : i32
        %add3A_358 = arith.addi %mul3A_356, %add3A_357 : i32
        %add3A_359 = vector.broadcast %add3A_358 : i32 to vector<16xi32>
        %add3A_360 = arith.addi %add3A_273, %add3A_359 : vector<16xi32>
        %gather3A = tpu.vector_load_idx %arg5[%add3A_360] : memref<6000xi32, #tpu.memory_space<vmem>>[vector<16xi32>], vector<16xi32>,
        %gather3A_361 = tpu.vector_load_idx %arg6[%add3A_360] : memref<6000xf32, #tpu.memory_space<vmem>>[vector<16xi32>], vector<16xf32>,
        %add3A_362 = arith.constant 1 : i32
        %add3A_363 = arith.addi %mul3A_356, %add3A_362 : i32
        %add3A_364 = vector.broadcast %add3A_363 : i32 to vector<16xi32>
        %add3A_365 = arith.addi %add3A_273, %add3A_364 : vector<16xi32>
        %gather3A_366 = tpu.vector_load_idx %arg5[%add3A_365] : memref<6000xi32, #tpu.memory_space<vmem>>[vector<16xi32>], vector<16xi32>,
        %gather3A_367 = tpu.vector_load_idx %arg6[%add3A_365] : memref<6000xf32, #tpu.memory_space<vmem>>[vector<16xi32>], vector<16xf32>,
        %add3A_368 = arith.constant 2 : i32
        %add3A_369 = arith.addi %mul3A_356, %add3A_368 : i32
        %add3A_370 = vector.broadcast %add3A_369 : i32 to vector<16xi32>
        %add3A_371 = arith.addi %add3A_273, %add3A_370 : vector<16xi32>
        %gather3A_372 = tpu.vector_load_idx %arg5[%add3A_371] : memref<6000xi32, #tpu.memory_space<vmem>>[vector<16xi32>], vector<16xi32>,
        %gather3A_373 = tpu.vector_load_idx %arg6[%add3A_371] : memref<6000xf32, #tpu.memory_space<vmem>>[vector<16xi32>], vector<16xf32>,
        %add3A_374 = arith.constant 3 : i32
        %add3A_375 = arith.addi %mul3A_356, %add3A_374 : i32
        %add3A_376 = vector.broadcast %add3A_375 : i32 to vector<16xi32>
        %add3A_377 = arith.addi %add3A_273, %add3A_376 : vector<16xi32>
        %gather3A_378 = tpu.vector_load_idx %arg5[%add3A_377] : memref<6000xi32, #tpu.memory_space<vmem>>[vector<16xi32>], vector<16xi32>,
        %gather3A_379 = tpu.vector_load_idx %arg6[%add3A_377] : memref<6000xf32, #tpu.memory_space<vmem>>[vector<16xi32>], vector<16xf32>,
        %add3A_380 = arith.constant 4 : i32
        %add3A_381 = arith.addi %mul3A_356, %add3A_380 : i32
        %add3A_382 = vector.broadcast %add3A_381 : i32 to vector<16xi32>
        %add3A_383 = arith.addi %add3A_273, %add3A_382 : vector<16xi32>
        %gather3A_384 = tpu.vector_load_idx %arg5[%add3A_383] : memref<6000xi32, #tpu.memory_space<vmem>>[vector<16xi32>], vector<16xi32>,
        %gather3A_385 = tpu.vector_load_idx %arg6[%add3A_383] : memref<6000xf32, #tpu.memory_space<vmem>>[vector<16xi32>], vector<16xf32>,
        %ne3A_386 = arith.cmpi ne, %gather3A, %scan3A_352 : vector<16xi32>
        %shift_right_logical3A_387 = arith.constant 7 : i32
        %shift_right_logical3A_388 = vector.broadcast %shift_right_logical3A_387 : i32 to vector<16xi32>
        %shift_right_logical3A_389 = arith.shrui %scan3A_352, %shift_right_logical3A_388 : vector<16xi32>
        %and3A_390 = arith.constant 127 : i32
        %and3A_391 = vector.broadcast %and3A_390 : i32 to vector<16xi32>
        %and3A_392 = arith.andi %scan3A_352, %and3A_391 : vector<16xi32>
        %sub3A_393 = arith.subf %scan3A_353, %scan3A_354 : vector<16xf32>
        tpu.vector_store_idx %arg7[%shift_right_logical3A_389, %and3A_392], %sub3A_393 masked %ne3A_386 {add = true} : memref<802x128xf32, #tpu.memory_space<vmem>>[vector<16xi32>, vector<16xi32>], vector<16xf32>, vector<16xi1>
        %select_n3A_394 = arith.select %ne3A_386, %scan3A_353, %scan3A_354 : vector<16xi1>, vector<16xf32>
        %add3A_395 = arith.addf %scan3A_353, %gather3A_361 : vector<16xf32>
        %ne3A_396 = arith.cmpi ne, %gather3A_366, %gather3A : vector<16xi32>
        %shift_right_logical3A_397 = arith.constant 7 : i32
        %shift_right_logical3A_398 = vector.broadcast %shift_right_logical3A_397 : i32 to vector<16xi32>
        %shift_right_logical3A_399 = arith.shrui %gather3A, %shift_right_logical3A_398 : vector<16xi32>
        %and3A_400 = arith.constant 127 : i32
        %and3A_401 = vector.broadcast %and3A_400 : i32 to vector<16xi32>
        %and3A_402 = arith.andi %gather3A, %and3A_401 : vector<16xi32>
        %sub3A_403 = arith.subf %add3A_395, %select_n3A_394 : vector<16xf32>
        tpu.vector_store_idx %arg7[%shift_right_logical3A_399, %and3A_402], %sub3A_403 masked %ne3A_396 {add = true} : memref<802x128xf32, #tpu.memory_space<vmem>>[vector<16xi32>, vector<16xi32>], vector<16xf32>, vector<16xi1>
        %select_n3A_404 = arith.select %ne3A_396, %add3A_395, %select_n3A_394 : vector<16xi1>, vector<16xf32>
        %add3A_405 = arith.addf %add3A_395, %gather3A_367 : vector<16xf32>
        %ne3A_406 = arith.cmpi ne, %gather3A_372, %gather3A_366 : vector<16xi32>
        %shift_right_logical3A_407 = arith.constant 7 : i32
        %shift_right_logical3A_408 = vector.broadcast %shift_right_logical3A_407 : i32 to vector<16xi32>
        %shift_right_logical3A_409 = arith.shrui %gather3A_366, %shift_right_logical3A_408 : vector<16xi32>
        %and3A_410 = arith.constant 127 : i32
        %and3A_411 = vector.broadcast %and3A_410 : i32 to vector<16xi32>
        %and3A_412 = arith.andi %gather3A_366, %and3A_411 : vector<16xi32>
        %sub3A_413 = arith.subf %add3A_405, %select_n3A_404 : vector<16xf32>
        tpu.vector_store_idx %arg7[%shift_right_logical3A_409, %and3A_412], %sub3A_413 masked %ne3A_406 {add = true} : memref<802x128xf32, #tpu.memory_space<vmem>>[vector<16xi32>, vector<16xi32>], vector<16xf32>, vector<16xi1>
        %select_n3A_414 = arith.select %ne3A_406, %add3A_405, %select_n3A_404 : vector<16xi1>, vector<16xf32>
        %add3A_415 = arith.addf %add3A_405, %gather3A_373 : vector<16xf32>
        %ne3A_416 = arith.cmpi ne, %gather3A_378, %gather3A_372 : vector<16xi32>
        %shift_right_logical3A_417 = arith.constant 7 : i32
        %shift_right_logical3A_418 = vector.broadcast %shift_right_logical3A_417 : i32 to vector<16xi32>
        %shift_right_logical3A_419 = arith.shrui %gather3A_372, %shift_right_logical3A_418 : vector<16xi32>
        %and3A_420 = arith.constant 127 : i32
        %and3A_421 = vector.broadcast %and3A_420 : i32 to vector<16xi32>
        %and3A_422 = arith.andi %gather3A_372, %and3A_421 : vector<16xi32>
        %sub3A_423 = arith.subf %add3A_415, %select_n3A_414 : vector<16xf32>
        tpu.vector_store_idx %arg7[%shift_right_logical3A_419, %and3A_422], %sub3A_423 masked %ne3A_416 {add = true} : memref<802x128xf32, #tpu.memory_space<vmem>>[vector<16xi32>, vector<16xi32>], vector<16xf32>, vector<16xi1>
        %select_n3A_424 = arith.select %ne3A_416, %add3A_415, %select_n3A_414 : vector<16xi1>, vector<16xf32>
        %add3A_425 = arith.addf %add3A_415, %gather3A_379 : vector<16xf32>
        %ne3A_426 = arith.cmpi ne, %gather3A_384, %gather3A_378 : vector<16xi32>
        %shift_right_logical3A_427 = arith.constant 7 : i32
        %shift_right_logical3A_428 = vector.broadcast %shift_right_logical3A_427 : i32 to vector<16xi32>
        %shift_right_logical3A_429 = arith.shrui %gather3A_378, %shift_right_logical3A_428 : vector<16xi32>
        %and3A_430 = arith.constant 127 : i32
        %and3A_431 = vector.broadcast %and3A_430 : i32 to vector<16xi32>
        %and3A_432 = arith.andi %gather3A_378, %and3A_431 : vector<16xi32>
        %sub3A_433 = arith.subf %add3A_425, %select_n3A_424 : vector<16xf32>
        tpu.vector_store_idx %arg7[%shift_right_logical3A_429, %and3A_432], %sub3A_433 masked %ne3A_426 {add = true} : memref<802x128xf32, #tpu.memory_space<vmem>>[vector<16xi32>, vector<16xi32>], vector<16xf32>, vector<16xi1>
        %select_n3A_434 = arith.select %ne3A_426, %add3A_425, %select_n3A_424 : vector<16xi1>, vector<16xf32>
        %add3A_435 = arith.addf %add3A_425, %gather3A_385 : vector<16xf32>
        scf.yield %gather3A_384, %add3A_435, %select_n3A_434 : vector<16xi32>, vector<16xf32>, vector<16xf32>
      }
      %scan3A_279 = arith.constant 25 : i32
      %shift_right_logical3A_280 = arith.constant 7 : i32
      %shift_right_logical3A_281 = vector.broadcast %shift_right_logical3A_280 : i32 to vector<16xi32>
      %shift_right_logical3A_282 = arith.shrui %scan3A_278#0, %shift_right_logical3A_281 : vector<16xi32>
      %and3A_283 = arith.constant 127 : i32
      %and3A_284 = vector.broadcast %and3A_283 : i32 to vector<16xi32>
      %and3A_285 = arith.andi %scan3A_278#0, %and3A_284 : vector<16xi32>
      %sub3A_286 = arith.subf %scan3A_278#1, %scan3A_278#2 : vector<16xf32>
      %eq3A_287 = arith.constant 0 : i32
      %eq3A_288 = vector.broadcast %eq3A_287 : i32 to vector<16xi32>
      %eq3A_289 = arith.cmpi eq, %iota3A, %eq3A_288 : vector<16xi32>
      tpu.vector_store_idx %arg7[%shift_right_logical3A_282, %and3A_285], %sub3A_286 masked %eq3A_289 {add = true} : memref<802x128xf32, #tpu.memory_space<vmem>>[vector<16xi32>, vector<16xi32>], vector<16xf32>, vector<16xi1>
      %sub3A_290 = arith.subf %scan3A_278#1, %scan3A_278#2 : vector<16xf32>
      %eq3A_291 = arith.constant 1 : i32
      %eq3A_292 = vector.broadcast %eq3A_291 : i32 to vector<16xi32>
      %eq3A_293 = arith.cmpi eq, %iota3A, %eq3A_292 : vector<16xi32>
      tpu.vector_store_idx %arg7[%shift_right_logical3A_282, %and3A_285], %sub3A_290 masked %eq3A_293 {add = true} : memref<802x128xf32, #tpu.memory_space<vmem>>[vector<16xi32>, vector<16xi32>], vector<16xf32>, vector<16xi1>
      %sub3A_294 = arith.subf %scan3A_278#1, %scan3A_278#2 : vector<16xf32>
      %eq3A_295 = arith.constant 2 : i32
      %eq3A_296 = vector.broadcast %eq3A_295 : i32 to vector<16xi32>
      %eq3A_297 = arith.cmpi eq, %iota3A, %eq3A_296 : vector<16xi32>
      tpu.vector_store_idx %arg7[%shift_right_logical3A_282, %and3A_285], %sub3A_294 masked %eq3A_297 {add = true} : memref<802x128xf32, #tpu.memory_space<vmem>>[vector<16xi32>, vector<16xi32>], vector<16xf32>, vector<16xi1>
      %sub3A_298 = arith.subf %scan3A_278#1, %scan3A_278#2 : vector<16xf32>
      %eq3A_299 = arith.constant 3 : i32
      %eq3A_300 = vector.broadcast %eq3A_299 : i32 to vector<16xi32>
      %eq3A_301 = arith.cmpi eq, %iota3A, %eq3A_300 : vector<16xi32>
      tpu.vector_store_idx %arg7[%shift_right_logical3A_282, %and3A_285], %sub3A_298 masked %eq3A_301 {add = true} : memref<802x128xf32, #tpu.memory_space<vmem>>[vector<16xi32>, vector<16xi32>], vector<16xf32>, vector<16xi1>
      %sub3A_302 = arith.subf %scan3A_278#1, %scan3A_278#2 : vector<16xf32>
      %eq3A_303 = arith.constant 4 : i32
      %eq3A_304 = vector.broadcast %eq3A_303 : i32 to vector<16xi32>
      %eq3A_305 = arith.cmpi eq, %iota3A, %eq3A_304 : vector<16xi32>
      tpu.vector_store_idx %arg7[%shift_right_logical3A_282, %and3A_285], %sub3A_302 masked %eq3A_305 {add = true} : memref<802x128xf32, #tpu.memory_space<vmem>>[vector<16xi32>, vector<16xi32>], vector<16xf32>, vector<16xi1>
      %sub3A_306 = arith.subf %scan3A_278#1, %scan3A_278#2 : vector<16xf32>
      %eq3A_307 = arith.constant 5 : i32
      %eq3A_308 = vector.broadcast %eq3A_307 : i32 to vector<16xi32>
      %eq3A_309 = arith.cmpi eq, %iota3A, %eq3A_308 : vector<16xi32>
      tpu.vector_store_idx %arg7[%shift_right_logical3A_282, %and3A_285], %sub3A_306 masked %eq3A_309 {add = true} : memref<802x128xf32, #tpu.memory_space<vmem>>[vector<16xi32>, vector<16xi32>], vector<16xf32>, vector<16xi1>
      %sub3A_310 = arith.subf %scan3A_278#1, %scan3A_278#2 : vector<16xf32>
      %eq3A_311 = arith.constant 6 : i32
      %eq3A_312 = vector.broadcast %eq3A_311 : i32 to vector<16xi32>
      %eq3A_313 = arith.cmpi eq, %iota3A, %eq3A_312 : vector<16xi32>
      tpu.vector_store_idx %arg7[%shift_right_logical3A_282, %and3A_285], %sub3A_310 masked %eq3A_313 {add = true} : memref<802x128xf32, #tpu.memory_space<vmem>>[vector<16xi32>, vector<16xi32>], vector<16xf32>, vector<16xi1>
      %sub3A_314 = arith.subf %scan3A_278#1, %scan3A_278#2 : vector<16xf32>
      %eq3A_315 = arith.constant 7 : i32
      %eq3A_316 = vector.broadcast %eq3A_315 : i32 to vector<16xi32>
      %eq3A_317 = arith.cmpi eq, %iota3A, %eq3A_316 : vector<16xi32>
      tpu.vector_store_idx %arg7[%shift_right_logical3A_282, %and3A_285], %sub3A_314 masked %eq3A_317 {add = true} : memref<802x128xf32, #tpu.memory_space<vmem>>[vector<16xi32>, vector<16xi32>], vector<16xf32>, vector<16xi1>
      %sub3A_318 = arith.subf %scan3A_278#1, %scan3A_278#2 : vector<16xf32>
      %eq3A_319 = arith.constant 8 : i32
      %eq3A_320 = vector.broadcast %eq3A_319 : i32 to vector<16xi32>
      %eq3A_321 = arith.cmpi eq, %iota3A, %eq3A_320 : vector<16xi32>
      tpu.vector_store_idx %arg7[%shift_right_logical3A_282, %and3A_285], %sub3A_318 masked %eq3A_321 {add = true} : memref<802x128xf32, #tpu.memory_space<vmem>>[vector<16xi32>, vector<16xi32>], vector<16xf32>, vector<16xi1>
      %sub3A_322 = arith.subf %scan3A_278#1, %scan3A_278#2 : vector<16xf32>
      %eq3A_323 = arith.constant 9 : i32
      %eq3A_324 = vector.broadcast %eq3A_323 : i32 to vector<16xi32>
      %eq3A_325 = arith.cmpi eq, %iota3A, %eq3A_324 : vector<16xi32>
      tpu.vector_store_idx %arg7[%shift_right_logical3A_282, %and3A_285], %sub3A_322 masked %eq3A_325 {add = true} : memref<802x128xf32, #tpu.memory_space<vmem>>[vector<16xi32>, vector<16xi32>], vector<16xf32>, vector<16xi1>
      %sub3A_326 = arith.subf %scan3A_278#1, %scan3A_278#2 : vector<16xf32>
      %eq3A_327 = arith.constant 10 : i32
      %eq3A_328 = vector.broadcast %eq3A_327 : i32 to vector<16xi32>
      %eq3A_329 = arith.cmpi eq, %iota3A, %eq3A_328 : vector<16xi32>
      tpu.vector_store_idx %arg7[%shift_right_logical3A_282, %and3A_285], %sub3A_326 masked %eq3A_329 {add = true} : memref<802x128xf32, #tpu.memory_space<vmem>>[vector<16xi32>, vector<16xi32>], vector<16xf32>, vector<16xi1>
      %sub3A_330 = arith.subf %scan3A_278#1, %scan3A_278#2 : vector<16xf32>
      %eq3A_331 = arith.constant 11 : i32
      %eq3A_332 = vector.broadcast %eq3A_331 : i32 to vector<16xi32>
      %eq3A_333 = arith.cmpi eq, %iota3A, %eq3A_332 : vector<16xi32>
      tpu.vector_store_idx %arg7[%shift_right_logical3A_282, %and3A_285], %sub3A_330 masked %eq3A_333 {add = true} : memref<802x128xf32, #tpu.memory_space<vmem>>[vector<16xi32>, vector<16xi32>], vector<16xf32>, vector<16xi1>
      %sub3A_334 = arith.subf %scan3A_278#1, %scan3A_278#2 : vector<16xf32>
      %eq3A_335 = arith.constant 12 : i32
      %eq3A_336 = vector.broadcast %eq3A_335 : i32 to vector<16xi32>
      %eq3A_337 = arith.cmpi eq, %iota3A, %eq3A_336 : vector<16xi32>
      tpu.vector_store_idx %arg7[%shift_right_logical3A_282, %and3A_285], %sub3A_334 masked %eq3A_337 {add = true} : memref<802x128xf32, #tpu.memory_space<vmem>>[vector<16xi32>, vector<16xi32>], vector<16xf32>, vector<16xi1>
      %sub3A_338 = arith.subf %scan3A_278#1, %scan3A_278#2 : vector<16xf32>
      %eq3A_339 = arith.constant 13 : i32
      %eq3A_340 = vector.broadcast %eq3A_339 : i32 to vector<16xi32>
      %eq3A_341 = arith.cmpi eq, %iota3A, %eq3A_340 : vector<16xi32>
      tpu.vector_store_idx %arg7[%shift_right_logical3A_282, %and3A_285], %sub3A_338 masked %eq3A_341 {add = true} : memref<802x128xf32, #tpu.memory_space<vmem>>[vector<16xi32>, vector<16xi32>], vector<16xf32>, vector<16xi1>
      %sub3A_342 = arith.subf %scan3A_278#1, %scan3A_278#2 : vector<16xf32>
      %eq3A_343 = arith.constant 14 : i32
      %eq3A_344 = vector.broadcast %eq3A_343 : i32 to vector<16xi32>
      %eq3A_345 = arith.cmpi eq, %iota3A, %eq3A_344 : vector<16xi32>
      tpu.vector_store_idx %arg7[%shift_right_logical3A_282, %and3A_285], %sub3A_342 masked %eq3A_345 {add = true} : memref<802x128xf32, #tpu.memory_space<vmem>>[vector<16xi32>, vector<16xi32>], vector<16xf32>, vector<16xi1>
      %sub3A_346 = arith.subf %scan3A_278#1, %scan3A_278#2 : vector<16xf32>
      %eq3A_347 = arith.constant 15 : i32
      %eq3A_348 = vector.broadcast %eq3A_347 : i32 to vector<16xi32>
      %eq3A_349 = arith.cmpi eq, %iota3A, %eq3A_348 : vector<16xi32>
      tpu.vector_store_idx %arg7[%shift_right_logical3A_282, %and3A_285], %sub3A_346 masked %eq3A_349 {add = true} : memref<802x128xf32, #tpu.memory_space<vmem>>[vector<16xi32>, vector<16xi32>], vector<16xf32>, vector<16xi1>
      %scan3A_350 = arith.constant 0 : i32
      scf.yield %scan3A_350 : i32
    }
    %scan3A_212 = arith.constant 99 : i32
    %while3A_213 = arith.constant 0 : i32
    %while3A_214 = arith.constant 0 : i32
    %while3A_215 = arith.subi %add3A_79, %while3A_213 : i32
    %while3A_216 = arith.addi %while3A_213, %while3A_215 : i32
    %while3A_217 = arith.constant 1 : i32
    %while3A_218 = arith.divsi %while3A_215, %while3A_217 : i32
    %while3A_219 = arith.muli %while3A_218, %while3A_217 : i32
    %while3A_220 = arith.addi %while3A_213, %while3A_219 : i32
    %while3A_221 = arith.constant 1 : i32
    %while3A_222 = scf.for %while3A_230 = %while3A_213 to %while3A_220 step %while3A_221 iter_args(%while3A_231 = %while3A_214) -> (i32)  : i32 {
      %mul3A_232 = arith.constant 16 : i32
      %mul3A_233 = arith.muli %while3A_230, %mul3A_232 : i32
      %add3A_234 = arith.addi %shift_right_logical3A_72, %mul3A_233 : i32
      %add3A_235 = vector.broadcast %add3A_234 : i32 to vector<16xi32>
      %add3A_236 = arith.addi %iota3A, %add3A_235 : vector<16xi32>
      "tpu.region"() ({
        %run_scoped3A = tpu.sem_alloc : memref<!tpu.dma_semaphore, #tpu.memory_space<semaphore_mem>>
        %dma_start3A_238 = arith.constant 0 : i32
        %dma_start3A_239 = tpu.memref_slice %arg7[%add3A_234, %dma_start3A_238] : memref<802x128xf32, #tpu.memory_space<vmem>> -> memref<16x128xf32, #tpu.memory_space<vmem>>
        %dma_start3A_240 = arith.constant 0 : i32
        %dma_start3A_241 = arith.constant 0 : i32
        %dma_start3A_242 = tpu.memref_slice %arg9[%dma_start3A_240, %dma_start3A_241] : memref<896x128xf32, #tpu.memory_space<vmem_shared>> -> memref<896x128xf32, #tpu.memory_space<vmem_shared>>
        tpu.enqueue_indirect_dma source(%dma_start3A_239 : memref<16x128xf32, #tpu.memory_space<vmem>>) target(%dma_start3A_242 : memref<896x128xf32, #tpu.memory_space<vmem_shared>>) offsets(%add3A_236 : vector<16xi32>) semaphore(%run_scoped3A : memref<!tpu.dma_semaphore, #tpu.memory_space<semaphore_mem>>) {add = true}
        %dma_wait3A_243 = arith.constant 0 : i32
        %dma_wait3A_244 = tpu.memref_slice %arg7[%add3A_234, %dma_wait3A_243] : memref<802x128xf32, #tpu.memory_space<vmem>> -> memref<16x128xf32, #tpu.memory_space<vmem>>
        %dma_wait3A_245 = arith.constant 0 : i32
        %dma_wait3A_246 = arith.constant 0 : i32
        %dma_wait3A_247 = tpu.memref_slice %arg9[%dma_wait3A_245, %dma_wait3A_246] : memref<896x128xf32, #tpu.memory_space<vmem_shared>> -> memref<896x128xf32, #tpu.memory_space<vmem_shared>>
        tpu.wait_indirect_dma semaphore(%run_scoped3A : memref<!tpu.dma_semaphore, #tpu.memory_space<semaphore_mem>>) src(%dma_wait3A_244 : memref<16x128xf32, #tpu.memory_space<vmem>>) dst(%dma_wait3A_247 : memref<896x128xf32, #tpu.memory_space<vmem_shared>>)
        tpu.yield
      }) : () -> ()
      %while3A_237 = arith.constant 0 : i32
      scf.yield %while3A_237 : i32
    }
    %while3A_223 = arith.constant 1 : i32
    %while3A_224 = scf.for %while3A_230 = %while3A_220 to %while3A_216 step %while3A_223 iter_args(%while3A_231 = %while3A_222) -> (i32)  : i32 {
      %mul3A_232 = arith.constant 16 : i32
      %mul3A_233 = arith.muli %while3A_230, %mul3A_232 : i32
      %add3A_234 = arith.addi %shift_right_logical3A_72, %mul3A_233 : i32
      %add3A_235 = vector.broadcast %add3A_234 : i32 to vector<16xi32>
      %add3A_236 = arith.addi %iota3A, %add3A_235 : vector<16xi32>
      "tpu.region"() ({
        %run_scoped3A = tpu.sem_alloc : memref<!tpu.dma_semaphore, #tpu.memory_space<semaphore_mem>>
        %dma_start3A_238 = arith.constant 0 : i32
        %dma_start3A_239 = tpu.memref_slice %arg7[%add3A_234, %dma_start3A_238] : memref<802x128xf32, #tpu.memory_space<vmem>> -> memref<16x128xf32, #tpu.memory_space<vmem>>
        %dma_start3A_240 = arith.constant 0 : i32
        %dma_start3A_241 = arith.constant 0 : i32
        %dma_start3A_242 = tpu.memref_slice %arg9[%dma_start3A_240, %dma_start3A_241] : memref<896x128xf32, #tpu.memory_space<vmem_shared>> -> memref<896x128xf32, #tpu.memory_space<vmem_shared>>
        tpu.enqueue_indirect_dma source(%dma_start3A_239 : memref<16x128xf32, #tpu.memory_space<vmem>>) target(%dma_start3A_242 : memref<896x128xf32, #tpu.memory_space<vmem_shared>>) offsets(%add3A_236 : vector<16xi32>) semaphore(%run_scoped3A : memref<!tpu.dma_semaphore, #tpu.memory_space<semaphore_mem>>) {add = true}
        %dma_wait3A_243 = arith.constant 0 : i32
        %dma_wait3A_244 = tpu.memref_slice %arg7[%add3A_234, %dma_wait3A_243] : memref<802x128xf32, #tpu.memory_space<vmem>> -> memref<16x128xf32, #tpu.memory_space<vmem>>
        %dma_wait3A_245 = arith.constant 0 : i32
        %dma_wait3A_246 = arith.constant 0 : i32
        %dma_wait3A_247 = tpu.memref_slice %arg9[%dma_wait3A_245, %dma_wait3A_246] : memref<896x128xf32, #tpu.memory_space<vmem_shared>> -> memref<896x128xf32, #tpu.memory_space<vmem_shared>>
        tpu.wait_indirect_dma semaphore(%run_scoped3A : memref<!tpu.dma_semaphore, #tpu.memory_space<semaphore_mem>>) src(%dma_wait3A_244 : memref<16x128xf32, #tpu.memory_space<vmem>>) dst(%dma_wait3A_247 : memref<896x128xf32, #tpu.memory_space<vmem_shared>>)
        tpu.yield
      }) : () -> ()
      %while3A_237 = arith.constant 0 : i32
      scf.yield %while3A_237 : i32
    }
    %barrier3A_225 = arith.constant 0 : index
    tpu.barrier barrier_id(%barrier3A_225)
    %mul3A_226 = arith.constant 56 : i32
    %mul3A_227 = arith.muli %arg1, %mul3A_226 : i32
    %mul3A_228 = arith.constant 56 : i32
    %mul3A_229 = arith.muli %arg1, %mul3A_228 : i32
    "tpu.region"() ({
      %run_scoped3A = tpu.sem_alloc : memref<!tpu.dma_semaphore, #tpu.memory_space<semaphore_mem>>
      %dma_start3A_230 = arith.constant 0 : i32
      %dma_start3A_231 = tpu.memref_slice %arg4[%arg0, %mul3A_229, %dma_start3A_230] : memref<2x896x128xf32, #tpu.memory_space<hbm>> -> memref<1x56x128xf32, #tpu.memory_space<hbm>>
      %dma_start3A_232 = tpu.memref_squeeze %dma_start3A_231 : memref<1x56x128xf32, #tpu.memory_space<hbm>> -> memref<56x128xf32, #tpu.memory_space<hbm>>
      %dma_start3A_233 = arith.constant 0 : i32
      %dma_start3A_234 = tpu.memref_slice %arg9[%mul3A_227, %dma_start3A_233] : memref<896x128xf32, #tpu.memory_space<vmem_shared>> -> memref<56x128xf32, #tpu.memory_space<vmem_shared>>
      tpu.enqueue_dma source(%dma_start3A_234 : memref<56x128xf32, #tpu.memory_space<vmem_shared>>) target(%dma_start3A_232 : memref<56x128xf32, #tpu.memory_space<hbm>>) target_semaphore(%run_scoped3A : memref<!tpu.dma_semaphore, #tpu.memory_space<semaphore_mem>>)
      %dma_wait3A_235 = arith.constant 0 : i32
      %dma_wait3A_236 = tpu.memref_slice %arg4[%arg0, %mul3A_229, %dma_wait3A_235] : memref<2x896x128xf32, #tpu.memory_space<hbm>> -> memref<1x56x128xf32, #tpu.memory_space<hbm>>
      %dma_wait3A_237 = tpu.memref_squeeze %dma_wait3A_236 : memref<1x56x128xf32, #tpu.memory_space<hbm>> -> memref<56x128xf32, #tpu.memory_space<hbm>>
      %dma_wait3A_238 = arith.constant 0 : i32
      %dma_wait3A_239 = tpu.memref_slice %arg9[%mul3A_227, %dma_wait3A_238] : memref<896x128xf32, #tpu.memory_space<vmem_shared>> -> memref<56x128xf32, #tpu.memory_space<vmem_shared>>
      tpu.wait_dma2 semaphore(%run_scoped3A : memref<!tpu.dma_semaphore, #tpu.memory_space<semaphore_mem>>) src(%dma_wait3A_239 : memref<56x128xf32, #tpu.memory_space<vmem_shared>>) dst(%dma_wait3A_237 : memref<56x128xf32, #tpu.memory_space<hbm>>)
      tpu.yield
    }) : () -> ()
    return
  }
}

module attributes {stable_mosaic.version = 14 : i64} {
  func.func @_combine_body(%arg0: memref<2x896x128xf32, #tpu.memory_space<vmem>>, %arg1: memref<896x128xf32, #tpu.memory_space<vmem>>) attributes {dimension_semantics = [], scalar_prefetch = 0 : i64, scratch_operands = 0 : i64, tpu.core_type = #tpu.core_type<tc>} {
    %get3A = arith.constant 0 : index
    %get3A_0 = arith.constant 0 : index
    %get3A_1 = arith.constant 0 : index
    %get3A_2 = vector.load %arg0[%get3A, %get3A_0, %get3A_1] : memref<2x896x128xf32, #tpu.memory_space<vmem>>, vector<2x896x128xf32>
    %reduce_sum3A = arith.constant dense<0.000000e+00> : vector<896x128xf32>
    %reduce_sum3A_3 = vector.multi_reduction <add>, %get3A_2, %reduce_sum3A [0] : vector<2x896x128xf32> to vector<896x128xf32>
    %jit3A = arith.constant 0.000000e+00 : f32
    %jit3A_4 = arith.constant 1.000000e+00 : f32
    %max3A = vector.broadcast %jit3A : f32 to vector<896x128xf32>
    %max3A_5 = arith.maximumf %max3A, %reduce_sum3A_3 : vector<896x128xf32>
    %min3A = vector.broadcast %jit3A_4 : f32 to vector<896x128xf32>
    %min3A_6 = arith.minimumf %min3A, %max3A_5 : vector<896x128xf32>
    %swap3A = arith.constant 0 : index
    %swap3A_7 = arith.constant 0 : index
    %swap3A_8 = vector.load %arg1[%swap3A, %swap3A_7] : memref<896x128xf32, #tpu.memory_space<vmem>>, vector<896x128xf32>
    tpu.vector_store %arg1[%swap3A, %swap3A_7], %min3A_6 {strides = array<i32>} : memref<896x128xf32, #tpu.memory_space<vmem>>, vector<896x128xf32>,
    return
  }
}

</mosaic_0001>

<sc_bundles>
// kernel: kernel.4.cloned.1.call-start
scs
__scs_entry_jumppad:
0x0: {  	(pc) =	sbr.rel $0x88, $3  }
0x1: {  	(tag) =	ssettag $0x0;
	lr =	simm.s32 $0x1  }
0x2: {  	[smem:$0x3F9F] =	sst lr;
	_ =	strace $0xD0000000  }
0x3: {  	_ = 	snop  }
0x4: {  	_ = 	snop  }
0x5: {  	_ = 	snop  }
0x6: {  	_ = 	snop  }
0x7: {  	_ = 	snop  }
__scs_overlays_trampoline_lowered:
0x8: {  	[smem:$0x3FAE] =	sst s0  }
0x9: {  	[smem:$0x3FAF] =	sst s1  }
0xa: {  	[smem:$0x3FB0] =	sst s2  }
0xb: {  	[smem:$0x3FB1] =	sst s3  }
0xc: {  	[smem:$0x3FB2] =	sst s4  }
0xd: {  	[smem:$0x3FB3] =	sst s5  }
0xe: {  	[smem:$0x3FB4] =	sst s6  }
0xf: {  	[smem:$0x3FB5] =	sst s7  }
0x10: {  	[smem:$0x3FB6] =	sst s8  }
0x11: {  	[smem:$0x3FB7] =	sst s9;
	s0 =	simm.s32 @!p0 $0x0  }
0x12: {  	s1 =	sld [smem:$0x3F9D];
	s0 =	simm.s32 @p0 $0x1  }
0x13: {  	[smem:$0x3FB8] =	sst s0;
	s0 =	simm.s32 @!p1 $0x0  }
0x14: {  	s2 =	sld [smem:$0x3F9C];
	s0 =	simm.s32 @p1 $0x1  }
0x15: {  	[smem:$0x3FB9] =	sst s0;
	s0 =	simm.s32 @!p2 $0x0  }
0x16: {  	s3 =	sld [smem:$0x3FDB];
	s0 =	simm.s32 @p2 $0x1  }
0x17: {  	s4 =	simm.s32 $0x1BF5;
	[smem:$0x3FBB] =	sst s0  }
0x18: {  	s0 =	sld [smem:$0x3F9E];
	_ =	swait.ge [sflag:s4], $0x0  }
0x19: {  	s7 =	sld [smem:$0x3F9F]  }
0x1a: {  	s8 =	sadd.s32 $0xFFFFE003, lr  }
0x1b: {  	s9 =	sadd.s32 $0xFFFFFEF7, lr;
	s5 =	simm.s32 $0xFFFFFFFF;
	p2 =	slt.u32 s8, $0xFFFFF086  }
0x1c: {  	p1 =	slt.u32 s9, $0xF7A;
	s5 =	simm.s32 @!p2 $0x0  }
0x1d: {  	s5 =	simm.s32 @p1 $0x1;
	p0 =	seq.s32 s7, s2  }
0x1e: {  	s7 =	smul.u32 @!p0 $0xF7A, s2;
	p2 =	seq.s32 @!p0 s5, $0x0  }
0x1f: {  	s9 =	smul.u32 $0xF7A, s1;
	s8 =	simm.s32 @!p0 $0x1BF5;
	p2 =	por !p2, p0  }
0x20: {  	[sflag:s8] =	ssyncset.s32 @!p0 $0xFFFFF086;
	s6 =	sadd.s32 @!p0 s3, s7;
	s7 =	simm.s32 @!p0 $0x108  }
0x21: {  	s3 =	sadd.s32 s3, s9;
	s6 =	sadd.s32 @!p0 $0x88, s6;
	s7 =	simm.s32 @p2 $0x1082  }
0x22: {  	[simem:s7], [sflag:s8] =	dma.local @!p0 [hbm:s6], $0xF7A  }
0x23: {  	s9 =	sor.u32 $0xD0000000, s2;
	s6 =	simm.s32 $0x108;
	_ =	swait.ge @!p0 [sflag:s8], $0x0  }
0x24: {  	s3 =	sadd.s32 $0x88, s3;
	s6 =	simm.s32 @!p1 $0x1082;
	[sflag:s4] =	ssyncset.s32 $0xFFFFF086  }
0x25: {  	[simem:s6], [sflag:s4] =	dma.local [hbm:s3], $0xF7A  }
0x26: {  	[smem:$0x3F9F] =	sst s1;
	(tag) =	ssettag s2;
	_ =	strace s9  }
0x27: {  	s1 =	sld [smem:$0x3FAF]  }
0x28: {  	s2 =	sld [smem:$0x3FB0]  }
0x29: {  	s4 =	sld [smem:$0x3FB2]  }
0x2a: {  	p0 =	seq.s32 s5, $0x0;
	s5 =	sld [smem:$0x3FB3]  }
0x2b: {  	s6 =	sld [smem:$0x3FB4]  }
0x2c: {  	s7 =	sld [smem:$0x3FB5]  }
0x2d: {  	s3 =	simm.s32 $0x108;
	s8 =	sld [smem:$0x3FB6]  }
0x2e: {  	s3 =	simm.s32 @!p0 $0x1082;
	s9 =	sld [smem:$0x3FB7]  }
0x2f: {  	lr =	sadd.s32 s0, s3;
	s0 =	sld [smem:$0x3FAE]  }
0x30: {  	s3 =	sld [smem:$0x3FB1]  }
0x31: {  	[smem:$0x3FBA] =	sst s10  }
0x32: {  	s10 =	sld [smem:$0x3FB8];
	_ =	sdelay $0x3  }
0x33: {  	p0 =	seq.s32 s10, $0x1;
	s10 =	sld [smem:$0x3FBA];
	_ =	sdelay $0x3  }
0x34: {  	[smem:$0x3FBA] =	sst s10  }
0x35: {  	s10 =	sld [smem:$0x3FB9];
	_ =	sdelay $0x3  }
0x36: {  	p1 =	seq.s32 s10, $0x1;
	s10 =	sld [smem:$0x3FBA];
	_ =	sdelay $0x3  }
0x37: {  	[smem:$0x3FBA] =	sst s10  }
0x38: {  	s10 =	sld [smem:$0x3FBB]  }
0x39: {  	_ = 	snop;
	(pc) =	sbr.ind lr, $3  }
0x3a: {  	_ = 	snop  }
0x3b: {  	_ = 	snop  }
0x3c: {  	p2 =	seq.s32 s10, $0x1;
	s10 =	sld [smem:$0x3FBA]  }
0x3d: {  	_ =	shalt  }
0x3e: {  	_ =	shalt  }
0x3f: {  	_ =	shalt  }
0x40: {  	_ =	shalt  }
0x41: {  	_ =	shalt  }
0x42: {  	_ =	shalt  }
0x43: {  	_ =	shalt  }
0x44: {  	_ =	shalt  }
0x45: {  	_ =	shalt  }
0x46: {  	_ =	shalt  }
0x47: {  	_ =	shalt  }
0x48: {  	_ =	shalt  }
0x49: {  	_ =	shalt  }
0x4a: {  	_ =	shalt  }
0x4b: {  	_ =	shalt  }
0x4c: {  	_ =	shalt  }
0x4d: {  	_ =	shalt  }
0x4e: {  	_ =	shalt  }
0x4f: {  	_ =	shalt  }
0x50: {  	_ =	shalt  }
0x51: {  	_ =	shalt  }
0x52: {  	_ =	shalt  }
0x53: {  	_ =	shalt  }
0x54: {  	_ =	shalt  }
0x55: {  	_ =	shalt  }
0x56: {  	_ =	shalt  }
0x57: {  	_ =	shalt  }
0x58: {  	_ =	shalt  }
0x59: {  	_ =	shalt  }
0x5a: {  	_ =	shalt  }
0x5b: {  	_ =	shalt  }
0x5c: {  	_ =	shalt  }
0x5d: {  	_ =	shalt  }
0x5e: {  	_ =	shalt  }
0x5f: {  	_ =	shalt  }
0x60: {  	_ =	shalt  }
0x61: {  	_ =	shalt  }
0x62: {  	_ =	shalt  }
0x63: {  	_ =	shalt  }
0x64: {  	_ =	shalt  }
0x65: {  	_ =	shalt  }
0x66: {  	_ =	shalt  }
0x67: {  	_ =	shalt  }
0x68: {  	_ =	shalt  }
0x69: {  	_ =	shalt  }
0x6a: {  	_ =	shalt  }
0x6b: {  	_ =	shalt  }
0x6c: {  	_ =	shalt  }
0x6d: {  	_ =	shalt  }
0x6e: {  	_ =	shalt  }
0x6f: {  	_ =	shalt  }
0x70: {  	_ =	shalt  }
0x71: {  	_ =	shalt  }
0x72: {  	_ =	shalt  }
0x73: {  	_ =	shalt  }
0x74: {  	_ =	shalt  }
0x75: {  	_ =	shalt  }
0x76: {  	_ =	shalt  }
0x77: {  	_ =	shalt  }
0x78: {  	_ =	shalt  }
0x79: {  	_ =	shalt  }
0x7a: {  	_ =	shalt  }
0x7b: {  	_ =	shalt  }
0x7c: {  	_ =	shalt  }
0x7d: {  	_ =	shalt  }
0x7e: {  	_ =	shalt  }
0x7f: {  	_ =	shalt  }
0x80: {  	_ =	shalt  }
0x81: {  	_ =	shalt  }
0x82: {  	_ =	shalt  }
0x83: {  	_ =	shalt  }
0x84: {  	_ =	shalt  }
0x85: {  	_ =	shalt  }
0x86: {  	_ =	shalt  }
0x87: {  	_ =	shalt  }
.Lfunc_end0:
.L_simem_size_0:
called_computation_lowered:
.L_overlay_start_0:
0x88: {  	s2 =	sld [smem:$0x3FD9]  }
0x89: {  	s3 =	sld [smem:$0x3FFE];
	_ =	sdelay $0x1  }
0x8a: {  	s1 =	srdreg.scid  }
0x8b: {  	s0 =	sand.u32 $0x1, s1  }
0x8c: {  	s17 =	sshll.u32 s0, $0xA;
	s2 =	sadd.s32 s3, s2  }
0x8d: {  	s2 =	sadd.s32 s2, s17  }
0x8e: {  	[smem:$0x3FC6] =	sst s2  }
0x8f: {  	_ = 	snop  }
0x90: {  	s2 =	sld [smem:$0x3FC9]  }
0x91: {  	s18 =	sld [smem:$0x3FC8];
	(tm) =	ssettm $0x1  }
0x92: {  	s4 =	sld [smem:$0x3FFB];
	_ =	sdelay $0x3  }
0x93: {  	_ =	strace s4  }
0x94: {  	s4 =	sld [smem:$0x3FFC];
	_ =	sdelay $0x3  }
0x95: {  	_ =	strace s4  }
0x96: {  	s4 =	sld [smem:$0x3FFD];
	_ =	sdelay $0x3  }
0x97: {  	_ =	strace s4  }
0x98: {  	_ =	strace $0x8FFFFFFF  }
0x99: {  	s19 =	sld [smem:$0x3FDB];
	_ =	sdelay $0x1  }
0x9a: {  	s5 =	simm.s32 $_scs_section_size  }
0x9b: {  	s6 =	simm.s32 $_size__tile_overlayer_lowered;
	s7 =	simm.s32 $_tile_overlayer_lowered  }
0x9c: {  	s22 =	simm.s32 $0x1BFF;
	s21 =	sshll.u32 s7, $0x1;
	s4 =	sadd.s32 s5, s19  }
0x9d: {  	s8 =	simm.s32 $0x0;
	s20 =	sshll.u32 s6, $0x1;
	s6 =	sadd.s32 s21, s4  }
0x9e: {  	[timem:s8], [sflag:s22] =	dma.local [hbm:s6], s20  }
0x9f: {  	_ =	swait.ge [sflag:s22], s20  }
0xa0: {  	s5 =	ssub.s32 $0x0, s20;
	[sflag:s22] =	ssyncset.done $0x0  }
0xa1: {  	[sflag:s22] =	ssyncadd.s32 s5;
	_ =	sdelay $0x1  }
0xa2: {  	s23 =	simm.s32 $0x1B8B  }
0xa3: {  	_ =	swait.ge [sflag:s23], $0x1  }
0xa4: {  	[sflag:s23] =	ssyncset.done $0x0  }
0xa5: {  	s25 =	simm.s32 $0x1B8E;
	s24 =	sld [smem:$0x3FFE];
	[sflag:s23] =	ssyncadd.s32 $0xFFFFFFFF  }
0xa6: {  	s26 =	simm.s32 $execute0_lowered;
	[smem:$0x3FD2] =	sst s25  }
0xa7: {  	s6 =	sshll.u32 s26, $0x1;
	_ =	strace $0x80000046;
	[dreg:$0x1] =	wrdreg $0xFFFFFFFF  }
0xa8: {  	s28 =	simm.s32 $_size_execute0_lowered;
	s4 =	sadd.s32 s4, s6;
	[dreg:$0x0] =	wrdreg $0x0  }
0xa9: {  	s6 =	sshll.u32 s28, $0x1;
	[dreg:$0x2] =	wrdreg s4  }
0xaa: {  	[dreg:$0x3] =	wrdreg s6  }
0xab: {  	[dreg:$0x4] =	wrdreg $0xC0  }
0xac: {  	_ =	task [dreg:s8], $0x5FFFF  }
0xad: {  	[dreg:$0x1] =	wrdreg $0xFFFFFFFF  }
0xae: {  	[dreg:$0x0] =	wrdreg $0x60  }
0xaf: {  	[dreg:$0x2] =	wrdreg s18  }
0xb0: {  	[dreg:$0x3] =	wrdreg s2  }
0xb1: {  	[dreg:$0x4] =	wrdreg s24  }
0xb2: {  	[dreg:$0x5] =	wrdreg $0x1C3800  }
0xb3: {  	[dreg:$0x6] =	wrdreg $0x9  }
0xb4: {  	_ =	task.clear_ibuf [dreg:s8], $0x7FFFF;
	_ =	strace $0x90000046  }
0xb5: {  	s29 =	simm.s32 $0x9;
	_ =	strace $0x80000048  }
0xb6: {  	_ =	swait.ge [sflag:s29], $0x1  }
0xb7: {  	[sflag:s29] =	ssyncadd.s32 $0xFFFFFFFF  }
0xb8: {  	_ =	strace $0x90000048  }
0xb9: {  	_ =	sfence  }
0xba: {  	s30 =	sld [smem:$0x0];
	_ =	sdelay $0x2  }
0xbb: {  	s31 =	sshll.u32 s1, $0xD;
	s1 =	sshrl.u32 s1, $0x2  }
0xbc: {  	s3 =	sand.u32 $0x4000, s31;
	s1 =	sadd.s32 s1, s30  }
0xbd: {  	s0 =	sor.u32 s3, s0;
	s1 =	sshll.u32 s1, $0x11  }
0xbe: {  	s0 =	sor.u32 s1, s0  }
0xbf: {  	s0 =	sadd.s32 $0x8F2B, s0  }
0xc0: {  	[sflag:s0] =	ssyncadd.remote.s32 $0x1  }
0xc1: {  	_ =	sfence.sel $0xFFFF  }
0xc2: {  	[dreg:$0x0] =	wrdreg $0xFFFFFFFF;
	(pc) =	sbr.abs _section_cstart, $3  }
0xc3: {  	[dreg:$0x1] =	wrdreg $0xFFFFFFFF  }
0xc4: {  	_ =	task.clear_ibuf [dreg:s8], $0x2FFFF;
	_ =	strace $0x9FFFFFFF  }
0xc5: {  	(tm) =	ssettm $0x7FFFFFFF  }
tec
execute0_lowered:
.L_overlay_start_1:
0x0: {  	(tag) =	ssettag $0x1  }
0x1: {  	s0 =	rddreg [dreg:$0x0]  }
0x2: {  	s2 =	rddreg [dreg:$0x1]  }
0x3: {  	s1 =	srdreg.scid;
	s3 =	rddreg [dreg:$0x2]  }
0x4: {  	s23 =	stileid.u32;
	s4 =	rddreg [dreg:$0x3];
	s5 =	simm.s32 $0x0  }
0x5: {  	s20 =	simm.s32 $0x1780;
	s29 =	simm.s32 $0x2F00;
	s8 =	smul.u32 $0x1C00, s23  }
0x6: {  	s30 =	simm.s32 $0x0;
	s7 =	sand.u32 $0x1, s1;
	s10 =	smul.u32 $0x7000, s23  }
0x7: {  	[smem:$0x7FF] =	sst s5;
	s6 =	smul.u32 $0x1C000, s7;
	s9 =	sshll.u32 s7, $0x4  }
0x8: {  	_ =	strace $0x80000047;
	s7 =	ssub.s32 $0x2, s7;
	s24 =	sor.u32 s23, s9  }
0x9: {  	s26 =	sshrl.u32 s7, $0x1;
	s12 =	sshrl.u32 s10, $0x2;
	s6 =	sadd.s32 s8, s6  }
0xa: {  	s19 =	ssub.s32 s7, s26;
	s12 =	sadd.s32 s12, s4;
	s25 =	sshrl.u32 s6, $0x3  }
0xb: {  	s6 =	smul.u32 $0x30D40, s24;
	s13 =	sadd.s32 $0x700, s12;
	s14 =	sadd.s32 $0xE00, s12  }
0xc: {  	s19 =	smax.u32 s19, $0x1;
	s24 =	simm.s32 $0x4;
	s3 =	sadd.s32 s25, s3  }
0xd: {  	v0 =	vlaneseq.u32;
	v1 =	vimm.f32 $0.0e+00;
	s25 =	simm.s32 $0x1;
	s15 =	sshrl.u32 s6, $0x3;
	s18 =	sadd.s32 $0x600, s3  }
0xe: {  	vm5 =	vcmask $0x1B18;
	vm6 =	vcmask $0x1F1C;
	vm7 =	vcmask $0x2320;
	s7 =	sadd.s32 s0, s15;
	s11 =	sadd.s32 $0xFA, s15;
	s28 =	sadd.s32 s2, s15  }
0xf: {  	vm8 =	vcmask $0x2724;
	vm9 =	vcmask $0x2B28;
	vm10 =	vcmask $0x2F2C;
	s17 =	sadd.s32 $0x1F4, s15;
	s15 =	sadd.s32 $0x1500, s12;
	[dreg:$0x5] =	wrdreg s28  }
0x10: {  	vm11 =	vcmask $0x3330;
	vm12 =	vcmask $0x3734;
	v2 =	vmul.u32 $0x7D, v0;
	s31 =	sadd.s32 s0, s11;
	s10 =	sadd.s32 s2, s11;
	s11 =	sadd.s32 $0x61A6, s7  }
0x11: {  	vm13 =	vcmask $0x3B38;
	vm14 =	vcmask $0x3F3C;
	vm15 =	vmmov $0xffff;
	s16 =	sadd.s32 s0, s17;
	s17 =	sadd.s32 s2, s17;
	[dreg:$0x6] =	wrdreg s31  }
.LBB2_1:
0x12: {  	[tilespmem:s5], [sflag:$0x1] =	stream.linear.gather [hbm4b:s7+s5], $0x7D0, $0x38;
	[tilespmem:$0x1DF80] =	vst v63  }
0x13: {  	s1 =	rddreg [dreg:$0x5]  }
0x14: {  	[tilespmem:s20], [sflag:$0x1] =	stream.linear.gather [hbm4b:s1+s5], $0x7D0, $0x38;
	[tilespmem:$0x1DF80] =	vst v63  }
0x15: {  	s21 =	rddreg [dreg:$0x6];
	s3 =	simm.s32 $0x7D0  }
0x16: {  	[tilespmem:s3], [sflag:$0x2] =	stream.linear.gather [hbm4b:s21+s5], $0x7D0, $0x38;
	[tilespmem:$0x1DF80] =	vst v63  }
0x17: {  	s22 =	simm.s32 $0x1F50  }
0x18: {  	[tilespmem:s22], [sflag:$0x2] =	stream.linear.gather [hbm4b:s10+s5], $0x7D0, $0x38;
	[tilespmem:$0x1DF80] =	vst v63  }
0x19: {  	s23 =	simm.s32 $0x1C300  }
0x1a: {  	[tilespmem:s23], [sflag:$0x4] =	stream.linear.gather [hbm4b:s11+s5], $0x10, $0x38;
	[tilespmem:$0x1DF80] =	vst v63  }
0x1b: {  	_ =	swait.ge [sflag:s24], $0x10  }
0x1c: {  	[sflag:s24] =	ssyncset.done $0x0  }
0x1d: {  	[sflag:s24] =	ssyncadd.s32 $0xFFFFFFF0  }
0x1e: {  	_ =	swait.ge [sflag:s25], $0x7D0  }
0x1f: {  	[sflag:s25] =	ssyncset.done $0x0  }
0x20: {  	[sflag:s25] =	ssyncadd.s32 $0xFFFFF830  }
0x21: {  	_ =	swait.ge [sflag:s25], $0x7D0  }
0x22: {  	[sflag:s25] =	ssyncset.done $0x0  }
0x23: {  	[sflag:s25] =	ssyncadd.s32 $0xFFFFF830  }
0x24: {  	v3 =	vld [tilespmem:$0x0];
	_ =	sdelay $0x4  }
0x25: {  	(v2sf) =	vpush v3, $0x0;
	_ =	sdelay $0xe  }
0x26: {  	s26 =	spop (v2sf)  }
0x27: {  	s31 =	sshrl.u32 s26, $0x7  }
0x28: {  	s21 =	sshll.u32 s31, $0x9  }
0x29: {  	s21 =	sshra.s32 s21, $0x2  }
0x2a: {  	s22 =	sadd.s32 $0x3300, s21  }
0x2b: {  	v3 =	vld [tilespmem:$0x1C300];
	[tilespmem:s22+$0xFFFFFC00] =	vst v1  }
0x2c: {  	[tilespmem:s22+$0x3F0] =	vst v1  }
0x2d: {  	[tilespmem:s22+$0x3E0] =	vst v1  }
0x2e: {  	[tilespmem:s22+$0x3D0] =	vst v1  }
0x2f: {  	[tilespmem:s22+$0x3C0] =	vst v1  }
0x30: {  	[tilespmem:s22+$0x3B0] =	vst v1  }
0x31: {  	[tilespmem:s22+$0x3A0] =	vst v1  }
0x32: {  	[tilespmem:s22+$0x390] =	vst v1  }
0x33: {  	[tilespmem:s22+$0x380] =	vst v1  }
0x34: {  	[tilespmem:s22+$0x370] =	vst v1  }
0x35: {  	[tilespmem:s22+$0x360] =	vst v1  }
0x36: {  	[tilespmem:s22+$0x350] =	vst v1  }
0x37: {  	[tilespmem:s22+$0x340] =	vst v1  }
0x38: {  	[tilespmem:s22+$0x330] =	vst v1  }
0x39: {  	[tilespmem:s22+$0x320] =	vst v1  }
0x3a: {  	[tilespmem:s22+$0x310] =	vst v1  }
0x3b: {  	[tilespmem:s22+$0x300] =	vst v1  }
0x3c: {  	[tilespmem:s22+$0x2F0] =	vst v1  }
0x3d: {  	[tilespmem:s22+$0x2E0] =	vst v1  }
0x3e: {  	[tilespmem:s22+$0x2D0] =	vst v1  }
0x3f: {  	[tilespmem:s22+$0x2C0] =	vst v1  }
0x40: {  	[tilespmem:s22+$0x2B0] =	vst v1  }
0x41: {  	[tilespmem:s22+$0x2A0] =	vst v1  }
0x42: {  	[tilespmem:s22+$0x290] =	vst v1  }
0x43: {  	[tilespmem:s22+$0x280] =	vst v1  }
0x44: {  	[tilespmem:s22+$0x270] =	vst v1  }
0x45: {  	[tilespmem:s22+$0x260] =	vst v1  }
0x46: {  	[tilespmem:s22+$0x250] =	vst v1  }
0x47: {  	[tilespmem:s22+$0x240] =	vst v1  }
0x48: {  	[tilespmem:s22+$0x230] =	vst v1  }
0x49: {  	[tilespmem:s22+$0x220] =	vst v1  }
0x4a: {  	[tilespmem:s22+$0x210] =	vst v1  }
0x4b: {  	[tilespmem:s22+$0x200] =	vst v1  }
0x4c: {  	[tilespmem:s22+$0x1F0] =	vst v1  }
0x4d: {  	[tilespmem:s22+$0x1E0] =	vst v1  }
0x4e: {  	[tilespmem:s22+$0x1D0] =	vst v1  }
0x4f: {  	[tilespmem:s22+$0x1C0] =	vst v1  }
0x50: {  	[tilespmem:s22+$0x1B0] =	vst v1  }
0x51: {  	[tilespmem:s22+$0x1A0] =	vst v1  }
0x52: {  	[tilespmem:s22+$0x190] =	vst v1  }
0x53: {  	[tilespmem:s22+$0x180] =	vst v1  }
0x54: {  	[tilespmem:s22+$0x170] =	vst v1  }
0x55: {  	[tilespmem:s22+$0x160] =	vst v1  }
0x56: {  	[tilespmem:s22+$0x150] =	vst v1  }
0x57: {  	[tilespmem:s22+$0x140] =	vst v1  }
0x58: {  	[tilespmem:s22+$0x130] =	vst v1  }
0x59: {  	[tilespmem:s22+$0x120] =	vst v1  }
0x5a: {  	[tilespmem:s22+$0x110] =	vst v1  }
0x5b: {  	[tilespmem:s22+$0x100] =	vst v1  }
0x5c: {  	[tilespmem:s22+$0xF0] =	vst v1  }
0x5d: {  	[tilespmem:s22+$0xE0] =	vst v1  }
0x5e: {  	[tilespmem:s22+$0xD0] =	vst v1  }
0x5f: {  	[tilespmem:s22+$0xC0] =	vst v1  }
0x60: {  	[tilespmem:s22+$0xB0] =	vst v1  }
0x61: {  	[tilespmem:s22+$0xA0] =	vst v1  }
0x62: {  	[tilespmem:s22+$0x90] =	vst v1  }
0x63: {  	[tilespmem:s22+$0x80] =	vst v1  }
0x64: {  	[tilespmem:s22+$0x70] =	vst v1  }
0x65: {  	[tilespmem:s22+$0x60] =	vst v1  }
0x66: {  	[tilespmem:s22+$0x50] =	vst v1  }
0x67: {  	[tilespmem:s22+$0x40] =	vst v1  }
0x68: {  	[tilespmem:s22+$0x30] =	vst v1  }
0x69: {  	[tilespmem:s22+$0x20] =	vst v1  }
0x6a: {  	[tilespmem:s22+$0x10] =	vst v1  }
0x6b: {  	[tilespmem:s22+$0x0] =	vst v1  }
0x6c: {  	[tilespmem:s22+$0xFFFFFFF0] =	vst v1  }
0x6d: {  	[tilespmem:s22+$0xFFFFFFE0] =	vst v1  }
0x6e: {  	[tilespmem:s22+$0xFFFFFFD0] =	vst v1  }
0x6f: {  	[tilespmem:s22+$0xFFFFFFC0] =	vst v1  }
0x70: {  	[tilespmem:s22+$0xFFFFFFB0] =	vst v1  }
0x71: {  	[tilespmem:s22+$0xFFFFFFA0] =	vst v1  }
0x72: {  	[tilespmem:s22+$0xFFFFFF90] =	vst v1  }
0x73: {  	[tilespmem:s22+$0xFFFFFF80] =	vst v1  }
0x74: {  	[tilespmem:s22+$0xFFFFFF70] =	vst v1  }
0x75: {  	[tilespmem:s22+$0xFFFFFF60] =	vst v1  }
0x76: {  	[tilespmem:s22+$0xFFFFFF50] =	vst v1  }
0x77: {  	[tilespmem:s22+$0xFFFFFF40] =	vst v1  }
0x78: {  	[tilespmem:s22+$0xFFFFFF30] =	vst v1  }
0x79: {  	[tilespmem:s22+$0xFFFFFF20] =	vst v1  }
0x7a: {  	[tilespmem:s22+$0xFFFFFF10] =	vst v1  }
0x7b: {  	[tilespmem:s22+$0xFFFFFF00] =	vst v1  }
0x7c: {  	[tilespmem:s22+$0xFFFFFEF0] =	vst v1  }
0x7d: {  	[tilespmem:s22+$0xFFFFFEE0] =	vst v1  }
0x7e: {  	[tilespmem:s22+$0xFFFFFED0] =	vst v1  }
0x7f: {  	[tilespmem:s22+$0xFFFFFEC0] =	vst v1  }
0x80: {  	[tilespmem:s22+$0xFFFFFEB0] =	vst v1  }
0x81: {  	[tilespmem:s22+$0xFFFFFEA0] =	vst v1  }
0x82: {  	[tilespmem:s22+$0xFFFFFE90] =	vst v1  }
0x83: {  	[tilespmem:s22+$0xFFFFFE80] =	vst v1  }
0x84: {  	[tilespmem:s22+$0xFFFFFE70] =	vst v1  }
0x85: {  	[tilespmem:s22+$0xFFFFFE60] =	vst v1  }
0x86: {  	[tilespmem:s22+$0xFFFFFE50] =	vst v1  }
0x87: {  	[tilespmem:s22+$0xFFFFFE40] =	vst v1  }
0x88: {  	[tilespmem:s22+$0xFFFFFE30] =	vst v1  }
0x89: {  	[tilespmem:s22+$0xFFFFFE20] =	vst v1  }
0x8a: {  	[tilespmem:s22+$0xFFFFFE10] =	vst v1  }
0x8b: {  	[tilespmem:s22+$0xFFFFFE00] =	vst v1  }
0x8c: {  	[tilespmem:s22+$0xFFFFFDF0] =	vst v1  }
0x8d: {  	[tilespmem:s22+$0xFFFFFDE0] =	vst v1  }
0x8e: {  	[tilespmem:s22+$0xFFFFFDD0] =	vst v1  }
0x8f: {  	[tilespmem:s22+$0xFFFFFDC0] =	vst v1  }
0x90: {  	(v2sf) =	vpush v3, $0xF;
	[tilespmem:s22+$0xFFFFFDB0] =	vst v1  }
0x91: {  	[tilespmem:s22+$0xFFFFFDA0] =	vst v1  }
0x92: {  	[tilespmem:s22+$0xFFFFFD90] =	vst v1  }
0x93: {  	[tilespmem:s22+$0xFFFFFD80] =	vst v1  }
0x94: {  	[tilespmem:s22+$0xFFFFFD70] =	vst v1  }
0x95: {  	[tilespmem:s22+$0xFFFFFD60] =	vst v1  }
0x96: {  	[tilespmem:s22+$0xFFFFFD50] =	vst v1  }
0x97: {  	[tilespmem:s22+$0xFFFFFD40] =	vst v1  }
0x98: {  	[tilespmem:s22+$0xFFFFFD30] =	vst v1  }
0x99: {  	[tilespmem:s22+$0xFFFFFD20] =	vst v1  }
0x9a: {  	[tilespmem:s22+$0xFFFFFD10] =	vst v1  }
0x9b: {  	[tilespmem:s22+$0xFFFFFD00] =	vst v1  }
0x9c: {  	[tilespmem:s22+$0xFFFFFCF0] =	vst v1  }
0x9d: {  	[tilespmem:s22+$0xFFFFFCE0] =	vst v1  }
0x9e: {  	[tilespmem:s22+$0xFFFFFCD0] =	vst v1  }
0x9f: {  	[tilespmem:s22+$0xFFFFFCC0] =	vst v1;
	s28 =	spop (v2sf)  }
0xa0: {  	[tilespmem:s22+$0xFFFFFCB0] =	vst v1;
	s21 =	sshrl.u32 s28, $0x7  }
0xa1: {  	[tilespmem:s22+$0xFFFFFCA0] =	vst v1;
	s21 =	ssub.s32 s21, s31  }
0xa2: {  	[tilespmem:s22+$0xFFFFFC90] =	vst v1;
	s21 =	sshrl.u32 s21, $0x4  }
0xa3: {  	[tilespmem:s22+$0xFFFFFC80] =	vst v1;
	s21 =	sadd.s32 $0x1, s21  }
0xa4: {  	[tilespmem:s22+$0xFFFFFC70] =	vst v1;
	p0 =	sne.s32 s21, $0x1  }
.Ltmp0:
0xa5: {  	[tilespmem:s22+$0xFFFFFC60] =	vst v1;
	(pc) =	sbr.rel @!p0 .LBB2_3-.Ltmp0, $4  }
0xa6: {  	[tilespmem:s22+$0xFFFFFC50] =	vst v1  }
0xa7: {  	[tilespmem:s22+$0xFFFFFC40] =	vst v1  }
0xa8: {  	s3 =	sand.u32 $0xFFFFFF80, s26;
	[tilespmem:s22+$0xFFFFFC30] =	vst v1  }
0xa9: {  	s3 =	sadd.s32 $0x2F00, s3;
	[tilespmem:s22+$0xFFFFFC20] =	vst v1;
	s23 =	sadd.s32 $0xFFFFFFFF, s21  }
.LBB2_2:
0xaa: {  	p0 =	sne.s32 s23, $0x1;
	s23 =	sadd.s32 $0xFFFFFFFF, s23;
	[tilespmem:s22+$0xFFFFFC10] =	vst v1;
	s22 =	sadd.s32 $0x800, s22  }
0xab: {  	[tilespmem:s22+$0xFFFFFC00] =	vst v1  }
0xac: {  	[tilespmem:s22+$0x3F0] =	vst v1  }
0xad: {  	[tilespmem:s22+$0x3E0] =	vst v1  }
0xae: {  	[tilespmem:s22+$0x3D0] =	vst v1  }
0xaf: {  	[tilespmem:s22+$0x3C0] =	vst v1  }
0xb0: {  	[tilespmem:s22+$0x3B0] =	vst v1  }
0xb1: {  	[tilespmem:s22+$0x3A0] =	vst v1  }
0xb2: {  	[tilespmem:s22+$0x390] =	vst v1  }
0xb3: {  	[tilespmem:s22+$0x380] =	vst v1  }
0xb4: {  	[tilespmem:s22+$0x370] =	vst v1  }
0xb5: {  	[tilespmem:s22+$0x360] =	vst v1  }
0xb6: {  	[tilespmem:s22+$0x350] =	vst v1  }
0xb7: {  	[tilespmem:s22+$0x340] =	vst v1  }
0xb8: {  	[tilespmem:s22+$0x330] =	vst v1  }
0xb9: {  	[tilespmem:s22+$0x320] =	vst v1  }
0xba: {  	[tilespmem:s22+$0x310] =	vst v1  }
0xbb: {  	[tilespmem:s22+$0x300] =	vst v1  }
0xbc: {  	[tilespmem:s22+$0x2F0] =	vst v1  }
0xbd: {  	[tilespmem:s22+$0x2E0] =	vst v1  }
0xbe: {  	[tilespmem:s22+$0x2D0] =	vst v1  }
0xbf: {  	[tilespmem:s22+$0x2C0] =	vst v1  }
0xc0: {  	[tilespmem:s22+$0x2B0] =	vst v1  }
0xc1: {  	[tilespmem:s22+$0x2A0] =	vst v1  }
0xc2: {  	[tilespmem:s22+$0x290] =	vst v1  }
0xc3: {  	[tilespmem:s22+$0x280] =	vst v1  }
0xc4: {  	[tilespmem:s22+$0x270] =	vst v1  }
0xc5: {  	[tilespmem:s22+$0x260] =	vst v1  }
0xc6: {  	[tilespmem:s22+$0x250] =	vst v1  }
0xc7: {  	[tilespmem:s22+$0x240] =	vst v1  }
0xc8: {  	[tilespmem:s22+$0x230] =	vst v1  }
0xc9: {  	[tilespmem:s22+$0x220] =	vst v1  }
0xca: {  	[tilespmem:s22+$0x210] =	vst v1  }
0xcb: {  	[tilespmem:s22+$0x200] =	vst v1  }
0xcc: {  	[tilespmem:s22+$0x1F0] =	vst v1  }
0xcd: {  	[tilespmem:s22+$0x1E0] =	vst v1  }
0xce: {  	[tilespmem:s22+$0x1D0] =	vst v1  }
0xcf: {  	[tilespmem:s22+$0x1C0] =	vst v1  }
0xd0: {  	[tilespmem:s22+$0x1B0] =	vst v1  }
0xd1: {  	[tilespmem:s22+$0x1A0] =	vst v1  }
0xd2: {  	[tilespmem:s22+$0x190] =	vst v1  }
0xd3: {  	[tilespmem:s22+$0x180] =	vst v1  }
0xd4: {  	[tilespmem:s22+$0x170] =	vst v1  }
0xd5: {  	[tilespmem:s22+$0x160] =	vst v1  }
0xd6: {  	[tilespmem:s22+$0x150] =	vst v1  }
0xd7: {  	[tilespmem:s22+$0x140] =	vst v1  }
0xd8: {  	[tilespmem:s22+$0x130] =	vst v1  }
0xd9: {  	[tilespmem:s22+$0x120] =	vst v1  }
0xda: {  	[tilespmem:s22+$0x110] =	vst v1  }
0xdb: {  	[tilespmem:s22+$0x100] =	vst v1  }
0xdc: {  	[tilespmem:s22+$0xF0] =	vst v1  }
0xdd: {  	[tilespmem:s22+$0xE0] =	vst v1  }
0xde: {  	[tilespmem:s22+$0xD0] =	vst v1  }
0xdf: {  	[tilespmem:s22+$0xC0] =	vst v1  }
0xe0: {  	[tilespmem:s22+$0xB0] =	vst v1  }
0xe1: {  	[tilespmem:s22+$0xA0] =	vst v1  }
0xe2: {  	[tilespmem:s22+$0x90] =	vst v1  }
0xe3: {  	[tilespmem:s22+$0x80] =	vst v1  }
0xe4: {  	[tilespmem:s22+$0x70] =	vst v1  }
0xe5: {  	[tilespmem:s22+$0x60] =	vst v1  }
0xe6: {  	[tilespmem:s22+$0x50] =	vst v1  }
0xe7: {  	[tilespmem:s22+$0x40] =	vst v1  }
0xe8: {  	[tilespmem:s22+$0x30] =	vst v1  }
0xe9: {  	[tilespmem:s22+$0x20] =	vst v1  }
0xea: {  	[tilespmem:s22+$0x10] =	vst v1  }
0xeb: {  	[tilespmem:s22+$0x0] =	vst v1  }
0xec: {  	[tilespmem:s22+$0xFFFFFFF0] =	vst v1  }
0xed: {  	[tilespmem:s22+$0xFFFFFFE0] =	vst v1  }
0xee: {  	[tilespmem:s22+$0xFFFFFFD0] =	vst v1  }
0xef: {  	[tilespmem:s22+$0xFFFFFFC0] =	vst v1  }
0xf0: {  	[tilespmem:s22+$0xFFFFFFB0] =	vst v1  }
0xf1: {  	[tilespmem:s22+$0xFFFFFFA0] =	vst v1  }
0xf2: {  	[tilespmem:s22+$0xFFFFFF90] =	vst v1  }
0xf3: {  	[tilespmem:s22+$0xFFFFFF80] =	vst v1  }
0xf4: {  	[tilespmem:s22+$0xFFFFFF70] =	vst v1  }
0xf5: {  	[tilespmem:s22+$0xFFFFFF60] =	vst v1  }
0xf6: {  	[tilespmem:s22+$0xFFFFFF50] =	vst v1  }
0xf7: {  	[tilespmem:s22+$0xFFFFFF40] =	vst v1  }
0xf8: {  	[tilespmem:s22+$0xFFFFFF30] =	vst v1  }
0xf9: {  	[tilespmem:s22+$0xFFFFFF20] =	vst v1  }
0xfa: {  	[tilespmem:s22+$0xFFFFFF10] =	vst v1  }
0xfb: {  	[tilespmem:s22+$0xFFFFFF00] =	vst v1  }
0xfc: {  	[tilespmem:s22+$0xFFFFFEF0] =	vst v1  }
0xfd: {  	[tilespmem:s22+$0xFFFFFEE0] =	vst v1  }
0xfe: {  	[tilespmem:s22+$0xFFFFFED0] =	vst v1  }
0xff: {  	[tilespmem:s22+$0xFFFFFEC0] =	vst v1  }
0x100: {  	[tilespmem:s22+$0xFFFFFEB0] =	vst v1  }
0x101: {  	[tilespmem:s22+$0xFFFFFEA0] =	vst v1  }
0x102: {  	[tilespmem:s22+$0xFFFFFE90] =	vst v1  }
0x103: {  	[tilespmem:s22+$0xFFFFFE80] =	vst v1  }
0x104: {  	[tilespmem:s22+$0xFFFFFE70] =	vst v1  }
0x105: {  	[tilespmem:s22+$0xFFFFFE60] =	vst v1  }
0x106: {  	[tilespmem:s22+$0xFFFFFE50] =	vst v1  }
0x107: {  	[tilespmem:s22+$0xFFFFFE40] =	vst v1  }
0x108: {  	[tilespmem:s22+$0xFFFFFE30] =	vst v1  }
0x109: {  	[tilespmem:s22+$0xFFFFFE20] =	vst v1  }
0x10a: {  	[tilespmem:s22+$0xFFFFFE10] =	vst v1  }
0x10b: {  	[tilespmem:s22+$0xFFFFFE00] =	vst v1  }
0x10c: {  	[tilespmem:s22+$0xFFFFFDF0] =	vst v1  }
0x10d: {  	[tilespmem:s22+$0xFFFFFDE0] =	vst v1  }
0x10e: {  	[tilespmem:s22+$0xFFFFFDD0] =	vst v1  }
0x10f: {  	[tilespmem:s22+$0xFFFFFDC0] =	vst v1  }
0x110: {  	[tilespmem:s22+$0xFFFFFDB0] =	vst v1  }
0x111: {  	[tilespmem:s22+$0xFFFFFDA0] =	vst v1  }
0x112: {  	[tilespmem:s22+$0xFFFFFD90] =	vst v1  }
0x113: {  	[tilespmem:s22+$0xFFFFFD80] =	vst v1  }
0x114: {  	[tilespmem:s22+$0xFFFFFD70] =	vst v1  }
0x115: {  	[tilespmem:s22+$0xFFFFFD60] =	vst v1  }
0x116: {  	[tilespmem:s22+$0xFFFFFD50] =	vst v1  }
0x117: {  	[tilespmem:s22+$0xFFFFFD40] =	vst v1  }
0x118: {  	[tilespmem:s22+$0xFFFFFD30] =	vst v1  }
0x119: {  	[tilespmem:s22+$0xFFFFFD20] =	vst v1  }
0x11a: {  	[tilespmem:s22+$0xFFFFFD10] =	vst v1  }
0x11b: {  	[tilespmem:s22+$0xFFFFFD00] =	vst v1  }
0x11c: {  	[tilespmem:s22+$0xFFFFFCF0] =	vst v1  }
0x11d: {  	[tilespmem:s22+$0xFFFFFCE0] =	vst v1  }
0x11e: {  	[tilespmem:s22+$0xFFFFFCD0] =	vst v1  }
0x11f: {  	[tilespmem:s22+$0xFFFFFCC0] =	vst v1  }
0x120: {  	[tilespmem:s22+$0xFFFFFCB0] =	vst v1  }
0x121: {  	[tilespmem:s22+$0xFFFFFCA0] =	vst v1  }
0x122: {  	[tilespmem:s22+$0xFFFFFC90] =	vst v1  }
0x123: {  	[tilespmem:s22+$0xFFFFFC80] =	vst v1  }
0x124: {  	[tilespmem:s22+$0xFFFFFC70] =	vst v1  }
.Ltmp1:
0x125: {  	[tilespmem:s22+$0xFFFFFC60] =	vst v1;
	(pc) =	sbr.rel @p0 .LBB2_2-.Ltmp1, $4  }
0x126: {  	[tilespmem:s22+$0xFFFFFC50] =	vst v1  }
0x127: {  	[tilespmem:s22+$0xFFFFFC40] =	vst v1  }
0x128: {  	[tilespmem:s22+$0xFFFFFC30] =	vst v1  }
0x129: {  	[tilespmem:s22+$0xFFFFFC20] =	vst v1  }
.LBB2_3:
0x12a: {  	[tilespmem:s22+$0xFFFFFC10] =	vst v1  }
0x12b: {  	[spmem:s12] =	stream.linear.scatter [tilespmem:s3], [sflag:$0x4], $0x700, $0x38;
	[tilespmem:$0x1DF80] =	vst v63  }
0x12c: {  	_ =	swait.ge [sflag:s24], $0x700  }
0x12d: {  	[sflag:s24] =	ssyncset.done $0x0  }
0x12e: {  	[sflag:s24] =	ssyncadd.s32 $0xFFFFF900  }
0x12f: {  	[spmem:s13] =	stream.linear.scatter [tilespmem:s3], [sflag:$0x4], $0x700, $0x38;
	[tilespmem:$0x1DF80] =	vst v63  }
0x130: {  	_ =	swait.ge [sflag:s24], $0x700  }
0x131: {  	[sflag:s24] =	ssyncset.done $0x0  }
0x132: {  	[sflag:s24] =	ssyncadd.s32 $0xFFFFF900  }
0x133: {  	[spmem:s14] =	stream.linear.scatter [tilespmem:s3], [sflag:$0x4], $0x700, $0x38;
	[tilespmem:$0x1DF80] =	vst v63  }
0x134: {  	_ =	swait.ge [sflag:s24], $0x700  }
0x135: {  	[sflag:s24] =	ssyncset.done $0x0  }
0x136: {  	[sflag:s24] =	ssyncadd.s32 $0xFFFFF900  }
0x137: {  	[spmem:s15] =	stream.linear.scatter [tilespmem:s3], [sflag:$0x4], $0x700, $0x38;
	[tilespmem:$0x1DF80] =	vst v63  }
0x138: {  	_ =	swait.ge [sflag:s24], $0x700  }
0x139: {  	s28 =	simm.s32 $0x0;
	[sflag:s24] =	ssyncset.done $0x0  }
0x13a: {  	s23 =	simm.s32 $0x2;
	v3 =	vadd.s32 s28, v2;
	[sflag:s24] =	ssyncadd.s32 $0xFFFFF900  }
0x13b: {  	s1 =	simm.s32 $0xFA0;
	s8 =	simm.s32 $0x1;
	v5 =	vadd.s32 s23, v2;
	[bflag:$0x0] =	sbarrier.arrive $0xFFFF  }
0x13c: {  	[tilespmem:s1], [sflag:$0x3] =	stream.linear.gather [hbm4b:s16+s28], $0x7D0, $0x38;
	[tilespmem:$0x1DF80] =	vst v63  }
0x13d: {  	s9 =	simm.s32 $0x2720;
	v4 =	vadd.s32 s8, v2;
	s23 =	simm.s32 $0x3  }
0x13e: {  	[tilespmem:s9], [sflag:$0x3] =	stream.linear.gather [hbm4b:s17+s28], $0x7D0, $0x38;
	[tilespmem:$0x1DF80] =	vst v63  }
0x13f: {  	s26 =	simm.s32 $0x4;
	v7 =	vadd.s32 s23, v2;
	v6 =	vld.idx.msk [tilespmem:v3+s20+$0x0], $0xffff  }
0x140: {  	v8 =	vadd.s32 s26, v2;
	v11 =	vld.idx.msk [tilespmem:v5+s5+$0x0], $0xffff  }
0x141: {  	v9 =	vld.idx.msk [tilespmem:v3+s5+$0x0], $0xffff  }
0x142: {  	v10 =	vld.idx.msk [tilespmem:v4+s5+$0x0], $0xffff  }
0x143: {  	v12 =	vld.idx.msk [tilespmem:v4+s20+$0x0], $0xffff  }
0x144: {  	v4 =	vld.idx.msk [tilespmem:v7+s5+$0x0], $0xffff  }
0x145: {  	v3 =	vld.idx.msk [tilespmem:v8+s5+$0x0], $0xffff  }
0x146: {  	v13 =	vimm.s32 $0x190FF;
	v14 =	vimm.f32 $0.0e+00;
	v5 =	vld.idx.msk [tilespmem:v5+s20+$0x0], $0xffff  }
0x147: {  	vm1 =	vne.s32 v9, v13;
	v6 =	vadd.f32 v6, v14  }
0x148: {  	v7 =	vld.idx.msk [tilespmem:v7+s20+$0x0], $0xffff;
	vm2 =	vne.s32 v10, v9  }
0x149: {  	vm3 =	vne.s32 v11, v10;
	v12 =	vadd.f32 v12, v6  }
0x14a: {  	vm4 =	vne.s32 v4, v11;
	vm0 =	vne.s32 v3, v4;
	v15 =	vsel vm1, v14, v14  }
0x14b: {  	v16 =	vld.idx.msk [tilespmem:v8+s20+$0x0], $0xffff;
	v14 =	vsub.f32 v14, v14;
	v8 =	vsel vm2, v6, v15;
	v5 =	vadd.f32 v5, v12  }
0x14c: {  	s22 =	simm.s32 $0x5;
	v6 =	vsub.f32 v6, v15;
	v62 =	vsel vm3, v12, v8  }
0x14d: {  	s28 =	simm.s32 $0x9;
	v12 =	vsub.f32 v12, v8;
	v8 =	vadd.s32 s22, v2;
	[tilespmem:v13+s29+$0x0] =	vst.idx.add.f32.msk vm1, v14;
	v7 =	vadd.f32 v7, v5  }
0x14e: {  	s26 =	simm.s32 $0x7;
	v63 =	vsub.f32 v5, v62;
	[tilespmem:v9+s29+$0x0] =	vst.idx.add.f32.msk vm2, v6;
	v6 =	vsel vm4, v5, v62;
	v5 =	vadd.s32 s28, v2  }
0x14f: {  	v9 =	vadd.s32 s26, v2;
	[tilespmem:v10+s29+$0x0] =	vst.idx.add.f32.msk vm3, v12;
	v10 =	vsub.f32 v7, v6  }
0x150: {  	s23 =	simm.s32 $0xA;
	s26 =	simm.s32 $0x6;
	v6 =	vsel vm0, v7, v6;
	v7 =	vadd.f32 v16, v7;
	[tilespmem:v11+s29+$0x0] =	vst.idx.add.f32.msk vm4, v63  }
.LBB2_4:
0x151: {  	p0 =	sne.s32 s23, $0x78;
	v11 =	vadd.s32 s26, v2;
	[tilespmem:v4+s29+$0x0] =	vst.idx.add.f32.msk vm0, v10;
	s26 =	smov.u32 s23;
	s23 =	sadd.s32 $0x5, s23  }
0x152: {  	s28 =	sadd.s32 $0x3, s22;
	v10 =	vld.idx.msk [tilespmem:v8+s20+$0x0], $0xffff;
	s22 =	smov.u32 s26  }
0x153: {  	v12 =	vadd.s32 s28, v2;
	v13 =	vld.idx.msk [tilespmem:v5+s5+$0x0], $0xffff  }
0x154: {  	v14 =	vld.idx.msk [tilespmem:v9+s5+$0x0], $0xffff  }
0x155: {  	v15 =	vld.idx.msk [tilespmem:v8+s5+$0x0], $0xffff  }
0x156: {  	v16 =	vld.idx.msk [tilespmem:v11+s5+$0x0], $0xffff  }
0x157: {  	v8 =	vld.idx.msk [tilespmem:v11+s20+$0x0], $0xffff  }
0x158: {  	v4 =	vld.idx.msk [tilespmem:v12+s5+$0x0], $0xffff  }
0x159: {  	v9 =	vld.idx.msk [tilespmem:v9+s20+$0x0], $0xffff;
	_ =	sdelay $0x1  }
0x15a: {  	v10 =	vadd.f32 v10, v7;
	vm1 =	vne.s32 v15, v3;
	v11 =	vld.idx.msk [tilespmem:v12+s20+$0x0], $0xffff  }
0x15b: {  	v12 =	vsel vm1, v7, v6;
	vm2 =	vne.s32 v16, v15  }
0x15c: {  	vm3 =	vne.s32 v14, v16;
	v17 =	vsub.f32 v10, v12;
	v18 =	vadd.f32 v8, v10  }
0x15d: {  	vm4 =	vne.s32 v4, v14;
	v19 =	vld.idx.msk [tilespmem:v5+s20+$0x0], $0xffff;
	v5 =	vsel vm2, v10, v12  }
0x15e: {  	v6 =	vsub.f32 v7, v6;
	vm0 =	vne.s32 v13, v4;
	v7 =	vadd.f32 v9, v18  }
.Ltmp2:
0x15f: {  	v9 =	vsel vm3, v18, v5;
	(pc) =	sbr.rel @p0 .LBB2_4-.Ltmp2, $4  }
0x160: {  	s26 =	sadd.s32 $0x4, s22;
	v8 =	vadd.s32 s22, v2;
	v18 =	vsub.f32 v18, v5;
	v11 =	vadd.f32 v11, v7;
	[tilespmem:v3+s29+$0x0] =	vst.idx.add.f32.msk vm1, v6  }
0x161: {  	s28 =	sadd.s32 $0x2, s22;
	v5 =	vadd.s32 s26, v2;
	v12 =	vsub.f32 v7, v9;
	v6 =	vsel vm4, v7, v9;
	[tilespmem:v15+s29+$0x0] =	vst.idx.add.f32.msk vm2, v17  }
0x162: {  	v9 =	vadd.s32 s28, v2;
	v10 =	vsub.f32 v11, v6;
	v6 =	vsel vm0, v11, v6;
	[tilespmem:v16+s29+$0x0] =	vst.idx.add.f32.msk vm3, v18  }
0x163: {  	s26 =	sadd.s32 $0x1, s22;
	v3 =	vmov v13;
	v7 =	vadd.f32 v19, v11;
	[tilespmem:v14+s29+$0x0] =	vst.idx.add.f32.msk vm4, v12  }
0x164: {  	_ =	sdelay $0x3  }
0x165: {  	v11 =	vadd.s32 s26, v2  }
0x166: {  	[tilespmem:v4+s29+$0x0] =	vst.idx.add.f32.msk vm0, v10  }
0x167: {  	s22 =	sadd.s32 $0x3, s22;
	v4 =	vld.idx.msk [tilespmem:v8+s20+$0x0], $0xffff  }
0x168: {  	v54 =	vadd.s32 s22, v2;
	v55 =	vld.idx.msk [tilespmem:v8+s5+$0x0], $0xffff  }
0x169: {  	v12 =	vld.idx.msk [tilespmem:v9+s5+$0x0], $0xffff  }
0x16a: {  	v13 =	vld.idx.msk [tilespmem:v11+s5+$0x0], $0xffff  }
0x16b: {  	v11 =	vld.idx.msk [tilespmem:v11+s20+$0x0], $0xffff  }
0x16c: {  	v56 =	vld.idx.msk [tilespmem:v9+s20+$0x0], $0xffff  }
0x16d: {  	v14 =	vld.idx.msk [tilespmem:v54+s5+$0x0], $0xffff;
	vm0 =	vne.s32 v55, v3  }
0x16e: {  	v15 =	vld.idx.msk [tilespmem:v5+s5+$0x0], $0xffff;
	v4 =	vadd.f32 v4, v7  }
0x16f: {  	v10 =	vld.idx.msk [tilespmem:v54+s20+$0x0], $0xffff  }
0x170: {  	vm1 =	vne.s32 v13, v55;
	v11 =	vadd.f32 v11, v4  }
0x171: {  	v57 =	vld.idx.msk [tilespmem:v5+s20+$0x0], $0xffff;
	v58 =	vsub.f32 v7, v6;
	vm2 =	vne.s32 v12, v13  }
0x172: {  	v16 =	vsel vm0, v7, v6;
	vm3 =	vne.s32 v14, v12;
	v59 =	vadd.f32 v56, v11  }
0x173: {  	vm4 =	vne.s32 v15, v14;
	[tilespmem:v3+s29+$0x0] =	vst.idx.add.f32.msk vm0, v58;
	v3 =	vsel vm1, v4, v16  }
0x174: {  	v60 =	vsub.f32 v4, v16;
	v62 =	vsel vm2, v11, v3;
	v61 =	vadd.f32 v10, v59  }
0x175: {  	vm0 =	vcmask $0x704;
	v3 =	vsub.f32 v11, v3;
	v63 =	vsub.f32 v59, v62  }
0x176: {  	v6 =	vsel vm3, v59, v62;
	[tilespmem:v55+s29+$0x0] =	vst.idx.add.f32.msk vm1, v60;
	v5 =	vadd.f32 v57, v61  }
0x177: {  	v4 =	vsel vm4, v61, v6;
	[tilespmem:v13+s29+$0x0] =	vst.idx.add.f32.msk vm2, v3;
	v3 =	vsub.f32 v61, v6  }
0x178: {  	[tilespmem:v12+s29+$0x0] =	vst.idx.add.f32.msk vm3, v63;
	v4 =	vsub.f32 v5, v4  }
0x179: {  	[tilespmem:v14+s29+$0x0] =	vst.idx.add.f32.msk vm4, v3  }
0x17a: {  	[tilespmem:v15+s29+$0x0] =	vst.idx.add.f32.msk $0x1, v4  }
0x17b: {  	[tilespmem:v15+s29+$0x0] =	vst.idx.add.f32.msk vm0, v4;
	vm0 =	vcmask $0xB08;
	_ =	sdelay $0x5  }
0x17c: {  	[tilespmem:v15+s29+$0x0] =	vst.idx.add.f32.msk vm0, v4;
	vm0 =	vcmask $0xF0C;
	_ =	sdelay $0x5  }
0x17d: {  	[tilespmem:v15+s29+$0x0] =	vst.idx.add.f32.msk vm0, v4;
	vm0 =	vcmask $0x1310;
	_ =	sdelay $0x5  }
0x17e: {  	[tilespmem:v15+s29+$0x0] =	vst.idx.add.f32.msk vm0, v4;
	vm0 =	vcmask $0x1714;
	_ =	sdelay $0x5  }
0x17f: {  	[tilespmem:v15+s29+$0x0] =	vst.idx.add.f32.msk vm0, v4  }
0x180: {  	[tilespmem:v15+s29+$0x0] =	vst.idx.add.f32.msk vm5, v4  }
0x181: {  	[tilespmem:v15+s29+$0x0] =	vst.idx.add.f32.msk vm6, v4  }
0x182: {  	[tilespmem:v15+s29+$0x0] =	vst.idx.add.f32.msk vm7, v4  }
0x183: {  	[tilespmem:v15+s29+$0x0] =	vst.idx.add.f32.msk vm8, v4  }
0x184: {  	[tilespmem:v15+s29+$0x0] =	vst.idx.add.f32.msk vm9, v4  }
0x185: {  	[tilespmem:v15+s29+$0x0] =	vst.idx.add.f32.msk vm10, v4  }
0x186: {  	[tilespmem:v15+s29+$0x0] =	vst.idx.add.f32.msk vm11, v4  }
0x187: {  	[tilespmem:v15+s29+$0x0] =	vst.idx.add.f32.msk vm12, v4  }
0x188: {  	[tilespmem:v15+s29+$0x0] =	vst.idx.add.f32.msk vm13, v4  }
0x189: {  	s22 =	simm.s32 $0x1;
	[tilespmem:v15+s29+$0x0] =	vst.idx.add.f32.msk vm14, v4  }
.LBB2_6:
0x18a: {  	s23 =	smul.u32 $0xAB, s22  }
0x18b: {  	p0 =	sgt.u32 s22, $0x61  }
0x18c: {  	s26 =	sadd.s32 @!p0 $0x2, s22;
	s23 =	sshrl.u32 s23, $0x9  }
0x18d: {  	s28 =	smul.u32 @!p0 $0xAB, s26;
	s23 =	sand.u32 $0x7F, s23  }
0x18e: {  	s23 =	smul.u32 $0x3, s23  }
0x18f: {  	s28 =	sshrl.u32 @!p0 s28, $0x9  }
0x190: {  	s28 =	sand.u32 @!p0 $0x7F, s28;
	s23 =	ssub.s32 s22, s23  }
0x191: {  	s28 =	smul.u32 @!p0 $0x3, s28;
	s23 =	sand.u32 $0xFF, s23  }
0x192: {  	s1 =	sadd.s32 $0x1, s23  }
0x193: {  	s28 =	ssub.s32 @!p0 s26, s28;
	s26 =	smul.u32 @!p0 $0x7D0, s26;
	_ =	swait.ge [sflag:s1], $0x7D0  }
0x194: {  	s23 =	smul.u32 $0x7D0, s23;
	[sflag:s1] =	ssyncset.done $0x0  }
0x195: {  	s9 =	simm.s32 @!p0 $0x0;
	s28 =	sand.u32 @!p0 $0xFF, s28;
	[sflag:s1] =	ssyncadd.s32 $0xFFFFF830  }
0x196: {  	s26 =	sadd.s32 @!p0 s6, s26;
	v3 =	vadd.s32 s23, v2;
	s23 =	simm.s32 $0x0;
	_ =	swait.ge [sflag:s1], $0x7D0  }
0x197: {  	s26 =	sshrl.u32 @!p0 s26, $0x3;
	v4 =	vadd.s32 s23, v3;
	s23 =	simm.s32 $0x2;
	[sflag:s1] =	ssyncset.done $0x0  }
0x198: {  	[sflag:s1] =	ssyncadd.s32 $0xFFFFF830;
	s1 =	sadd.s32 @!p0 $0x1, s28;
	s28 =	smul.u32 @!p0 $0x7D0, s28  }
0x199: {  	s8 =	sadd.s32 @!p0 s0, s26;
	v6 =	vadd.s32 s23, v3;
	s23 =	sadd.s32 @!p0 s2, s26;
	s26 =	simm.s32 $0x1  }
0x19a: {  	[tilespmem:s28], [sflag:s1] =	stream.linear.gather @!p0 [hbm4b:s8+s9], $0x7D0, $0x38;
	[tilespmem:$0x1DF80] =	vst v63  }
0x19b: {  	v5 =	vadd.s32 s26, v3;
	s8 =	sadd.s32 @!p0 $0x1780, s28  }
0x19c: {  	[tilespmem:s8], [sflag:s1] =	stream.linear.gather @!p0 [hbm4b:s23+s9], $0x7D0, $0x38;
	[tilespmem:$0x1DF80] =	vst v63  }
0x19d: {  	s23 =	simm.s32 $0x3;
	v7 =	vld.idx.msk [tilespmem:v4+s20+$0x0], $0xffff  }
0x19e: {  	s26 =	simm.s32 $0x4;
	v8 =	vadd.s32 s23, v3;
	v12 =	vld.idx.msk [tilespmem:v6+s5+$0x0], $0xffff  }
0x19f: {  	v9 =	vadd.s32 s26, v3;
	v10 =	vld.idx.msk [tilespmem:v4+s5+$0x0], $0xffff  }
0x1a0: {  	v11 =	vld.idx.msk [tilespmem:v5+s5+$0x0], $0xffff  }
0x1a1: {  	v13 =	vld.idx.msk [tilespmem:v5+s20+$0x0], $0xffff  }
0x1a2: {  	v6 =	vld.idx.msk [tilespmem:v6+s20+$0x0], $0xffff  }
0x1a3: {  	v5 =	vld.idx.msk [tilespmem:v8+s5+$0x0], $0xffff  }
0x1a4: {  	v14 =	vimm.s32 $0x190FF;
	v15 =	vimm.f32 $0.0e+00;
	v4 =	vld.idx.msk [tilespmem:v9+s5+$0x0], $0xffff  }
0x1a5: {  	vm1 =	vne.s32 v10, v14;
	v7 =	vadd.f32 v7, v15  }
0x1a6: {  	v8 =	vld.idx.msk [tilespmem:v8+s20+$0x0], $0xffff;
	vm2 =	vne.s32 v11, v10  }
0x1a7: {  	vm3 =	vne.s32 v12, v11;
	v13 =	vadd.f32 v13, v7  }
0x1a8: {  	v16 =	vsel vm1, v15, v15;
	v15 =	vsub.f32 v15, v15;
	vm4 =	vne.s32 v5, v12  }
0x1a9: {  	v17 =	vld.idx.msk [tilespmem:v9+s20+$0x0], $0xffff;
	v9 =	vsel vm2, v7, v16;
	v6 =	vadd.f32 v6, v13;
	vm0 =	vne.s32 v4, v5  }
0x1aa: {  	s23 =	simm.s32 $0x5;
	v7 =	vsub.f32 v7, v16;
	v62 =	vsel vm3, v13, v9  }
0x1ab: {  	s8 =	simm.s32 $0x9;
	v13 =	vsub.f32 v13, v9;
	v9 =	vadd.s32 s23, v3;
	[tilespmem:v14+s29+$0x0] =	vst.idx.add.f32.msk vm1, v15;
	v8 =	vadd.f32 v8, v6  }
0x1ac: {  	s9 =	simm.s32 $0x7;
	v63 =	vsub.f32 v6, v62;
	[tilespmem:v10+s29+$0x0] =	vst.idx.add.f32.msk vm2, v7;
	v7 =	vsel vm4, v6, v62;
	v6 =	vadd.s32 s8, v3  }
0x1ad: {  	v10 =	vadd.s32 s9, v3;
	[tilespmem:v11+s29+$0x0] =	vst.idx.add.f32.msk vm3, v13;
	v11 =	vsub.f32 v8, v7  }
0x1ae: {  	s26 =	simm.s32 $0xA;
	s28 =	simm.s32 $0x6;
	v7 =	vsel vm0, v8, v7;
	v8 =	vadd.f32 v17, v8;
	[tilespmem:v12+s29+$0x0] =	vst.idx.add.f32.msk vm4, v63  }
.LBB2_7:
0x1af: {  	p0 =	sne.s32 s26, $0x78;
	v12 =	vadd.s32 s28, v3;
	[tilespmem:v5+s29+$0x0] =	vst.idx.add.f32.msk vm0, v11;
	s1 =	smov.u32 s26;
	s26 =	sadd.s32 $0x5, s26  }
0x1b0: {  	s8 =	sadd.s32 $0x3, s23;
	v11 =	vld.idx.msk [tilespmem:v9+s20+$0x0], $0xffff;
	s23 =	smov.u32 s1  }
0x1b1: {  	v13 =	vadd.s32 s8, v3;
	v14 =	vld.idx.msk [tilespmem:v6+s5+$0x0], $0xffff  }
0x1b2: {  	v15 =	vld.idx.msk [tilespmem:v10+s5+$0x0], $0xffff  }
0x1b3: {  	v16 =	vld.idx.msk [tilespmem:v9+s5+$0x0], $0xffff  }
0x1b4: {  	v17 =	vld.idx.msk [tilespmem:v12+s5+$0x0], $0xffff  }
0x1b5: {  	v9 =	vld.idx.msk [tilespmem:v12+s20+$0x0], $0xffff  }
0x1b6: {  	v5 =	vld.idx.msk [tilespmem:v13+s5+$0x0], $0xffff  }
0x1b7: {  	v10 =	vld.idx.msk [tilespmem:v10+s20+$0x0], $0xffff;
	_ =	sdelay $0x1  }
0x1b8: {  	v11 =	vadd.f32 v11, v8;
	vm1 =	vne.s32 v16, v4;
	v12 =	vld.idx.msk [tilespmem:v13+s20+$0x0], $0xffff  }
0x1b9: {  	v13 =	vsel vm1, v8, v7;
	vm2 =	vne.s32 v17, v16  }
0x1ba: {  	vm3 =	vne.s32 v15, v17;
	v18 =	vsub.f32 v11, v13;
	v19 =	vadd.f32 v9, v11  }
0x1bb: {  	vm4 =	vne.s32 v5, v15;
	v20 =	vld.idx.msk [tilespmem:v6+s20+$0x0], $0xffff;
	v6 =	vsel vm2, v11, v13  }
0x1bc: {  	v7 =	vsub.f32 v8, v7;
	vm0 =	vne.s32 v14, v5;
	v8 =	vadd.f32 v10, v19  }
.Ltmp3:
0x1bd: {  	v10 =	vsel vm3, v19, v6;
	(pc) =	sbr.rel @p0 .LBB2_7-.Ltmp3, $4  }
0x1be: {  	s1 =	sadd.s32 $0x4, s23;
	v9 =	vadd.s32 s23, v3;
	v19 =	vsub.f32 v19, v6;
	v12 =	vadd.f32 v12, v8;
	[tilespmem:v4+s29+$0x0] =	vst.idx.add.f32.msk vm1, v7  }
0x1bf: {  	s8 =	sadd.s32 $0x2, s23;
	v6 =	vadd.s32 s1, v3;
	v13 =	vsub.f32 v8, v10;
	v7 =	vsel vm4, v8, v10;
	[tilespmem:v16+s29+$0x0] =	vst.idx.add.f32.msk vm2, v18  }
0x1c0: {  	v10 =	vadd.s32 s8, v3;
	v11 =	vsub.f32 v12, v7;
	v7 =	vsel vm0, v12, v7;
	[tilespmem:v17+s29+$0x0] =	vst.idx.add.f32.msk vm3, v19  }
0x1c1: {  	s28 =	sadd.s32 $0x1, s23;
	v4 =	vmov v14;
	v8 =	vadd.f32 v20, v12;
	[tilespmem:v15+s29+$0x0] =	vst.idx.add.f32.msk vm4, v13  }
0x1c2: {  	_ =	sdelay $0x3  }
0x1c3: {  	v12 =	vadd.s32 s28, v3  }
0x1c4: {  	[tilespmem:v5+s29+$0x0] =	vst.idx.add.f32.msk vm0, v11  }
0x1c5: {  	s1 =	sadd.s32 $0x3, s23;
	v5 =	vld.idx.msk [tilespmem:v9+s20+$0x0], $0xffff  }
0x1c6: {  	v3 =	vadd.s32 s1, v3;
	v11 =	vld.idx.msk [tilespmem:v10+s5+$0x0], $0xffff  }
0x1c7: {  	v55 =	vld.idx.msk [tilespmem:v9+s5+$0x0], $0xffff  }
0x1c8: {  	v13 =	vld.idx.msk [tilespmem:v12+s5+$0x0], $0xffff  }
0x1c9: {  	v12 =	vld.idx.msk [tilespmem:v12+s20+$0x0], $0xffff  }
0x1ca: {  	v56 =	vld.idx.msk [tilespmem:v10+s20+$0x0], $0xffff  }
0x1cb: {  	v14 =	vld.idx.msk [tilespmem:v3+s5+$0x0], $0xffff  }
0x1cc: {  	v15 =	vld.idx.msk [tilespmem:v6+s5+$0x0], $0xffff;
	v5 =	vadd.f32 v5, v8  }
0x1cd: {  	vm0 =	vne.s32 v55, v4;
	v3 =	vld.idx.msk [tilespmem:v3+s20+$0x0], $0xffff  }
0x1ce: {  	vm1 =	vne.s32 v13, v55;
	v12 =	vadd.f32 v12, v5  }
0x1cf: {  	v57 =	vld.idx.msk [tilespmem:v6+s20+$0x0], $0xffff;
	vm2 =	vne.s32 v11, v13  }
0x1d0: {  	v16 =	vsel vm0, v8, v7;
	vm3 =	vne.s32 v14, v11;
	v59 =	vadd.f32 v56, v12  }
0x1d1: {  	v58 =	vsub.f32 v8, v7;
	vm4 =	vne.s32 v15, v14;
	v61 =	vsel vm1, v5, v16  }
0x1d2: {  	v60 =	vsub.f32 v5, v16;
	v5 =	vsel vm2, v12, v61;
	v3 =	vadd.f32 v3, v59  }
0x1d3: {  	[tilespmem:v4+s29+$0x0] =	vst.idx.add.f32.msk vm0, v58;
	v4 =	vsub.f32 v12, v61;
	vm0 =	vcmask $0x704;
	v62 =	vsub.f32 v59, v5  }
0x1d4: {  	v5 =	vsel vm3, v59, v5;
	[tilespmem:v55+s29+$0x0] =	vst.idx.add.f32.msk vm1, v60;
	v6 =	vadd.f32 v57, v3  }
0x1d5: {  	v63 =	vsub.f32 v3, v5;
	v3 =	vsel vm4, v3, v5;
	[tilespmem:v13+s29+$0x0] =	vst.idx.add.f32.msk vm2, v4  }
0x1d6: {  	[tilespmem:v11+s29+$0x0] =	vst.idx.add.f32.msk vm3, v62;
	v3 =	vsub.f32 v6, v3  }
0x1d7: {  	[tilespmem:v14+s29+$0x0] =	vst.idx.add.f32.msk vm4, v63  }
0x1d8: {  	[tilespmem:v15+s29+$0x0] =	vst.idx.add.f32.msk $0x1, v3  }
0x1d9: {  	[tilespmem:v15+s29+$0x0] =	vst.idx.add.f32.msk vm0, v3;
	vm0 =	vcmask $0xB08;
	_ =	sdelay $0x5  }
0x1da: {  	[tilespmem:v15+s29+$0x0] =	vst.idx.add.f32.msk vm0, v3;
	vm0 =	vcmask $0xF0C;
	_ =	sdelay $0x5  }
0x1db: {  	[tilespmem:v15+s29+$0x0] =	vst.idx.add.f32.msk vm0, v3;
	vm0 =	vcmask $0x1310;
	_ =	sdelay $0x5  }
0x1dc: {  	[tilespmem:v15+s29+$0x0] =	vst.idx.add.f32.msk vm0, v3;
	vm0 =	vcmask $0x1714;
	_ =	sdelay $0x5  }
0x1dd: {  	[tilespmem:v15+s29+$0x0] =	vst.idx.add.f32.msk vm0, v3  }
0x1de: {  	[tilespmem:v15+s29+$0x0] =	vst.idx.add.f32.msk vm5, v3  }
0x1df: {  	[tilespmem:v15+s29+$0x0] =	vst.idx.add.f32.msk vm6, v3  }
0x1e0: {  	[tilespmem:v15+s29+$0x0] =	vst.idx.add.f32.msk vm7, v3  }
0x1e1: {  	s22 =	sadd.s32 $0x1, s22;
	[tilespmem:v15+s29+$0x0] =	vst.idx.add.f32.msk vm8, v3  }
0x1e2: {  	p0 =	sne.s32 s22, $0x64;
	[tilespmem:v15+s29+$0x0] =	vst.idx.add.f32.msk vm9, v3  }
.Ltmp4:
0x1e3: {  	[tilespmem:v15+s29+$0x0] =	vst.idx.add.f32.msk vm10, v3;
	(pc) =	sbr.rel @p0 .LBB2_6-.Ltmp4, $4  }
0x1e4: {  	[tilespmem:v15+s29+$0x0] =	vst.idx.add.f32.msk vm11, v3  }
0x1e5: {  	[tilespmem:v15+s29+$0x0] =	vst.idx.add.f32.msk vm12, v3  }
0x1e6: {  	[tilespmem:v15+s29+$0x0] =	vst.idx.add.f32.msk vm13, v3  }
0x1e7: {  	[tilespmem:v15+s29+$0x0] =	vst.idx.add.f32.msk vm14, v3  }
0x1e8: {  	v3 =	vadd.s32 s31, v0;
	p0 =	sne.s32 s21, $0x1  }
.Ltmp5:
0x1e9: {  	_ = 	snop;
	(pc) =	sbr.rel @!p0 .LBB2_11-.Ltmp5, $3  }
0x1ea: {  	_ =	sdelay $0x1  }
0x1eb: {  	s21 =	sadd.s32 $0xFFFFFFFF, s21;
	s22 =	sadd.s32 $0x10, s31  }
0x1ec: {  	[spmem:s4] =	stream.indirect_vreg.scatter.add.f32 [tilespmem:s3], [sflag:$0x4], $0x80, v3, vm15, $0xb8;
	[tilespmem:$0x1DF80] =	vst v63  }
.LBB2_10:
0x1ed: {  	v3 =	vadd.s32 s22, v0;
	p0 =	sne.s32 s21, $0x1  }
.Ltmp6:
0x1ee: {  	(pc) =	sbr.rel @p0 .LBB2_10-.Ltmp6, $4  }
0x1ef: {  	_ =	swait.ge [sflag:s24], $0x800  }
0x1f0: {  	s21 =	sadd.s32 $0xFFFFFFFF, s21;
	[sflag:s24] =	ssyncset.done $0x0  }
0x1f1: {  	s22 =	sadd.s32 $0x10, s22;
	s3 =	sadd.s32 $0x800, s3;
	[sflag:s24] =	ssyncadd.s32 $0xFFFFF800  }
0x1f2: {  	[spmem:s4] =	stream.indirect_vreg.scatter.add.f32 [tilespmem:s3], [sflag:$0x4], $0x80, v3, vm15, $0xb8;
	[tilespmem:$0x1DF80] =	vst v63  }
.LBB2_11:
0x1f3: {  	_ =	swait.ge [sflag:s24], $0x800;
	s1 =	stileid.u32  }
0x1f4: {  	s3 =	sshrl.u32 s12, $0x3;
	s30 =	sadd.s32 $0x1, s30;
	[sflag:s24] =	ssyncset.done $0x0  }
0x1f5: {  	s1 =	sshll.u32 s1, $0x6;
	p0 =	sne.s32 s30, s19;
	[sflag:s24] =	ssyncadd.s32 $0xFFFFF800  }
.Ltmp7:
0x1f6: {  	s1 =	sor.u32 $0x1C04, s1;
	[bflag:$0x0] =	sbarrier.arrive $0xFFFF;
	(pc) =	sbr.rel @p0 .LBB2_1-.Ltmp7, $4  }
0x1f7: {  	[hbm:s18], [sflag:s1] =	dma.local [spmem:s3], $0x380  }
0x1f8: {  	_ =	swait.ge [sflag:s24], $0x380  }
0x1f9: {  	[sflag:s24] =	ssyncset.done $0x0  }
0x1fa: {  	[sflag:s24] =	ssyncadd.s32 $0xFFFFFC80  }
0x1fb: {  	_ =	sfence.sel $0x180000  }
0x1fc: {  	[bflag:$0x0] =	sbarrier.arrive $0xFFFF  }
0x1fd: {  	_ =	strace $0x90000047  }
0x1fe: {  	s0 =	stileid.u32;
	[bflag:$0x2] =	sbarrier.arrive $0xFFFF  }
0x1ff: {  	p0 =	sne.s32 s0, $0x0;
	s0 =	rddreg [dreg:$0x4]  }
0x200: {  	s0 =	sadd.s32 @!p0 $0x100000, s0  }
0x201: {  	[sflag:s0] =	ssyncadd.tile.s32 @!p0 $0x1;
	_ =	shalt  }
.Lfunc_end2:
_tile_overlayer_lowered:
.L_overlay_start_2:
0x202: {  	(tag) =	ssettag $0x2  }
0x203: {  	s0 =	rddreg [dreg:$0x0];
	s2 =	stileid.u32  }
0x204: {  	s1 =	rddreg [dreg:$0x1];
	p0 =	sne.s32 s2, $0x0  }
0x205: {  	s3 =	rddreg [dreg:$0x2];
	[bflag:$0x3] =	sbarrier.arrive $0xFFFF;
	s2 =	simm.s32 @!p0 $0x1C04  }
0x206: {  	[timem:s3], [sflag:s2] =	dma.local @!p0 [hbm:s0], s1  }
0x207: {  	s0 =	simm.s32 @!p0 $0x4  }
0x208: {  	_ =	swait.ge @!p0 [sflag:s0], s1  }
0x209: {  	s1 =	ssub.s32 @!p0 $0x0, s1;
	[sflag:s0] =	ssyncset.done @!p0 $0x0  }
0x20a: {  	[sflag:s0] =	ssyncadd.s32 @!p0 s1  }
0x20b: {  	[bflag:$0x3] =	sbarrier.arrive $0xFFFF  }
0x20c: {  	_ =	shalt  }

</sc_bundles>
